<compile_context>
chip_gen: v7x
topology: tpu7x:2x2x1
jax: 0.10.2.dev20260603
libtpu: 0.0.44.dev20260713+nightly
codegen_flags: <defaults>
</compile_context>

<pallas_src>
import functools

import jax
import jax.numpy as jnp
from jax import lax
from jax.experimental import pallas as pl
from jax.experimental.pallas import tpu as pltpu
from jax.experimental.pallas import tpu_sc as plsc

_B, _N, _S = 8, 4096, 512
_KS = (16, 32, 64)
_MLPS = ((32, 32, 64), (64, 64, 128), (64, 96, 128))
_TBL_C = 16
_BLK = 2048
_GPB = _BLK // 64
_NBLK = (_B * _S * 64) // _BLK
_NW = 32
_MASKED = 1.0e30

_pallas_call = pl.pallas_call



def _fps_body(xf_ref, out_ref):
    iota_n = lax.broadcasted_iota(jnp.int32, (_B, _N), 1)
    iota_s = lax.broadcasted_iota(jnp.int32, (_B, _S), 1)
    x0, x1, x2 = xf_ref[0], xf_ref[1], xf_ref[2]
    out_ref[...] = jnp.zeros((6, _B, _S), jnp.float32)

    def step(i, carry):
        dist, far = carry
        oh = iota_n == far
        cs = [jnp.sum(jnp.where(oh, xf_ref[j], 0.0), axis=1, keepdims=True)
              for j in range(6)]
        sel = iota_s == i
        for j in range(6):
            out_ref[j] = jnp.where(sel, cs[j], out_ref[j])
        d = (x0 - cs[0]) ** 2 + (x1 - cs[1]) ** 2 + (x2 - cs[2]) ** 2
        dist = jnp.minimum(dist, d)
        m = jnp.max(dist, axis=1, keepdims=True)
        far = jnp.min(jnp.where(dist == m, iota_n, _N), axis=1, keepdims=True)
        return dist, far

    lax.fori_loop(0, _S, step,
                  (jnp.full((_B, _N), 1e10, jnp.float32),
                   jnp.zeros((_B, 1), jnp.int32)))


def _run_fps(xf6):
    return _pallas_call(
        _fps_body,
        out_shape=jax.ShapeDtypeStruct((6, _B, _S), jnp.float32),
    )(xf6)



def _select_body(p_ref, c_ref, pn_ref, cn_ref, idx_ref, d_scr):
    b = pl.program_id(0)
    p = p_ref[0]
    c = c_ref[0]
    pn = pn_ref[0]
    cn = cn_ref[0]
    dn = (((1,), (1,)), ((), ()))
    m1 = lax.dot_general(c[:, 3:6].astype(jnp.bfloat16),
                         p[:, 3:6].astype(jnp.bfloat16), dn,
                         preferred_element_type=jnp.float32)
    sq1 = (-2.0 * m1 + cn[:, 1:2]) + pn[1:2]
    m2 = lax.dot_general(c[:, 0:3].astype(jnp.bfloat16),
                         p[:, 0:3].astype(jnp.bfloat16), dn,
                         preferred_element_type=jnp.float32)
    sq2 = (-2.0 * m2 + cn[:, 0:1]) + pn[0:1]
    d_scr[...] = sq1 + sq2
    iota_n = lax.broadcasted_iota(jnp.int32, (_S, _N), 1)
    iota_k = lax.broadcasted_iota(jnp.int32, (_S, 64), 1)

    def step(k, idxacc):
        d = d_scr[...]
        m = jnp.min(d, axis=1, keepdims=True)
        idx = jnp.min(jnp.where(d == m, iota_n, _N), axis=1, keepdims=True)
        d_scr[...] = jnp.where(iota_n == idx, _MASKED, d)
        return jnp.where(iota_k == k, idx, idxacc)

    idxacc = lax.fori_loop(0, 64, step, jnp.zeros((_S, 64), jnp.int32))
    idx_ref[0] = idxacc + b * _N


def _run_select(p8, c8, pn2, cn2):
    return _pallas_call(
        _select_body,
        grid=(_B,),
        in_specs=[
            pl.BlockSpec((1, _N, 8), lambda b: (b, 0, 0)),
            pl.BlockSpec((1, _S, 8), lambda b: (b, 0, 0)),
            pl.BlockSpec((1, 2, _N), lambda b: (b, 0, 0)),
            pl.BlockSpec((1, _S, 2), lambda b: (b, 0, 0)),
        ],
        out_specs=pl.BlockSpec((1, _S, 64), lambda b: (b, 0, 0)),
        out_shape=jax.ShapeDtypeStruct((_B, _S, 64), jnp.int32),
        scratch_shapes=[pltpu.VMEM((_S, _N), jnp.float32)],
    )(p8, c8, pn2, cn2)



def _gather_rows(table, idx):
    n = idx.shape[0]
    per_w = n // _NW
    ch = 2048
    steps = per_w // ch
    mesh = plsc.VectorSubcoreMesh(core_axis_name="c", subcore_axis_name="s")

    @functools.partial(
        pl.kernel, mesh=mesh,
        compiler_params=pltpu.CompilerParams(use_tc_tiling_on_sc=False),
        out_type=jax.ShapeDtypeStruct((n, _TBL_C), jnp.float32),
        scratch_types=[
            pltpu.VMEM((ch,), jnp.int32),
            pltpu.VMEM((ch, _TBL_C), jnp.float32),
            pltpu.SemaphoreType.DMA,
        ],
    )
    def gk(table_hbm, idx_hbm, out_hbm, idx_v, rows_v, sem):
        wid = lax.axis_index("s") * 2 + lax.axis_index("c")
        base = wid * per_w

        def body(t, carry):
            off = base + t * ch
            pltpu.sync_copy(idx_hbm.at[pl.ds(off, ch)], idx_v)
            pltpu.async_copy(table_hbm.at[idx_v], rows_v, sem).wait()
            pltpu.sync_copy(rows_v, out_hbm.at[pl.ds(off, ch)])
            return carry

        lax.fori_loop(0, steps, body, 0)

    return gk(table, idx)



def _norm_relu(y, st, gb, r):
    mu = st[0:1] * (1.0 / r)
    var = st[1:2] * (1.0 / r) - mu * mu
    scale = lax.rsqrt(var + 1e-5) * gb[0:1]
    return jnp.maximum((y - mu) * scale + gb[1:2], 0.0)


def _ph_body(level, g_ref, c_ref, *refs):
    j = pl.program_id(0)
    nb = {1: 2, 2: 5, 3: 8, 4: 10}[level]
    bins = [refs[bi * nb:(bi + 1) * nb] for bi in range(3)]
    bouts = refs[3 * nb:]

    x = g_ref[...]
    c4 = c_ref[...]
    k_iota = lax.broadcasted_iota(jnp.int32, (_BLK, 1), 0) % 64

    for bi in range(3):
        K = _KS[bi]
        oc3 = _MLPS[bi][2]
        it = iter(bins[bi])
        w1, wx = next(it), next(it)
        r = float(_B * _S * K)
        mask = k_iota < K
        y = jnp.dot(x, w1[...], preferred_element_type=jnp.float32)
        ct = jnp.dot(c4, wx[...], preferred_element_type=jnp.float32)
        y = (y.reshape(_GPB, 64, -1) - ct[:, None, :]).reshape(_BLK, -1)
        for lv in range(2, level + 1):
            st = next(it)
            if lv == 4:
                gb = next(it)
                xn = _norm_relu(y, st[...], gb[...], r)
                xm = jnp.where(mask, xn, -_MASKED)
                bouts[bi][...] = jnp.max(xm.reshape(_GPB, 64, oc3), axis=1)
            else:
                w, gbl = next(it), next(it)
                xn = _norm_relu(y, st[...], gbl[...], r)
                y = jnp.dot(xn, w[...], preferred_element_type=jnp.float32)
        if level < 4:
            @pl.when(j == 0)
            def _(st=bouts[bi]):
                st[...] = jnp.zeros_like(st)
            ym = jnp.where(mask, y, 0.0)
            bouts[bi][0:1] += jnp.sum(ym, axis=0, keepdims=True)
            bouts[bi][1:2] += jnp.sum(ym * y, axis=0, keepdims=True)


def _run_mlp(G, cpad, wb):
    full = lambda arr: pl.BlockSpec(arr.shape, lambda j: (0,) * arr.ndim)
    base_specs = [
        pl.BlockSpec((_BLK, _TBL_C), lambda j: (j, 0)),
        pl.BlockSpec((_GPB, 4), lambda j: (j, 0)),
    ]
    sts = [[], [], []]
    for level in (1, 2, 3, 4):
        args, specs = [], []
        for bi in range(3):
            b = wb[bi]
            seq = [b["w1"], b["wx"]]
            for lv in range(2, level + 1):
                if lv == 4:
                    seq += [sts[bi][2], b["gb2"]]
                else:
                    seq += [sts[bi][lv - 2], b["w%dt" % lv], b["gb%d" % (lv - 2)]]
            args += seq
            specs += [full(a) for a in seq]
        if level < 4:
            oc = [_MLPS[bi][level - 1] for bi in range(3)]
            out_specs = [pl.BlockSpec((8, c), lambda j: (0, 0)) for c in oc]
            out_shape = [jax.ShapeDtypeStruct((8, c), jnp.float32) for c in oc]
        else:
            out_specs = [pl.BlockSpec((_GPB, m[2]), lambda j: (j, 0))
                         for m in _MLPS]
            out_shape = [jax.ShapeDtypeStruct((_B * _S, m[2]), jnp.float32)
                         for m in _MLPS]
        res = _pallas_call(
            functools.partial(_ph_body, level),
            grid=(_NBLK,),
            in_specs=base_specs + specs,
            out_specs=out_specs,
            out_shape=out_shape,
        )(G, cpad, *args)
        if level < 4:
            for bi in range(3):
                sts[bi].append(res[bi])
        else:
            return res



def kernel(xyz, feature, points, params):
    xyz_t = jnp.transpose(xyz, (0, 2, 1))
    pts_t = jnp.transpose(points, (0, 2, 1))
    feat_t = jnp.transpose(feature, (0, 2, 1))

    xf6 = jnp.transpose(jnp.concatenate([xyz, feat_t], axis=1), (1, 0, 2))
    c6 = _run_fps(xf6)

    new_xyz_out = jnp.transpose(c6[0:3], (1, 0, 2))
    new_bin_map = jnp.transpose(c6[3:6], (1, 2, 0))

    p8 = jnp.concatenate(
        [xyz_t, feature, jnp.zeros((_B, _N, 2), jnp.float32)], axis=2)
    c8 = jnp.concatenate(
        [jnp.transpose(c6, (1, 2, 0)), jnp.zeros((_B, _S, 2), jnp.float32)],
        axis=2)
    pn2 = jnp.stack([jnp.sum(xyz_t ** 2, -1),
                     jnp.sum(feature ** 2, -1)], axis=1)
    c_bsj = jnp.transpose(c6, (1, 2, 0))
    cn2 = jnp.stack([jnp.sum(c_bsj[:, :, 0:3] ** 2, -1),
                     jnp.sum(c_bsj[:, :, 3:6] ** 2, -1)], axis=2)
    idx = _run_select(p8, c8, pn2, cn2)

    table = jnp.concatenate(
        [pts_t, xyz_t, jnp.zeros((_B, _N, _TBL_C - 9), jnp.float32)],
        axis=2).reshape(_B * _N, _TBL_C)
    G = _gather_rows(table, idx.reshape(-1))

    cxyz = jnp.transpose(c6[0:3], (1, 2, 0)).reshape(_B * _S, 3)
    cpad = jnp.concatenate(
        [cxyz, jnp.zeros((_B * _S, 1), jnp.float32)], axis=1)

    wb = []
    for i, mlp in enumerate(_MLPS):
        W0 = params[f"W_{i}_0"]
        wb.append({
            "w1": jnp.zeros((_TBL_C, mlp[0]), jnp.float32).at[0:9].set(W0.T),
            "wx": jnp.zeros((4, mlp[0]), jnp.float32).at[0:3].set(
                W0[:, 6:9].T),
            "w2t": params[f"W_{i}_1"].T,
            "w3t": params[f"W_{i}_2"].T,
            "gb0": jnp.stack([params[f"gamma_{i}_0"], params[f"beta_{i}_0"]]),
            "gb1": jnp.stack([params[f"gamma_{i}_1"], params[f"beta_{i}_1"]]),
            "gb2": jnp.stack([params[f"gamma_{i}_2"], params[f"beta_{i}_2"]]),
        })
    o0, o1, o2 = _run_mlp(G, cpad, wb)

    new_points = jnp.concatenate(
        [jnp.transpose(o.reshape(_B, _S, o.shape[1]), (0, 2, 1))
         for o in (o0, o1, o2)], axis=1)
    return (new_xyz_out, new_points, new_bin_map)

# --- scband reference (transcript-rebuilt; emitter-appended) ---
"""Pipeline reference for scband-point-net-set-abstraction-msg-75969381532366 (READ-ONLY COPY).

The authoritative reference and input builder live on the scoring server;
editing this copy changes nothing except your own understanding.
"""

import jax, jax.numpy as jnp
import numpy as np

NPOINT = 512
NSAMPLE_LIST = [16, 32, 64]
MLP_LIST = [[32, 32, 64], [64, 64, 128], [64, 96, 128]]
IN_CHANNEL = 6
B, N, CF = 8, 4096, 3


def index_points(points, idx):
    # points: [B, N, C], idx: [B, S] or [B, S, K] -> gathered points
    return jax.vmap(lambda p, i: p[i])(points, idx)


def square_distance(src, dst):
    dist = -2.0 * jnp.matmul(src, jnp.transpose(dst, (0, 2, 1)))
    dist = dist + jnp.sum(src ** 2, -1)[:, :, None]
    dist = dist + jnp.sum(dst ** 2, -1)[:, None, :]
    return dist


def farthest_point_sample(xyz, npoint):
    # deterministic start index (original torch uses randint); indices are int -> no grad flow
    xyz = jax.lax.stop_gradient(xyz)
    Bb, Nn, C = xyz.shape

    def body(i, st):
        cent, dist, far = st
        cent = cent.at[:, i].set(far)
        c = xyz[jnp.arange(Bb), far, :].reshape(Bb, 1, C)
        d = jnp.sum((xyz - c) ** 2, -1)
        dist = jnp.minimum(dist, d)
        far = jnp.argmax(dist, -1).astype(jnp.int32)
        return (cent, dist, far)

    cent = jnp.zeros((Bb, npoint), jnp.int32)
    dist = jnp.full((Bb, Nn), 1e10, xyz.dtype)
    far = jnp.zeros((Bb,), jnp.int32)
    cent, _, _ = jax.lax.fori_loop(0, npoint, body, (cent, dist, far))
    return cent


def view_grouping(nsample, bin_map, xyz, new_idx):
    new_bin_map = index_points(bin_map, new_idx)
    sq1 = square_distance(new_bin_map, bin_map)
    new_xyz = index_points(xyz, new_idx)
    sq2 = square_distance(new_xyz, xyz)
    group_idx = jnp.argsort(sq1 + sq2, axis=-1)[:, :, :nsample]
    return group_idx, new_xyz, new_bin_map


def setup_inputs(seed: int = 0) -> dict:
    key = jax.random.key(seed)
    ks = jax.random.split(key, 4)
    xyz = jax.random.normal(ks[0], (B, 3, N), jnp.float32)
    feature = jax.random.normal(ks[1], (B, N, CF), jnp.float32)
    points = jax.random.normal(ks[2], (B, IN_CHANNEL, N), jnp.float32)
    params = {}
    pk = ks[3]
    for i, mlp in enumerate(MLP_LIST):
        last = IN_CHANNEL + 3
        for j, oc in enumerate(mlp):
            pk, k1, k2 = jax.random.split(pk, 3)
            params[f"W_{i}_{j}"] = jax.random.normal(k1, (oc, last), jnp.float32) * (1.0 / np.sqrt(last))
            params[f"b_{i}_{j}"] = jnp.zeros((oc,), jnp.float32)
            params[f"gamma_{i}_{j}"] = jnp.ones((oc,), jnp.float32)
            params[f"beta_{i}_{j}"] = jnp.zeros((oc,), jnp.float32)
            last = oc
    return {"xyz": xyz, "feature": feature, "points": points, "params": params}


def reference(xyz, feature, points, params):
    xyz_t = jnp.transpose(xyz, (0, 2, 1))      # [B, N, 3]
    pts_t = jnp.transpose(points, (0, 2, 1))   # [B, N, D]
    S = NPOINT
    new_xyz = index_points(xyz_t, farthest_point_sample(xyz_t, S))  # [B, S, 3]
    new_points_list = []
    new_bin_map = None
    for i in range(len(NSAMPLE_LIST)):
        K = NSAMPLE_LIST[i]
        fps_i = farthest_point_sample(xyz_t, S)
        group_idx, _gx, new_bin_map = view_grouping(K, feature, xyz_t, fps_i)
        grouped_xyz = index_points(xyz_t, group_idx) - new_xyz[:, :, None, :]
        grouped_points = jnp.concatenate([index_points(pts_t, group_idx), grouped_xyz], -1)
        x = jnp.transpose(grouped_points, (0, 3, 2, 1))  # [B, C, K, S]
        for j in range(len(MLP_LIST[i])):
            W = params[f"W_{i}_{j}"]; b = params[f"b_{i}_{j}"]
            g = params[f"gamma_{i}_{j}"]; bt = params[f"beta_{i}_{j}"]
            x = jnp.einsum('bckq,oc->bokq', x, W) + b[None, :, None, None]
            mu = jnp.mean(x, axis=(0, 2, 3), keepdims=True)
            var = jnp.var(x, axis=(0, 2, 3), keepdims=True)
            x = (x - mu) / jnp.sqrt(var + 1e-5) * g[None, :, None, None] + bt[None, :, None, None]
            x = jax.nn.relu(x)
        new_points_list.append(jnp.max(x, axis=2))
    return (jnp.transpose(new_xyz, (0, 2, 1)), jnp.concatenate(new_points_list, 1), new_bin_map)

if __name__ == "__main__":
    import jax
    _d = setup_inputs()
    print(jax.jit(kernel)(*tuple(_d.values())))

</pallas_src>

<mosaic_0001>
#map = affine_map<(d0, d1) -> (0, 0)>
#map1 = affine_map<(d0, d1) -> (0)>
module attributes {stable_mosaic.version = 14 : i64} {
  func.func @gk(%arg0: i32, %arg1: i32, %arg2: memref<32768x16xf32, #tpu.memory_space<hbm>>, %arg3: memref<262144xi32, #tpu.memory_space<hbm>>, %arg4: memref<262144x16xf32, #tpu.memory_space<hbm>>, %arg5: memref<2048xi32, #tpu.memory_space<vmem>>, %arg6: memref<2048x16xf32, #tpu.memory_space<vmem>>, %arg7: memref<!tpu.dma_semaphore, #tpu.memory_space<semaphore_mem>>) attributes {dimension_semantics = [#tpu.dimension_semantics<core_parallel>, #tpu.dimension_semantics<subcore_parallel>], iteration_bounds = array<i64: 2, 16>, scalar_prefetch = 0 : i64, scratch_operands = 3 : i64, tpu.core_type = #tpu.core_type<sc_vector_subcore>, window_params = [{transform_indices = #map}, {transform_indices = #map1}, {transform_indices = #map}]} {
    %mul3A = arith.constant 2 : i32
    %mul3A_0 = arith.muli %arg1, %mul3A : i32
    %add3A = arith.addi %mul3A_0, %arg0 : i32
    %mul3A_1 = arith.constant 8192 : i32
    %mul3A_2 = arith.muli %add3A, %mul3A_1 : i32
    %scan3A = arith.constant 0 : i32
    %scan3A_3 = arith.constant 0 : i32
    %scan3A_4 = arith.constant 4 : i32
    %scan3A_5 = arith.addi %scan3A_3, %scan3A_4 : i32
    %scan3A_6 = arith.constant 1 : i32
    scf.for %scan3A_8 = %scan3A_3 to %scan3A_5 step %scan3A_6  : i32 {
      %mul3A_9 = arith.constant 2048 : i32
      %mul3A_10 = arith.muli %scan3A_8, %mul3A_9 : i32
      %add3A_11 = arith.addi %mul3A_2, %mul3A_10 : i32
      "tpu.region"() ({
        %run_scoped3A = tpu.sem_alloc : memref<!tpu.dma_semaphore, #tpu.memory_space<semaphore_mem>>
        %dma_start3A_16 = tpu.memref_slice %arg3[%add3A_11] : memref<262144xi32, #tpu.memory_space<hbm>> -> memref<2048xi32, #tpu.memory_space<hbm>>
        %dma_start3A_17 = tpu.memref_slice %arg3[%add3A_11] : memref<262144xi32, #tpu.memory_space<hbm>> -> memref<2048xi32, #tpu.memory_space<hbm>>
        tpu.enqueue_dma source(%dma_start3A_17 : memref<2048xi32, #tpu.memory_space<hbm>>) target(%arg5 : memref<2048xi32, #tpu.memory_space<vmem>>) target_semaphore(%run_scoped3A : memref<!tpu.dma_semaphore, #tpu.memory_space<semaphore_mem>>)
        %dma_wait3A_18 = tpu.memref_slice %arg3[%add3A_11] : memref<262144xi32, #tpu.memory_space<hbm>> -> memref<2048xi32, #tpu.memory_space<hbm>>
        %dma_wait3A_19 = tpu.memref_slice %arg3[%add3A_11] : memref<262144xi32, #tpu.memory_space<hbm>> -> memref<2048xi32, #tpu.memory_space<hbm>>
        tpu.wait_dma2 semaphore(%run_scoped3A : memref<!tpu.dma_semaphore, #tpu.memory_space<semaphore_mem>>) src(%dma_wait3A_19 : memref<2048xi32, #tpu.memory_space<hbm>>) dst(%arg5 : memref<2048xi32, #tpu.memory_space<vmem>>)
        tpu.yield
      }) : () -> ()
      %dma_start3A = arith.constant 0 : i32
      %dma_start3A_12 = arith.constant 0 : i32
      %dma_start3A_13 = tpu.memref_slice %arg2[%dma_start3A, %dma_start3A_12] : memref<32768x16xf32, #tpu.memory_space<hbm>> -> memref<32768x16xf32, #tpu.memory_space<hbm>>
      tpu.enqueue_indirect_dma source(%dma_start3A_13 : memref<32768x16xf32, #tpu.memory_space<hbm>>) target(%arg6 : memref<2048x16xf32, #tpu.memory_space<vmem>>) offsets(%arg5 : memref<2048xi32, #tpu.memory_space<vmem>>) semaphore(%arg7 : memref<!tpu.dma_semaphore, #tpu.memory_space<semaphore_mem>>)
      %dma_wait3A = arith.constant 0 : i32
      %dma_wait3A_14 = arith.constant 0 : i32
      %dma_wait3A_15 = tpu.memref_slice %arg2[%dma_wait3A, %dma_wait3A_14] : memref<32768x16xf32, #tpu.memory_space<hbm>> -> memref<32768x16xf32, #tpu.memory_space<hbm>>
      tpu.wait_indirect_dma semaphore(%arg7 : memref<!tpu.dma_semaphore, #tpu.memory_space<semaphore_mem>>) src(%dma_wait3A_15 : memref<32768x16xf32, #tpu.memory_space<hbm>>) dst(%arg6 : memref<2048x16xf32, #tpu.memory_space<vmem>>)
      "tpu.region"() ({
        %run_scoped3A = tpu.sem_alloc : memref<!tpu.dma_semaphore, #tpu.memory_space<semaphore_mem>>
        %dma_start3A_16 = arith.constant 0 : i32
        %dma_start3A_17 = tpu.memref_slice %arg4[%add3A_11, %dma_start3A_16] : memref<262144x16xf32, #tpu.memory_space<hbm>> -> memref<2048x16xf32, #tpu.memory_space<hbm>>
        %dma_start3A_18 = arith.constant 0 : i32
        %dma_start3A_19 = tpu.memref_slice %arg4[%add3A_11, %dma_start3A_18] : memref<262144x16xf32, #tpu.memory_space<hbm>> -> memref<2048x16xf32, #tpu.memory_space<hbm>>
        tpu.enqueue_dma source(%arg6 : memref<2048x16xf32, #tpu.memory_space<vmem>>) target(%dma_start3A_19 : memref<2048x16xf32, #tpu.memory_space<hbm>>) target_semaphore(%run_scoped3A : memref<!tpu.dma_semaphore, #tpu.memory_space<semaphore_mem>>)
        %dma_wait3A_20 = arith.constant 0 : i32
        %dma_wait3A_21 = tpu.memref_slice %arg4[%add3A_11, %dma_wait3A_20] : memref<262144x16xf32, #tpu.memory_space<hbm>> -> memref<2048x16xf32, #tpu.memory_space<hbm>>
        %dma_wait3A_22 = arith.constant 0 : i32
        %dma_wait3A_23 = tpu.memref_slice %arg4[%add3A_11, %dma_wait3A_22] : memref<262144x16xf32, #tpu.memory_space<hbm>> -> memref<2048x16xf32, #tpu.memory_space<hbm>>
        tpu.wait_dma2 semaphore(%run_scoped3A : memref<!tpu.dma_semaphore, #tpu.memory_space<semaphore_mem>>) src(%arg6 : memref<2048x16xf32, #tpu.memory_space<vmem>>) dst(%dma_wait3A_23 : memref<2048x16xf32, #tpu.memory_space<hbm>>)
        tpu.yield
      }) : () -> ()
    }
    %scan3A_7 = arith.constant 4 : i32
    return
  }
}

module attributes {stable_mosaic.version = 14 : i64} {
  func.func @_fps_body(%arg0: memref<6x8x4096xf32, #tpu.memory_space<vmem>>, %arg1: memref<6x8x512xf32, #tpu.memory_space<vmem>>) attributes {dimension_semantics = [], scalar_prefetch = 0 : i64, scratch_operands = 0 : i64, tpu.core_type = #tpu.core_type<tc>} {
    %iota3A = tpu.iota {dimensions = array<i32: 1>} : vector<8x4096xi32>
    %iota3A_0 = tpu.iota {dimensions = array<i32: 1>} : vector<8x512xi32>
    %get3A = arith.constant 0 : index
    %get3A_1 = arith.constant 0 : index
    %get3A_2 = arith.constant 0 : index
    %get3A_3 = vector.load %arg0[%get3A, %get3A_1, %get3A_2] : memref<6x8x4096xf32, #tpu.memory_space<vmem>>, vector<1x8x4096xf32>
    %get3A_4 = vector.shape_cast %get3A_3 : vector<1x8x4096xf32> to vector<8x4096xf32>
    %get3A_5 = arith.constant 1 : index
    %get3A_6 = arith.constant 0 : index
    %get3A_7 = arith.constant 0 : index
    %get3A_8 = vector.load %arg0[%get3A_5, %get3A_6, %get3A_7] : memref<6x8x4096xf32, #tpu.memory_space<vmem>>, vector<1x8x4096xf32>
    %get3A_9 = vector.shape_cast %get3A_8 : vector<1x8x4096xf32> to vector<8x4096xf32>
    %get3A_10 = arith.constant 2 : index
    %get3A_11 = arith.constant 0 : index
    %get3A_12 = arith.constant 0 : index
    %get3A_13 = vector.load %arg0[%get3A_10, %get3A_11, %get3A_12] : memref<6x8x4096xf32, #tpu.memory_space<vmem>>, vector<1x8x4096xf32>
    %get3A_14 = vector.shape_cast %get3A_13 : vector<1x8x4096xf32> to vector<8x4096xf32>
    %broadcast_in_dim3A = arith.constant 0.000000e+00 : f32
    %broadcast_in_dim3A_15 = vector.broadcast %broadcast_in_dim3A : f32 to vector<6x8x512xf32>
    %swap3A = arith.constant 0 : index
    %swap3A_16 = arith.constant 0 : index
    %swap3A_17 = arith.constant 0 : index
    %swap3A_18 = vector.load %arg1[%swap3A, %swap3A_16, %swap3A_17] : memref<6x8x512xf32, #tpu.memory_space<vmem>>, vector<6x8x512xf32>
    tpu.vector_store %arg1[%swap3A, %swap3A_16, %swap3A_17], %broadcast_in_dim3A_15 {strides = array<i32>} : memref<6x8x512xf32, #tpu.memory_space<vmem>>, vector<6x8x512xf32>,
    %broadcast_in_dim3A_19 = arith.constant 1.000000e+10 : f32
    %broadcast_in_dim3A_20 = vector.broadcast %broadcast_in_dim3A_19 : f32 to vector<8x4096xf32>
    %broadcast_in_dim3A_21 = arith.constant 0 : i32
    %broadcast_in_dim3A_22 = vector.broadcast %broadcast_in_dim3A_21 : i32 to vector<8x1xi32>
    %scan3A = arith.constant 0 : i32
    %scan3A_23 = arith.constant 512 : i32
    %scan3A_24 = arith.addi %scan3A, %scan3A_23 : i32
    %scan3A_25 = arith.constant 1 : i32
    %scan3A_26:2 = scf.for %scan3A_28 = %scan3A to %scan3A_24 step %scan3A_25 iter_args(%scan3A_29 = %broadcast_in_dim3A_20, %scan3A_30 = %broadcast_in_dim3A_22) -> (vector<8x4096xf32>, vector<8x1xi32>)  : i32 {
      %eq3A = vector.broadcast %scan3A_30 : vector<8x1xi32> to vector<8x4096xi32>
      %eq3A_31 = arith.cmpi eq, %iota3A, %eq3A : vector<8x4096xi32>
      %get3A_32 = arith.constant 0 : index
      %get3A_33 = arith.constant 0 : index
      %get3A_34 = arith.constant 0 : index
      %get3A_35 = vector.load %arg0[%get3A_32, %get3A_33, %get3A_34] : memref<6x8x4096xf32, #tpu.memory_space<vmem>>, vector<1x8x4096xf32>
      %get3A_36 = vector.shape_cast %get3A_35 : vector<1x8x4096xf32> to vector<8x4096xf32>
      %jit3A = arith.constant 0.000000e+00 : f32
      %broadcast_in_dim3A_37 = vector.broadcast %jit3A : f32 to vector<8x4096xf32>
      %select_n3A = arith.select %eq3A_31, %get3A_36, %broadcast_in_dim3A_37 : vector<8x4096xi1>, vector<8x4096xf32>
      %reduce_sum3A = arith.constant dense<0.000000e+00> : vector<8xf32>
      %reduce_sum3A_38 = vector.multi_reduction <add>, %select_n3A, %reduce_sum3A [1] : vector<8x4096xf32> to vector<8xf32>
      %broadcast_in_dim3A_39 = vector.shape_cast %reduce_sum3A_38 : vector<8xf32> to vector<8x1xf32>
      %get3A_40 = arith.constant 1 : index
      %get3A_41 = arith.constant 0 : index
      %get3A_42 = arith.constant 0 : index
      %get3A_43 = vector.load %arg0[%get3A_40, %get3A_41, %get3A_42] : memref<6x8x4096xf32, #tpu.memory_space<vmem>>, vector<1x8x4096xf32>
      %get3A_44 = vector.shape_cast %get3A_43 : vector<1x8x4096xf32> to vector<8x4096xf32>
      %jit3A_45 = arith.constant 0.000000e+00 : f32
      %broadcast_in_dim3A_46 = vector.broadcast %jit3A_45 : f32 to vector<8x4096xf32>
      %select_n3A_47 = arith.select %eq3A_31, %get3A_44, %broadcast_in_dim3A_46 : vector<8x4096xi1>, vector<8x4096xf32>
      %reduce_sum3A_48 = arith.constant dense<0.000000e+00> : vector<8xf32>
      %reduce_sum3A_49 = vector.multi_reduction <add>, %select_n3A_47, %reduce_sum3A_48 [1] : vector<8x4096xf32> to vector<8xf32>
      %broadcast_in_dim3A_50 = vector.shape_cast %reduce_sum3A_49 : vector<8xf32> to vector<8x1xf32>
      %get3A_51 = arith.constant 2 : index
      %get3A_52 = arith.constant 0 : index
      %get3A_53 = arith.constant 0 : index
      %get3A_54 = vector.load %arg0[%get3A_51, %get3A_52, %get3A_53] : memref<6x8x4096xf32, #tpu.memory_space<vmem>>, vector<1x8x4096xf32>
      %get3A_55 = vector.shape_cast %get3A_54 : vector<1x8x4096xf32> to vector<8x4096xf32>
      %jit3A_56 = arith.constant 0.000000e+00 : f32
      %broadcast_in_dim3A_57 = vector.broadcast %jit3A_56 : f32 to vector<8x4096xf32>
      %select_n3A_58 = arith.select %eq3A_31, %get3A_55, %broadcast_in_dim3A_57 : vector<8x4096xi1>, vector<8x4096xf32>
      %reduce_sum3A_59 = arith.constant dense<0.000000e+00> : vector<8xf32>
      %reduce_sum3A_60 = vector.multi_reduction <add>, %select_n3A_58, %reduce_sum3A_59 [1] : vector<8x4096xf32> to vector<8xf32>
      %broadcast_in_dim3A_61 = vector.shape_cast %reduce_sum3A_60 : vector<8xf32> to vector<8x1xf32>
      %get3A_62 = arith.constant 3 : index
      %get3A_63 = arith.constant 0 : index
      %get3A_64 = arith.constant 0 : index
      %get3A_65 = vector.load %arg0[%get3A_62, %get3A_63, %get3A_64] : memref<6x8x4096xf32, #tpu.memory_space<vmem>>, vector<1x8x4096xf32>
      %get3A_66 = vector.shape_cast %get3A_65 : vector<1x8x4096xf32> to vector<8x4096xf32>
      %jit3A_67 = arith.constant 0.000000e+00 : f32
      %broadcast_in_dim3A_68 = vector.broadcast %jit3A_67 : f32 to vector<8x4096xf32>
      %select_n3A_69 = arith.select %eq3A_31, %get3A_66, %broadcast_in_dim3A_68 : vector<8x4096xi1>, vector<8x4096xf32>
      %reduce_sum3A_70 = arith.constant dense<0.000000e+00> : vector<8xf32>
      %reduce_sum3A_71 = vector.multi_reduction <add>, %select_n3A_69, %reduce_sum3A_70 [1] : vector<8x4096xf32> to vector<8xf32>
      %broadcast_in_dim3A_72 = vector.shape_cast %reduce_sum3A_71 : vector<8xf32> to vector<8x1xf32>
      %get3A_73 = arith.constant 4 : index
      %get3A_74 = arith.constant 0 : index
      %get3A_75 = arith.constant 0 : index
      %get3A_76 = vector.load %arg0[%get3A_73, %get3A_74, %get3A_75] : memref<6x8x4096xf32, #tpu.memory_space<vmem>>, vector<1x8x4096xf32>
      %get3A_77 = vector.shape_cast %get3A_76 : vector<1x8x4096xf32> to vector<8x4096xf32>
      %jit3A_78 = arith.constant 0.000000e+00 : f32
      %broadcast_in_dim3A_79 = vector.broadcast %jit3A_78 : f32 to vector<8x4096xf32>
      %select_n3A_80 = arith.select %eq3A_31, %get3A_77, %broadcast_in_dim3A_79 : vector<8x4096xi1>, vector<8x4096xf32>
      %reduce_sum3A_81 = arith.constant dense<0.000000e+00> : vector<8xf32>
      %reduce_sum3A_82 = vector.multi_reduction <add>, %select_n3A_80, %reduce_sum3A_81 [1] : vector<8x4096xf32> to vector<8xf32>
      %broadcast_in_dim3A_83 = vector.shape_cast %reduce_sum3A_82 : vector<8xf32> to vector<8x1xf32>
      %get3A_84 = arith.constant 5 : index
      %get3A_85 = arith.constant 0 : index
      %get3A_86 = arith.constant 0 : index
      %get3A_87 = vector.load %arg0[%get3A_84, %get3A_85, %get3A_86] : memref<6x8x4096xf32, #tpu.memory_space<vmem>>, vector<1x8x4096xf32>
      %get3A_88 = vector.shape_cast %get3A_87 : vector<1x8x4096xf32> to vector<8x4096xf32>
      %jit3A_89 = arith.constant 0.000000e+00 : f32
      %broadcast_in_dim3A_90 = vector.broadcast %jit3A_89 : f32 to vector<8x4096xf32>
      %select_n3A_91 = arith.select %eq3A_31, %get3A_88, %broadcast_in_dim3A_90 : vector<8x4096xi1>, vector<8x4096xf32>
      %reduce_sum3A_92 = arith.constant dense<0.000000e+00> : vector<8xf32>
      %reduce_sum3A_93 = vector.multi_reduction <add>, %select_n3A_91, %reduce_sum3A_92 [1] : vector<8x4096xf32> to vector<8xf32>
      %broadcast_in_dim3A_94 = vector.shape_cast %reduce_sum3A_93 : vector<8xf32> to vector<8x1xf32>
      %eq3A_95 = vector.broadcast %scan3A_28 : i32 to vector<8x512xi32>
      %eq3A_96 = arith.cmpi eq, %iota3A_0, %eq3A_95 : vector<8x512xi32>
      %get3A_97 = arith.constant 0 : index
      %get3A_98 = arith.constant 0 : index
      %get3A_99 = arith.constant 0 : index
      %get3A_100 = vector.load %arg1[%get3A_97, %get3A_98, %get3A_99] : memref<6x8x512xf32, #tpu.memory_space<vmem>>, vector<1x8x512xf32>
      %get3A_101 = vector.shape_cast %get3A_100 : vector<1x8x512xf32> to vector<8x512xf32>
      %broadcast_in_dim3A_102 = vector.shape_cast %broadcast_in_dim3A_39 : vector<8x1xf32> to vector<8x1xf32>
      %broadcast_in_dim3A_103 = vector.broadcast %broadcast_in_dim3A_102 : vector<8x1xf32> to vector<8x512xf32>
      %select_n3A_104 = arith.select %eq3A_96, %broadcast_in_dim3A_103, %get3A_101 : vector<8x512xi1>, vector<8x512xf32>
      %swap3A_105 = arith.constant 0 : index
      %swap3A_106 = arith.constant 0 : index
      %swap3A_107 = arith.constant 0 : index
      %swap3A_108 = vector.load %arg1[%swap3A_105, %swap3A_106, %swap3A_107] : memref<6x8x512xf32, #tpu.memory_space<vmem>>, vector<1x8x512xf32>
      %swap3A_109 = vector.shape_cast %swap3A_108 : vector<1x8x512xf32> to vector<8x512xf32>
      %swap3A_110 = vector.shape_cast %select_n3A_104 : vector<8x512xf32> to vector<1x8x512xf32>
      tpu.vector_store %arg1[%swap3A_105, %swap3A_106, %swap3A_107], %swap3A_110 {strides = array<i32>} : memref<6x8x512xf32, #tpu.memory_space<vmem>>, vector<1x8x512xf32>,
      %get3A_111 = arith.constant 1 : index
      %get3A_112 = arith.constant 0 : index
      %get3A_113 = arith.constant 0 : index
      %get3A_114 = vector.load %arg1[%get3A_111, %get3A_112, %get3A_113] : memref<6x8x512xf32, #tpu.memory_space<vmem>>, vector<1x8x512xf32>
      %get3A_115 = vector.shape_cast %get3A_114 : vector<1x8x512xf32> to vector<8x512xf32>
      %broadcast_in_dim3A_116 = vector.shape_cast %broadcast_in_dim3A_50 : vector<8x1xf32> to vector<8x1xf32>
      %broadcast_in_dim3A_117 = vector.broadcast %broadcast_in_dim3A_116 : vector<8x1xf32> to vector<8x512xf32>
      %select_n3A_118 = arith.select %eq3A_96, %broadcast_in_dim3A_117, %get3A_115 : vector<8x512xi1>, vector<8x512xf32>
      %swap3A_119 = arith.constant 1 : index
      %swap3A_120 = arith.constant 0 : index
      %swap3A_121 = arith.constant 0 : index
      %swap3A_122 = vector.load %arg1[%swap3A_119, %swap3A_120, %swap3A_121] : memref<6x8x512xf32, #tpu.memory_space<vmem>>, vector<1x8x512xf32>
      %swap3A_123 = vector.shape_cast %swap3A_122 : vector<1x8x512xf32> to vector<8x512xf32>
      %swap3A_124 = vector.shape_cast %select_n3A_118 : vector<8x512xf32> to vector<1x8x512xf32>
      tpu.vector_store %arg1[%swap3A_119, %swap3A_120, %swap3A_121], %swap3A_124 {strides = array<i32>} : memref<6x8x512xf32, #tpu.memory_space<vmem>>, vector<1x8x512xf32>,
      %get3A_125 = arith.constant 2 : index
      %get3A_126 = arith.constant 0 : index
      %get3A_127 = arith.constant 0 : index
      %get3A_128 = vector.load %arg1[%get3A_125, %get3A_126, %get3A_127] : memref<6x8x512xf32, #tpu.memory_space<vmem>>, vector<1x8x512xf32>
      %get3A_129 = vector.shape_cast %get3A_128 : vector<1x8x512xf32> to vector<8x512xf32>
      %broadcast_in_dim3A_130 = vector.shape_cast %broadcast_in_dim3A_61 : vector<8x1xf32> to vector<8x1xf32>
      %broadcast_in_dim3A_131 = vector.broadcast %broadcast_in_dim3A_130 : vector<8x1xf32> to vector<8x512xf32>
      %select_n3A_132 = arith.select %eq3A_96, %broadcast_in_dim3A_131, %get3A_129 : vector<8x512xi1>, vector<8x512xf32>
      %swap3A_133 = arith.constant 2 : index
      %swap3A_134 = arith.constant 0 : index
      %swap3A_135 = arith.constant 0 : index
      %swap3A_136 = vector.load %arg1[%swap3A_133, %swap3A_134, %swap3A_135] : memref<6x8x512xf32, #tpu.memory_space<vmem>>, vector<1x8x512xf32>
      %swap3A_137 = vector.shape_cast %swap3A_136 : vector<1x8x512xf32> to vector<8x512xf32>
      %swap3A_138 = vector.shape_cast %select_n3A_132 : vector<8x512xf32> to vector<1x8x512xf32>
      tpu.vector_store %arg1[%swap3A_133, %swap3A_134, %swap3A_135], %swap3A_138 {strides = array<i32>} : memref<6x8x512xf32, #tpu.memory_space<vmem>>, vector<1x8x512xf32>,
      %get3A_139 = arith.constant 3 : index
      %get3A_140 = arith.constant 0 : index
      %get3A_141 = arith.constant 0 : index
      %get3A_142 = vector.load %arg1[%get3A_139, %get3A_140, %get3A_141] : memref<6x8x512xf32, #tpu.memory_space<vmem>>, vector<1x8x512xf32>
      %get3A_143 = vector.shape_cast %get3A_142 : vector<1x8x512xf32> to vector<8x512xf32>
      %broadcast_in_dim3A_144 = vector.shape_cast %broadcast_in_dim3A_72 : vector<8x1xf32> to vector<8x1xf32>
      %broadcast_in_dim3A_145 = vector.broadcast %broadcast_in_dim3A_144 : vector<8x1xf32> to vector<8x512xf32>
      %select_n3A_146 = arith.select %eq3A_96, %broadcast_in_dim3A_145, %get3A_143 : vector<8x512xi1>, vector<8x512xf32>
      %swap3A_147 = arith.constant 3 : index
      %swap3A_148 = arith.constant 0 : index
      %swap3A_149 = arith.constant 0 : index
      %swap3A_150 = vector.load %arg1[%swap3A_147, %swap3A_148, %swap3A_149] : memref<6x8x512xf32, #tpu.memory_space<vmem>>, vector<1x8x512xf32>
      %swap3A_151 = vector.shape_cast %swap3A_150 : vector<1x8x512xf32> to vector<8x512xf32>
      %swap3A_152 = vector.shape_cast %select_n3A_146 : vector<8x512xf32> to vector<1x8x512xf32>
      tpu.vector_store %arg1[%swap3A_147, %swap3A_148, %swap3A_149], %swap3A_152 {strides = array<i32>} : memref<6x8x512xf32, #tpu.memory_space<vmem>>, vector<1x8x512xf32>,
      %get3A_153 = arith.constant 4 : index
      %get3A_154 = arith.constant 0 : index
      %get3A_155 = arith.constant 0 : index
      %get3A_156 = vector.load %arg1[%get3A_153, %get3A_154, %get3A_155] : memref<6x8x512xf32, #tpu.memory_space<vmem>>, vector<1x8x512xf32>
      %get3A_157 = vector.shape_cast %get3A_156 : vector<1x8x512xf32> to vector<8x512xf32>
      %broadcast_in_dim3A_158 = vector.shape_cast %broadcast_in_dim3A_83 : vector<8x1xf32> to vector<8x1xf32>
      %broadcast_in_dim3A_159 = vector.broadcast %broadcast_in_dim3A_158 : vector<8x1xf32> to vector<8x512xf32>
      %select_n3A_160 = arith.select %eq3A_96, %broadcast_in_dim3A_159, %get3A_157 : vector<8x512xi1>, vector<8x512xf32>
      %swap3A_161 = arith.constant 4 : index
      %swap3A_162 = arith.constant 0 : index
      %swap3A_163 = arith.constant 0 : index
      %swap3A_164 = vector.load %arg1[%swap3A_161, %swap3A_162, %swap3A_163] : memref<6x8x512xf32, #tpu.memory_space<vmem>>, vector<1x8x512xf32>
      %swap3A_165 = vector.shape_cast %swap3A_164 : vector<1x8x512xf32> to vector<8x512xf32>
      %swap3A_166 = vector.shape_cast %select_n3A_160 : vector<8x512xf32> to vector<1x8x512xf32>
      tpu.vector_store %arg1[%swap3A_161, %swap3A_162, %swap3A_163], %swap3A_166 {strides = array<i32>} : memref<6x8x512xf32, #tpu.memory_space<vmem>>, vector<1x8x512xf32>,
      %get3A_167 = arith.constant 5 : index
      %get3A_168 = arith.constant 0 : index
      %get3A_169 = arith.constant 0 : index
      %get3A_170 = vector.load %arg1[%get3A_167, %get3A_168, %get3A_169] : memref<6x8x512xf32, #tpu.memory_space<vmem>>, vector<1x8x512xf32>
      %get3A_171 = vector.shape_cast %get3A_170 : vector<1x8x512xf32> to vector<8x512xf32>
      %broadcast_in_dim3A_172 = vector.shape_cast %broadcast_in_dim3A_94 : vector<8x1xf32> to vector<8x1xf32>
      %broadcast_in_dim3A_173 = vector.broadcast %broadcast_in_dim3A_172 : vector<8x1xf32> to vector<8x512xf32>
      %select_n3A_174 = arith.select %eq3A_96, %broadcast_in_dim3A_173, %get3A_171 : vector<8x512xi1>, vector<8x512xf32>
      %swap3A_175 = arith.constant 5 : index
      %swap3A_176 = arith.constant 0 : index
      %swap3A_177 = arith.constant 0 : index
      %swap3A_178 = vector.load %arg1[%swap3A_175, %swap3A_176, %swap3A_177] : memref<6x8x512xf32, #tpu.memory_space<vmem>>, vector<1x8x512xf32>
      %swap3A_179 = vector.shape_cast %swap3A_178 : vector<1x8x512xf32> to vector<8x512xf32>
      %swap3A_180 = vector.shape_cast %select_n3A_174 : vector<8x512xf32> to vector<1x8x512xf32>
      tpu.vector_store %arg1[%swap3A_175, %swap3A_176, %swap3A_177], %swap3A_180 {strides = array<i32>} : memref<6x8x512xf32, #tpu.memory_space<vmem>>, vector<1x8x512xf32>,
      %sub3A = vector.broadcast %broadcast_in_dim3A_39 : vector<8x1xf32> to vector<8x4096xf32>
      %sub3A_181 = arith.subf %get3A_4, %sub3A : vector<8x4096xf32>
      %integer_pow3A = arith.mulf %sub3A_181, %sub3A_181 : vector<8x4096xf32>
      %sub3A_182 = vector.broadcast %broadcast_in_dim3A_50 : vector<8x1xf32> to vector<8x4096xf32>
      %sub3A_183 = arith.subf %get3A_9, %sub3A_182 : vector<8x4096xf32>
      %integer_pow3A_184 = arith.mulf %sub3A_183, %sub3A_183 : vector<8x4096xf32>
      %add3A = arith.addf %integer_pow3A, %integer_pow3A_184 : vector<8x4096xf32>
      %sub3A_185 = vector.broadcast %broadcast_in_dim3A_61 : vector<8x1xf32> to vector<8x4096xf32>
      %sub3A_186 = arith.subf %get3A_14, %sub3A_185 : vector<8x4096xf32>
      %integer_pow3A_187 = arith.mulf %sub3A_186, %sub3A_186 : vector<8x4096xf32>
      %add3A_188 = arith.addf %add3A, %integer_pow3A_187 : vector<8x4096xf32>
      %min3A = arith.minimumf %scan3A_29, %add3A_188 : vector<8x4096xf32>
      %reduce_max3A = arith.constant dense<0xFF800000> : vector<8xf32>
      %reduce_max3A_189 = vector.multi_reduction <maximumf>, %min3A, %reduce_max3A [1] : vector<8x4096xf32> to vector<8xf32>
      %broadcast_in_dim3A_190 = vector.shape_cast %reduce_max3A_189 : vector<8xf32> to vector<8x1xf32>
      %eq3A_191 = vector.broadcast %broadcast_in_dim3A_190 : vector<8x1xf32> to vector<8x4096xf32>
      %eq3A_192 = arith.cmpf oeq, %min3A, %eq3A_191 : vector<8x4096xf32>
      %jit3A_193 = arith.constant 4096 : i32
      %broadcast_in_dim3A_194 = vector.broadcast %jit3A_193 : i32 to vector<8x4096xi32>
      %select_n3A_195 = arith.select %eq3A_192, %iota3A, %broadcast_in_dim3A_194 : vector<8x4096xi1>, vector<8x4096xi32>
      %reduce_min3A = arith.constant dense<2147483647> : vector<8xi32>
      %reduce_min3A_196 = vector.multi_reduction <minsi>, %select_n3A_195, %reduce_min3A [1] : vector<8x4096xi32> to vector<8xi32>
      %broadcast_in_dim3A_197 = vector.shape_cast %reduce_min3A_196 : vector<8xi32> to vector<8x1xi32>
      scf.yield %min3A, %broadcast_in_dim3A_197 : vector<8x4096xf32>, vector<8x1xi32>
    }
    %scan3A_27 = arith.constant 512 : i32
    return
  }
}

module attributes {stable_mosaic.version = 14 : i64} {
  func.func @_select_body(%arg0: i32, %arg1: memref<1x4096x8xf32, #tpu.memory_space<vmem>>, %arg2: memref<1x512x8xf32, #tpu.memory_space<vmem>>, %arg3: memref<1x2x4096xf32, #tpu.memory_space<vmem>>, %arg4: memref<1x512x2xf32, #tpu.memory_space<vmem>>, %arg5: memref<1x512x64xi32, #tpu.memory_space<vmem>>, %arg6: memref<512x4096xf32, #tpu.memory_space<vmem>>) attributes {dimension_semantics = [#tpu.dimension_semantics<arbitrary>], iteration_bounds = array<i64: 8>, scalar_prefetch = 0 : i64, scratch_operands = 1 : i64, tpu.core_type = #tpu.core_type<tc>, window_params = [{transform_indices = @transform_0, window_bounds = array<i64: 1, 4096, 8>}, {transform_indices = @transform_1, window_bounds = array<i64: 1, 512, 8>}, {transform_indices = @transform_2, window_bounds = array<i64: 1, 2, 4096>}, {transform_indices = @transform_3, window_bounds = array<i64: 1, 512, 2>}, {transform_indices = @transform_4, window_bounds = array<i64: 1, 512, 64>}]} {
    %get3A = arith.constant 0 : index
    %get3A_0 = arith.constant 0 : index
    %get3A_1 = arith.constant 0 : index
    %get3A_2 = vector.load %arg1[%get3A, %get3A_0, %get3A_1] : memref<1x4096x8xf32, #tpu.memory_space<vmem>>, vector<1x4096x8xf32>
    %get3A_3 = vector.shape_cast %get3A_2 : vector<1x4096x8xf32> to vector<4096x8xf32>
    %get3A_4 = arith.constant 0 : index
    %get3A_5 = arith.constant 0 : index
    %get3A_6 = arith.constant 0 : index
    %get3A_7 = vector.load %arg2[%get3A_4, %get3A_5, %get3A_6] : memref<1x512x8xf32, #tpu.memory_space<vmem>>, vector<1x512x8xf32>
    %get3A_8 = vector.shape_cast %get3A_7 : vector<1x512x8xf32> to vector<512x8xf32>
    %get3A_9 = arith.constant 0 : index
    %get3A_10 = arith.constant 0 : index
    %get3A_11 = arith.constant 0 : index
    %get3A_12 = vector.load %arg3[%get3A_9, %get3A_10, %get3A_11] : memref<1x2x4096xf32, #tpu.memory_space<vmem>>, vector<1x2x4096xf32>
    %get3A_13 = vector.shape_cast %get3A_12 : vector<1x2x4096xf32> to vector<2x4096xf32>
    %get3A_14 = arith.constant 0 : index
    %get3A_15 = arith.constant 0 : index
    %get3A_16 = arith.constant 0 : index
    %get3A_17 = vector.load %arg4[%get3A_14, %get3A_15, %get3A_16] : memref<1x512x2xf32, #tpu.memory_space<vmem>>, vector<1x512x2xf32>
    %get3A_18 = vector.shape_cast %get3A_17 : vector<1x512x2xf32> to vector<512x2xf32>
    %slice3A = vector.extract_strided_slice %get3A_8 {offsets = [0, 3], sizes = [512, 3], strides = [1, 1]} : vector<512x8xf32> to vector<512x3xf32>
    %convert_element_type3A = arith.truncf %slice3A : vector<512x3xf32> to vector<512x3xbf16>
    %slice3A_19 = vector.extract_strided_slice %get3A_3 {offsets = [0, 3], sizes = [4096, 3], strides = [1, 1]} : vector<4096x8xf32> to vector<4096x3xf32>
    %convert_element_type3A_20 = arith.truncf %slice3A_19 : vector<4096x3xf32> to vector<4096x3xbf16>
    %dot_general3A = arith.constant dense<0.000000e+00> : vector<512x4096xf32>
    %dot_general3A_21 = tpu.matmul %convert_element_type3A, %convert_element_type3A_20, %dot_general3A {dimension_numbers = #tpu.dot_dimension_numbers<[1], [1], [0], [0], [0, 0, 1, 0], [], []>, transpose_lhs_hint = false} : vector<512x3xbf16>, vector<4096x3xbf16>, vector<512x4096xf32> -> vector<512x4096xf32>
    %mul3A = arith.constant -2.000000e+00 : f32
    %mul3A_22 = vector.broadcast %mul3A : f32 to vector<512x4096xf32>
    %mul3A_23 = arith.mulf %mul3A_22, %dot_general3A_21 : vector<512x4096xf32>
    %slice3A_24 = vector.extract_strided_slice %get3A_18 {offsets = [0, 1], sizes = [512, 1], strides = [1, 1]} : vector<512x2xf32> to vector<512x1xf32>
    %add3A = vector.broadcast %slice3A_24 : vector<512x1xf32> to vector<512x4096xf32>
    %add3A_25 = arith.addf %mul3A_23, %add3A : vector<512x4096xf32>
    %slice3A_26 = vector.extract_strided_slice %get3A_13 {offsets = [1, 0], sizes = [1, 4096], strides = [1, 1]} : vector<2x4096xf32> to vector<1x4096xf32>
    %add3A_27 = vector.broadcast %slice3A_26 : vector<1x4096xf32> to vector<512x4096xf32>
    %add3A_28 = arith.addf %add3A_25, %add3A_27 : vector<512x4096xf32>
    %slice3A_29 = vector.extract_strided_slice %get3A_8 {offsets = [0, 0], sizes = [512, 3], strides = [1, 1]} : vector<512x8xf32> to vector<512x3xf32>
    %convert_element_type3A_30 = arith.truncf %slice3A_29 : vector<512x3xf32> to vector<512x3xbf16>
    %slice3A_31 = vector.extract_strided_slice %get3A_3 {offsets = [0, 0], sizes = [4096, 3], strides = [1, 1]} : vector<4096x8xf32> to vector<4096x3xf32>
    %convert_element_type3A_32 = arith.truncf %slice3A_31 : vector<4096x3xf32> to vector<4096x3xbf16>
    %dot_general3A_33 = arith.constant dense<0.000000e+00> : vector<512x4096xf32>
    %dot_general3A_34 = tpu.matmul %convert_element_type3A_30, %convert_element_type3A_32, %dot_general3A_33 {dimension_numbers = #tpu.dot_dimension_numbers<[1], [1], [0], [0], [0, 0, 1, 0], [], []>, transpose_lhs_hint = false} : vector<512x3xbf16>, vector<4096x3xbf16>, vector<512x4096xf32> -> vector<512x4096xf32>
    %mul3A_35 = arith.constant -2.000000e+00 : f32
    %mul3A_36 = vector.broadcast %mul3A_35 : f32 to vector<512x4096xf32>
    %mul3A_37 = arith.mulf %mul3A_36, %dot_general3A_34 : vector<512x4096xf32>
    %slice3A_38 = vector.extract_strided_slice %get3A_18 {offsets = [0, 0], sizes = [512, 1], strides = [1, 1]} : vector<512x2xf32> to vector<512x1xf32>
    %add3A_39 = vector.broadcast %slice3A_38 : vector<512x1xf32> to vector<512x4096xf32>
    %add3A_40 = arith.addf %mul3A_37, %add3A_39 : vector<512x4096xf32>
    %slice3A_41 = vector.extract_strided_slice %get3A_13 {offsets = [0, 0], sizes = [1, 4096], strides = [1, 1]} : vector<2x4096xf32> to vector<1x4096xf32>
    %add3A_42 = vector.broadcast %slice3A_41 : vector<1x4096xf32> to vector<512x4096xf32>
    %add3A_43 = arith.addf %add3A_40, %add3A_42 : vector<512x4096xf32>
    %add3A_44 = arith.addf %add3A_28, %add3A_43 : vector<512x4096xf32>
    %swap3A = arith.constant 0 : index
    %swap3A_45 = arith.constant 0 : index
    %swap3A_46 = vector.load %arg6[%swap3A, %swap3A_45] : memref<512x4096xf32, #tpu.memory_space<vmem>>, vector<512x4096xf32>
    tpu.vector_store %arg6[%swap3A, %swap3A_45], %add3A_44 {strides = array<i32>} : memref<512x4096xf32, #tpu.memory_space<vmem>>, vector<512x4096xf32>,
    %iota3A = tpu.iota {dimensions = array<i32: 1>} : vector<512x4096xi32>
    %iota3A_47 = tpu.iota {dimensions = array<i32: 1>} : vector<512x64xi32>
    %broadcast_in_dim3A = arith.constant 0 : i32
    %broadcast_in_dim3A_48 = vector.broadcast %broadcast_in_dim3A : i32 to vector<512x64xi32>
    %scan3A = arith.constant 0 : i32
    %scan3A_49 = arith.constant 64 : i32
    %scan3A_50 = arith.addi %scan3A, %scan3A_49 : i32
    %scan3A_51 = arith.constant 1 : i32
    %scan3A_52 = scf.for %scan3A_64 = %scan3A to %scan3A_50 step %scan3A_51 iter_args(%scan3A_65 = %broadcast_in_dim3A_48) -> (vector<512x64xi32>)  : i32 {
      %get3A_66 = arith.constant 0 : index
      %get3A_67 = arith.constant 0 : index
      %get3A_68 = vector.load %arg6[%get3A_66, %get3A_67] : memref<512x4096xf32, #tpu.memory_space<vmem>>, vector<512x4096xf32>
      %reduce_min3A = arith.constant dense<0x7F800000> : vector<512xf32>
      %reduce_min3A_69 = vector.multi_reduction <minimumf>, %get3A_68, %reduce_min3A [1] : vector<512x4096xf32> to vector<512xf32>
      %broadcast_in_dim3A_70 = vector.shape_cast %reduce_min3A_69 : vector<512xf32> to vector<512x1xf32>
      %eq3A = vector.broadcast %broadcast_in_dim3A_70 : vector<512x1xf32> to vector<512x4096xf32>
      %eq3A_71 = arith.cmpf oeq, %get3A_68, %eq3A : vector<512x4096xf32>
      %jit3A = arith.constant 4096 : i32
      %broadcast_in_dim3A_72 = vector.broadcast %jit3A : i32 to vector<512x4096xi32>
      %select_n3A = arith.select %eq3A_71, %iota3A, %broadcast_in_dim3A_72 : vector<512x4096xi1>, vector<512x4096xi32>
      %reduce_min3A_73 = arith.constant dense<2147483647> : vector<512xi32>
      %reduce_min3A_74 = vector.multi_reduction <minsi>, %select_n3A, %reduce_min3A_73 [1] : vector<512x4096xi32> to vector<512xi32>
      %broadcast_in_dim3A_75 = vector.shape_cast %reduce_min3A_74 : vector<512xi32> to vector<512x1xi32>
      %eq3A_76 = vector.broadcast %broadcast_in_dim3A_75 : vector<512x1xi32> to vector<512x4096xi32>
      %eq3A_77 = arith.cmpi eq, %iota3A, %eq3A_76 : vector<512x4096xi32>
      %jit3A_78 = arith.constant 1.000000e+30 : f32
      %broadcast_in_dim3A_79 = vector.broadcast %jit3A_78 : f32 to vector<512x4096xf32>
      %select_n3A_80 = arith.select %eq3A_77, %broadcast_in_dim3A_79, %get3A_68 : vector<512x4096xi1>, vector<512x4096xf32>
      %swap3A_81 = arith.constant 0 : index
      %swap3A_82 = arith.constant 0 : index
      %swap3A_83 = vector.load %arg6[%swap3A_81, %swap3A_82] : memref<512x4096xf32, #tpu.memory_space<vmem>>, vector<512x4096xf32>
      tpu.vector_store %arg6[%swap3A_81, %swap3A_82], %select_n3A_80 {strides = array<i32>} : memref<512x4096xf32, #tpu.memory_space<vmem>>, vector<512x4096xf32>,
      %eq3A_84 = vector.broadcast %scan3A_64 : i32 to vector<512x64xi32>
      %eq3A_85 = arith.cmpi eq, %iota3A_47, %eq3A_84 : vector<512x64xi32>
      %broadcast_in_dim3A_86 = vector.shape_cast %broadcast_in_dim3A_75 : vector<512x1xi32> to vector<512x1xi32>
      %broadcast_in_dim3A_87 = vector.broadcast %broadcast_in_dim3A_86 : vector<512x1xi32> to vector<512x64xi32>
      %select_n3A_88 = arith.select %eq3A_85, %broadcast_in_dim3A_87, %scan3A_65 : vector<512x64xi1>, vector<512x64xi32>
      scf.yield %select_n3A_88 : vector<512x64xi32>
    }
    %scan3A_53 = arith.constant 64 : i32
    %mul3A_54 = arith.constant 4096 : i32
    %mul3A_55 = arith.muli %arg0, %mul3A_54 : i32
    %add3A_56 = vector.broadcast %mul3A_55 : i32 to vector<512x64xi32>
    %add3A_57 = arith.addi %scan3A_52, %add3A_56 : vector<512x64xi32>
    %swap3A_58 = arith.constant 0 : index
    %swap3A_59 = arith.constant 0 : index
    %swap3A_60 = arith.constant 0 : index
    %swap3A_61 = vector.load %arg5[%swap3A_58, %swap3A_59, %swap3A_60] : memref<1x512x64xi32, #tpu.memory_space<vmem>>, vector<1x512x64xi32>
    %swap3A_62 = vector.shape_cast %swap3A_61 : vector<1x512x64xi32> to vector<512x64xi32>
    %swap3A_63 = vector.shape_cast %add3A_57 : vector<512x64xi32> to vector<1x512x64xi32>
    tpu.vector_store %arg5[%swap3A_58, %swap3A_59, %swap3A_60], %swap3A_63 {strides = array<i32>} : memref<1x512x64xi32, #tpu.memory_space<vmem>>, vector<1x512x64xi32>,
    return
  }
  func.func @transform_0(%arg0: i32) -> (i32, i32, i32) {
    %c0_i32 = arith.constant 0 : i32
    %c0_i32_0 = arith.constant 0 : i32
    %c0_i32_1 = arith.constant 0 : i32
    return %arg0, %c0_i32, %c0_i32_0 : i32, i32, i32
  }
  func.func @transform_1(%arg0: i32) -> (i32, i32, i32) {
    %c0_i32 = arith.constant 0 : i32
    %c0_i32_0 = arith.constant 0 : i32
    %c0_i32_1 = arith.constant 0 : i32
    return %arg0, %c0_i32, %c0_i32_0 : i32, i32, i32
  }
  func.func @transform_2(%arg0: i32) -> (i32, i32, i32) {
    %c0_i32 = arith.constant 0 : i32
    %c0_i32_0 = arith.constant 0 : i32
    %c0_i32_1 = arith.constant 0 : i32
    return %arg0, %c0_i32, %c0_i32_0 : i32, i32, i32
  }
  func.func @transform_3(%arg0: i32) -> (i32, i32, i32) {
    %c0_i32 = arith.constant 0 : i32
    %c0_i32_0 = arith.constant 0 : i32
    %c0_i32_1 = arith.constant 0 : i32
    return %arg0, %c0_i32, %c0_i32_0 : i32, i32, i32
  }
  func.func @transform_4(%arg0: i32) -> (i32, i32, i32) {
    %c0_i32 = arith.constant 0 : i32
    %c0_i32_0 = arith.constant 0 : i32
    %c0_i32_1 = arith.constant 0 : i32
    return %arg0, %c0_i32, %c0_i32_0 : i32, i32, i32
  }
}

module attributes {stable_mosaic.version = 14 : i64} {
  func.func @_ph_body(%arg0: i32, %arg1: memref<2048x16xf32, #tpu.memory_space<vmem>>, %arg2: memref<32x4xf32, #tpu.memory_space<vmem>>, %arg3: memref<16x32xf32, #tpu.memory_space<vmem>>, %arg4: memref<4x32xf32, #tpu.memory_space<vmem>>, %arg5: memref<16x64xf32, #tpu.memory_space<vmem>>, %arg6: memref<4x64xf32, #tpu.memory_space<vmem>>, %arg7: memref<16x64xf32, #tpu.memory_space<vmem>>, %arg8: memref<4x64xf32, #tpu.memory_space<vmem>>, %arg9: memref<8x32xf32, #tpu.memory_space<vmem>>, %arg10: memref<8x64xf32, #tpu.memory_space<vmem>>, %arg11: memref<8x64xf32, #tpu.memory_space<vmem>>) attributes {dimension_semantics = [#tpu.dimension_semantics<arbitrary>], iteration_bounds = array<i64: 128>, scalar_prefetch = 0 : i64, scratch_operands = 0 : i64, tpu.core_type = #tpu.core_type<tc>, window_params = [{transform_indices = @transform_0, window_bounds = array<i64: 2048, 16>}, {transform_indices = @transform_1, window_bounds = array<i64: 32, 4>}, {pipeline_mode = #tpu.pipeline_mode<synchronous>, transform_indices = @transform_2, window_bounds = array<i64: 16, 32>}, {pipeline_mode = #tpu.pipeline_mode<synchronous>, transform_indices = @transform_3, window_bounds = array<i64: 4, 32>}, {pipeline_mode = #tpu.pipeline_mode<synchronous>, transform_indices = @transform_4, window_bounds = array<i64: 16, 64>}, {pipeline_mode = #tpu.pipeline_mode<synchronous>, transform_indices = @transform_5, window_bounds = array<i64: 4, 64>}, {pipeline_mode = #tpu.pipeline_mode<synchronous>, transform_indices = @transform_6, window_bounds = array<i64: 16, 64>}, {pipeline_mode = #tpu.pipeline_mode<synchronous>, transform_indices = @transform_7, window_bounds = array<i64: 4, 64>}, {pipeline_mode = #tpu.pipeline_mode<synchronous>, transform_indices = @transform_8, window_bounds = array<i64: 8, 32>}, {pipeline_mode = #tpu.pipeline_mode<synchronous>, transform_indices = @transform_9, window_bounds = array<i64: 8, 64>}, {pipeline_mode = #tpu.pipeline_mode<synchronous>, transform_indices = @transform_10, window_bounds = array<i64: 8, 64>}]} {
    %get3A = arith.constant 0 : index
    %get3A_0 = arith.constant 0 : index
    %get3A_1 = vector.load %arg1[%get3A, %get3A_0] : memref<2048x16xf32, #tpu.memory_space<vmem>>, vector<2048x16xf32>
    %get3A_2 = arith.constant 0 : index
    %get3A_3 = arith.constant 0 : index
    %get3A_4 = vector.load %arg2[%get3A_2, %get3A_3] : memref<32x4xf32, #tpu.memory_space<vmem>>, vector<32x4xf32>
    %iota3A = tpu.iota {dimensions = array<i32: 0>} : vector<2048x1xi32>
    %jit3A = arith.constant 64 : i32
    %eq3A = arith.constant 0 : i32
    %eq3A_5 = arith.cmpi eq, %jit3A, %eq3A : i32
    %jit3A_6 = arith.constant 1 : i32
    %select_n3A = arith.select %eq3A_5, %jit3A_6, %jit3A : i32
    %rem3A = vector.broadcast %select_n3A : i32 to vector<2048x1xi32>
    %rem3A_7 = arith.remsi %iota3A, %rem3A : vector<2048x1xi32>
    %ne3A = arith.constant 0 : i32
    %ne3A_8 = vector.broadcast %ne3A : i32 to vector<2048x1xi32>
    %ne3A_9 = arith.cmpi ne, %rem3A_7, %ne3A_8 : vector<2048x1xi32>
    %lt3A = arith.constant 0 : i32
    %lt3A_10 = vector.broadcast %lt3A : i32 to vector<2048x1xi32>
    %lt3A_11 = arith.cmpi slt, %rem3A_7, %lt3A_10 : vector<2048x1xi32>
    %lt3A_12 = arith.constant 0 : i32
    %lt3A_13 = arith.cmpi slt, %select_n3A, %lt3A_12 : i32
    %ne3A_14 = vector.broadcast %lt3A_13 : i1 to vector<2048x1xi1>
    %ne3A_15 = vector.broadcast %ne3A_14 : vector<2048x1xi1> to vector<2048x1xi1>
    %ne3A_16 = arith.xori %lt3A_11, %ne3A_15 : vector<2048x1xi1>
    %and3A = arith.andi %ne3A_16, %ne3A_9 : vector<2048x1xi1>
    %add3A = vector.broadcast %select_n3A : i32 to vector<2048x1xi32>
    %add3A_17 = arith.addi %rem3A_7, %add3A : vector<2048x1xi32>
    %select_n3A_18 = arith.select %and3A, %add3A_17, %rem3A_7 : vector<2048x1xi1>, vector<2048x1xi32>
    %lt3A_19 = arith.constant 16 : i32
    %lt3A_20 = vector.broadcast %lt3A_19 : i32 to vector<2048x1xi32>
    %lt3A_21 = arith.cmpi slt, %select_n3A_18, %lt3A_20 : vector<2048x1xi32>
    %get3A_22 = arith.constant 0 : index
    %get3A_23 = arith.constant 0 : index
    %get3A_24 = vector.load %arg3[%get3A_22, %get3A_23] : memref<16x32xf32, #tpu.memory_space<vmem>>, vector<16x32xf32>
    %dot_general3A = arith.constant dense<0.000000e+00> : vector<2048x32xf32>
    %dot_general3A_25 = tpu.matmul %get3A_1, %get3A_24, %dot_general3A {dimension_numbers = #tpu.dot_dimension_numbers<[1], [0], [0], [1], [0, 0, 1, 1], [], []>, transpose_lhs_hint = false} : vector<2048x16xf32>, vector<16x32xf32>, vector<2048x32xf32> -> vector<2048x32xf32>
    %get3A_26 = arith.constant 0 : index
    %get3A_27 = arith.constant 0 : index
    %get3A_28 = vector.load %arg4[%get3A_26, %get3A_27] : memref<4x32xf32, #tpu.memory_space<vmem>>, vector<4x32xf32>
    %dot_general3A_29 = arith.constant dense<0.000000e+00> : vector<32x32xf32>
    %dot_general3A_30 = tpu.matmul %get3A_4, %get3A_28, %dot_general3A_29 {dimension_numbers = #tpu.dot_dimension_numbers<[1], [0], [0], [1], [0, 0, 1, 1], [], []>, transpose_lhs_hint = false} : vector<32x4xf32>, vector<4x32xf32>, vector<32x32xf32> -> vector<32x32xf32>
    %reshape3A = vector.shape_cast %dot_general3A_25 : vector<2048x32xf32> to vector<32x64x32xf32>
    %broadcast_in_dim3A = vector.shape_cast %dot_general3A_30 : vector<32x32xf32> to vector<32x1x32xf32>
    %sub3A = vector.broadcast %broadcast_in_dim3A : vector<32x1x32xf32> to vector<32x64x32xf32>
    %sub3A_31 = arith.subf %reshape3A, %sub3A : vector<32x64x32xf32>
    %reshape3A_32 = vector.shape_cast %sub3A_31 : vector<32x64x32xf32> to vector<2048x32xf32>
    %eq3A_33 = arith.constant 0 : i32
    %eq3A_34 = arith.cmpi eq, %arg0, %eq3A_33 : i32
    %convert_element_type3A = arith.extui %eq3A_34 : i1 to i32
    %cond3A = arith.constant 0 : i32
    %cond3A_35 = arith.cmpi ne, %convert_element_type3A, %cond3A : i32
    scf.if %cond3A_35 {
      %broadcast_in_dim3A_157 = arith.constant 0.000000e+00 : f32
      %broadcast_in_dim3A_158 = vector.broadcast %broadcast_in_dim3A_157 : f32 to vector<8x32xf32>
      %swap3A_159 = arith.constant 0 : index
      %swap3A_160 = arith.constant 0 : index
      %swap3A_161 = vector.load %arg9[%swap3A_159, %swap3A_160] : memref<8x32xf32, #tpu.memory_space<vmem>>, vector<8x32xf32>
      tpu.vector_store %arg9[%swap3A_159, %swap3A_160], %broadcast_in_dim3A_158 {strides = array<i32>} : memref<8x32xf32, #tpu.memory_space<vmem>>, vector<8x32xf32>,
    } else {
    }
    %jit3A_36 = arith.constant 0.000000e+00 : f32
    %broadcast_in_dim3A_37 = vector.shape_cast %lt3A_21 : vector<2048x1xi1> to vector<2048x1xi1>
    %broadcast_in_dim3A_38 = vector.broadcast %broadcast_in_dim3A_37 : vector<2048x1xi1> to vector<2048x32xi1>
    %broadcast_in_dim3A_39 = vector.broadcast %jit3A_36 : f32 to vector<2048x32xf32>
    %select_n3A_40 = arith.select %broadcast_in_dim3A_38, %reshape3A_32, %broadcast_in_dim3A_39 : vector<2048x32xi1>, vector<2048x32xf32>
    %get3A_41 = arith.constant 0 : index
    %get3A_42 = arith.constant 0 : index
    %get3A_43 = vector.load %arg9[%get3A_41, %get3A_42] : memref<8x32xf32, #tpu.memory_space<vmem>>, vector<1x32xf32>
    %reduce_sum3A = arith.constant dense<0.000000e+00> : vector<32xf32>
    %reduce_sum3A_44 = vector.multi_reduction <add>, %select_n3A_40, %reduce_sum3A [0] : vector<2048x32xf32> to vector<32xf32>
    %broadcast_in_dim3A_45 = vector.shape_cast %reduce_sum3A_44 : vector<32xf32> to vector<1x32xf32>
    %add3A_46 = arith.addf %get3A_43, %broadcast_in_dim3A_45 : vector<1x32xf32>
    %swap3A = arith.constant 0 : index
    %swap3A_47 = arith.constant 0 : index
    %swap3A_48 = vector.load %arg9[%swap3A, %swap3A_47] : memref<8x32xf32, #tpu.memory_space<vmem>>, vector<1x32xf32>
    tpu.vector_store %arg9[%swap3A, %swap3A_47], %add3A_46 {strides = array<i32>} : memref<8x32xf32, #tpu.memory_space<vmem>>, vector<1x32xf32>,
    %get3A_49 = arith.constant 1 : index
    %get3A_50 = arith.constant 0 : index
    %get3A_51 = vector.load %arg9[%get3A_49, %get3A_50] : memref<8x32xf32, #tpu.memory_space<vmem>>, vector<1x32xf32>
    %mul3A = arith.mulf %select_n3A_40, %reshape3A_32 : vector<2048x32xf32>
    %reduce_sum3A_52 = arith.constant dense<0.000000e+00> : vector<32xf32>
    %reduce_sum3A_53 = vector.multi_reduction <add>, %mul3A, %reduce_sum3A_52 [0] : vector<2048x32xf32> to vector<32xf32>
    %broadcast_in_dim3A_54 = vector.shape_cast %reduce_sum3A_53 : vector<32xf32> to vector<1x32xf32>
    %add3A_55 = arith.addf %get3A_51, %broadcast_in_dim3A_54 : vector<1x32xf32>
    %swap3A_56 = arith.constant 1 : index
    %swap3A_57 = arith.constant 0 : index
    %swap3A_58 = vector.load %arg9[%swap3A_56, %swap3A_57] : memref<8x32xf32, #tpu.memory_space<vmem>>, vector<1x32xf32>
    tpu.vector_store %arg9[%swap3A_56, %swap3A_57], %add3A_55 {strides = array<i32>} : memref<8x32xf32, #tpu.memory_space<vmem>>, vector<1x32xf32>,
    %lt3A_59 = arith.constant 32 : i32
    %lt3A_60 = vector.broadcast %lt3A_59 : i32 to vector<2048x1xi32>
    %lt3A_61 = arith.cmpi slt, %select_n3A_18, %lt3A_60 : vector<2048x1xi32>
    %get3A_62 = arith.constant 0 : index
    %get3A_63 = arith.constant 0 : index
    %get3A_64 = vector.load %arg5[%get3A_62, %get3A_63] : memref<16x64xf32, #tpu.memory_space<vmem>>, vector<16x64xf32>
    %dot_general3A_65 = arith.constant dense<0.000000e+00> : vector<2048x64xf32>
    %dot_general3A_66 = tpu.matmul %get3A_1, %get3A_64, %dot_general3A_65 {dimension_numbers = #tpu.dot_dimension_numbers<[1], [0], [0], [1], [0, 0, 1, 1], [], []>, transpose_lhs_hint = false} : vector<2048x16xf32>, vector<16x64xf32>, vector<2048x64xf32> -> vector<2048x64xf32>
    %get3A_67 = arith.constant 0 : index
    %get3A_68 = arith.constant 0 : index
    %get3A_69 = vector.load %arg6[%get3A_67, %get3A_68] : memref<4x64xf32, #tpu.memory_space<vmem>>, vector<4x64xf32>
    %dot_general3A_70 = arith.constant dense<0.000000e+00> : vector<32x64xf32>
    %dot_general3A_71 = tpu.matmul %get3A_4, %get3A_69, %dot_general3A_70 {dimension_numbers = #tpu.dot_dimension_numbers<[1], [0], [0], [1], [0, 0, 1, 1], [], []>, transpose_lhs_hint = false} : vector<32x4xf32>, vector<4x64xf32>, vector<32x64xf32> -> vector<32x64xf32>
    %reshape3A_72 = vector.shape_cast %dot_general3A_66 : vector<2048x64xf32> to vector<32x64x64xf32>
    %broadcast_in_dim3A_73 = vector.shape_cast %dot_general3A_71 : vector<32x64xf32> to vector<32x1x64xf32>
    %sub3A_74 = vector.broadcast %broadcast_in_dim3A_73 : vector<32x1x64xf32> to vector<32x64x64xf32>
    %sub3A_75 = arith.subf %reshape3A_72, %sub3A_74 : vector<32x64x64xf32>
    %reshape3A_76 = vector.shape_cast %sub3A_75 : vector<32x64x64xf32> to vector<2048x64xf32>
    %eq3A_77 = arith.constant 0 : i32
    %eq3A_78 = arith.cmpi eq, %arg0, %eq3A_77 : i32
    %convert_element_type3A_79 = arith.extui %eq3A_78 : i1 to i32
    %cond3A_80 = arith.constant 0 : i32
    %cond3A_81 = arith.cmpi ne, %convert_element_type3A_79, %cond3A_80 : i32
    scf.if %cond3A_81 {
      %broadcast_in_dim3A_157 = arith.constant 0.000000e+00 : f32
      %broadcast_in_dim3A_158 = vector.broadcast %broadcast_in_dim3A_157 : f32 to vector<8x64xf32>
      %swap3A_159 = arith.constant 0 : index
      %swap3A_160 = arith.constant 0 : index
      %swap3A_161 = vector.load %arg10[%swap3A_159, %swap3A_160] : memref<8x64xf32, #tpu.memory_space<vmem>>, vector<8x64xf32>
      tpu.vector_store %arg10[%swap3A_159, %swap3A_160], %broadcast_in_dim3A_158 {strides = array<i32>} : memref<8x64xf32, #tpu.memory_space<vmem>>, vector<8x64xf32>,
    } else {
    }
    %jit3A_82 = arith.constant 0.000000e+00 : f32
    %broadcast_in_dim3A_83 = vector.shape_cast %lt3A_61 : vector<2048x1xi1> to vector<2048x1xi1>
    %broadcast_in_dim3A_84 = vector.broadcast %broadcast_in_dim3A_83 : vector<2048x1xi1> to vector<2048x64xi1>
    %broadcast_in_dim3A_85 = vector.broadcast %jit3A_82 : f32 to vector<2048x64xf32>
    %select_n3A_86 = arith.select %broadcast_in_dim3A_84, %reshape3A_76, %broadcast_in_dim3A_85 : vector<2048x64xi1>, vector<2048x64xf32>
    %get3A_87 = arith.constant 0 : index
    %get3A_88 = arith.constant 0 : index
    %get3A_89 = vector.load %arg10[%get3A_87, %get3A_88] : memref<8x64xf32, #tpu.memory_space<vmem>>, vector<1x64xf32>
    %reduce_sum3A_90 = arith.constant dense<0.000000e+00> : vector<64xf32>
    %reduce_sum3A_91 = vector.multi_reduction <add>, %select_n3A_86, %reduce_sum3A_90 [0] : vector<2048x64xf32> to vector<64xf32>
    %broadcast_in_dim3A_92 = vector.shape_cast %reduce_sum3A_91 : vector<64xf32> to vector<1x64xf32>
    %add3A_93 = arith.addf %get3A_89, %broadcast_in_dim3A_92 : vector<1x64xf32>
    %swap3A_94 = arith.constant 0 : index
    %swap3A_95 = arith.constant 0 : index
    %swap3A_96 = vector.load %arg10[%swap3A_94, %swap3A_95] : memref<8x64xf32, #tpu.memory_space<vmem>>, vector<1x64xf32>
    tpu.vector_store %arg10[%swap3A_94, %swap3A_95], %add3A_93 {strides = array<i32>} : memref<8x64xf32, #tpu.memory_space<vmem>>, vector<1x64xf32>,
    %get3A_97 = arith.constant 1 : index
    %get3A_98 = arith.constant 0 : index
    %get3A_99 = vector.load %arg10[%get3A_97, %get3A_98] : memref<8x64xf32, #tpu.memory_space<vmem>>, vector<1x64xf32>
    %mul3A_100 = arith.mulf %select_n3A_86, %reshape3A_76 : vector<2048x64xf32>
    %reduce_sum3A_101 = arith.constant dense<0.000000e+00> : vector<64xf32>
    %reduce_sum3A_102 = vector.multi_reduction <add>, %mul3A_100, %reduce_sum3A_101 [0] : vector<2048x64xf32> to vector<64xf32>
    %broadcast_in_dim3A_103 = vector.shape_cast %reduce_sum3A_102 : vector<64xf32> to vector<1x64xf32>
    %add3A_104 = arith.addf %get3A_99, %broadcast_in_dim3A_103 : vector<1x64xf32>
    %swap3A_105 = arith.constant 1 : index
    %swap3A_106 = arith.constant 0 : index
    %swap3A_107 = vector.load %arg10[%swap3A_105, %swap3A_106] : memref<8x64xf32, #tpu.memory_space<vmem>>, vector<1x64xf32>
    tpu.vector_store %arg10[%swap3A_105, %swap3A_106], %add3A_104 {strides = array<i32>} : memref<8x64xf32, #tpu.memory_space<vmem>>, vector<1x64xf32>,
    %lt3A_108 = arith.constant 64 : i32
    %lt3A_109 = vector.broadcast %lt3A_108 : i32 to vector<2048x1xi32>
    %lt3A_110 = arith.cmpi slt, %select_n3A_18, %lt3A_109 : vector<2048x1xi32>
    %get3A_111 = arith.constant 0 : index
    %get3A_112 = arith.constant 0 : index
    %get3A_113 = vector.load %arg7[%get3A_111, %get3A_112] : memref<16x64xf32, #tpu.memory_space<vmem>>, vector<16x64xf32>
    %dot_general3A_114 = arith.constant dense<0.000000e+00> : vector<2048x64xf32>
    %dot_general3A_115 = tpu.matmul %get3A_1, %get3A_113, %dot_general3A_114 {dimension_numbers = #tpu.dot_dimension_numbers<[1], [0], [0], [1], [0, 0, 1, 1], [], []>, transpose_lhs_hint = false} : vector<2048x16xf32>, vector<16x64xf32>, vector<2048x64xf32> -> vector<2048x64xf32>
    %get3A_116 = arith.constant 0 : index
    %get3A_117 = arith.constant 0 : index
    %get3A_118 = vector.load %arg8[%get3A_116, %get3A_117] : memref<4x64xf32, #tpu.memory_space<vmem>>, vector<4x64xf32>
    %dot_general3A_119 = arith.constant dense<0.000000e+00> : vector<32x64xf32>
    %dot_general3A_120 = tpu.matmul %get3A_4, %get3A_118, %dot_general3A_119 {dimension_numbers = #tpu.dot_dimension_numbers<[1], [0], [0], [1], [0, 0, 1, 1], [], []>, transpose_lhs_hint = false} : vector<32x4xf32>, vector<4x64xf32>, vector<32x64xf32> -> vector<32x64xf32>
    %reshape3A_121 = vector.shape_cast %dot_general3A_115 : vector<2048x64xf32> to vector<32x64x64xf32>
    %broadcast_in_dim3A_122 = vector.shape_cast %dot_general3A_120 : vector<32x64xf32> to vector<32x1x64xf32>
    %sub3A_123 = vector.broadcast %broadcast_in_dim3A_122 : vector<32x1x64xf32> to vector<32x64x64xf32>
    %sub3A_124 = arith.subf %reshape3A_121, %sub3A_123 : vector<32x64x64xf32>
    %reshape3A_125 = vector.shape_cast %sub3A_124 : vector<32x64x64xf32> to vector<2048x64xf32>
    %eq3A_126 = arith.constant 0 : i32
    %eq3A_127 = arith.cmpi eq, %arg0, %eq3A_126 : i32
    %convert_element_type3A_128 = arith.extui %eq3A_127 : i1 to i32
    %cond3A_129 = arith.constant 0 : i32
    %cond3A_130 = arith.cmpi ne, %convert_element_type3A_128, %cond3A_129 : i32
    scf.if %cond3A_130 {
      %broadcast_in_dim3A_157 = arith.constant 0.000000e+00 : f32
      %broadcast_in_dim3A_158 = vector.broadcast %broadcast_in_dim3A_157 : f32 to vector<8x64xf32>
      %swap3A_159 = arith.constant 0 : index
      %swap3A_160 = arith.constant 0 : index
      %swap3A_161 = vector.load %arg11[%swap3A_159, %swap3A_160] : memref<8x64xf32, #tpu.memory_space<vmem>>, vector<8x64xf32>
      tpu.vector_store %arg11[%swap3A_159, %swap3A_160], %broadcast_in_dim3A_158 {strides = array<i32>} : memref<8x64xf32, #tpu.memory_space<vmem>>, vector<8x64xf32>,
    } else {
    }
    %jit3A_131 = arith.constant 0.000000e+00 : f32
    %broadcast_in_dim3A_132 = vector.shape_cast %lt3A_110 : vector<2048x1xi1> to vector<2048x1xi1>
    %broadcast_in_dim3A_133 = vector.broadcast %broadcast_in_dim3A_132 : vector<2048x1xi1> to vector<2048x64xi1>
    %broadcast_in_dim3A_134 = vector.broadcast %jit3A_131 : f32 to vector<2048x64xf32>
    %select_n3A_135 = arith.select %broadcast_in_dim3A_133, %reshape3A_125, %broadcast_in_dim3A_134 : vector<2048x64xi1>, vector<2048x64xf32>
    %get3A_136 = arith.constant 0 : index
    %get3A_137 = arith.constant 0 : index
    %get3A_138 = vector.load %arg11[%get3A_136, %get3A_137] : memref<8x64xf32, #tpu.memory_space<vmem>>, vector<1x64xf32>
    %reduce_sum3A_139 = arith.constant dense<0.000000e+00> : vector<64xf32>
    %reduce_sum3A_140 = vector.multi_reduction <add>, %select_n3A_135, %reduce_sum3A_139 [0] : vector<2048x64xf32> to vector<64xf32>
    %broadcast_in_dim3A_141 = vector.shape_cast %reduce_sum3A_140 : vector<64xf32> to vector<1x64xf32>
    %add3A_142 = arith.addf %get3A_138, %broadcast_in_dim3A_141 : vector<1x64xf32>
    %swap3A_143 = arith.constant 0 : index
    %swap3A_144 = arith.constant 0 : index
    %swap3A_145 = vector.load %arg11[%swap3A_143, %swap3A_144] : memref<8x64xf32, #tpu.memory_space<vmem>>, vector<1x64xf32>
    tpu.vector_store %arg11[%swap3A_143, %swap3A_144], %add3A_142 {strides = array<i32>} : memref<8x64xf32, #tpu.memory_space<vmem>>, vector<1x64xf32>,
    %get3A_146 = arith.constant 1 : index
    %get3A_147 = arith.constant 0 : index
    %get3A_148 = vector.load %arg11[%get3A_146, %get3A_147] : memref<8x64xf32, #tpu.memory_space<vmem>>, vector<1x64xf32>
    %mul3A_149 = arith.mulf %select_n3A_135, %reshape3A_125 : vector<2048x64xf32>
    %reduce_sum3A_150 = arith.constant dense<0.000000e+00> : vector<64xf32>
    %reduce_sum3A_151 = vector.multi_reduction <add>, %mul3A_149, %reduce_sum3A_150 [0] : vector<2048x64xf32> to vector<64xf32>
    %broadcast_in_dim3A_152 = vector.shape_cast %reduce_sum3A_151 : vector<64xf32> to vector<1x64xf32>
    %add3A_153 = arith.addf %get3A_148, %broadcast_in_dim3A_152 : vector<1x64xf32>
    %swap3A_154 = arith.constant 1 : index
    %swap3A_155 = arith.constant 0 : index
    %swap3A_156 = vector.load %arg11[%swap3A_154, %swap3A_155] : memref<8x64xf32, #tpu.memory_space<vmem>>, vector<1x64xf32>
    tpu.vector_store %arg11[%swap3A_154, %swap3A_155], %add3A_153 {strides = array<i32>} : memref<8x64xf32, #tpu.memory_space<vmem>>, vector<1x64xf32>,
    return
  }
  func.func @transform_0(%arg0: i32) -> (i32, i32) {
    %c0_i32 = arith.constant 0 : i32
    %c0_i32_0 = arith.constant 0 : i32
    return %arg0, %c0_i32 : i32, i32
  }
  func.func @transform_1(%arg0: i32) -> (i32, i32) {
    %c0_i32 = arith.constant 0 : i32
    %c0_i32_0 = arith.constant 0 : i32
    return %arg0, %c0_i32 : i32, i32
  }
  func.func @transform_2(%arg0: i32) -> (i32, i32) {
    %c0_i32 = arith.constant 0 : i32
    %c0_i32_0 = arith.constant 0 : i32
    %c0_i32_1 = arith.constant 0 : i32
    return %c0_i32, %c0_i32_0 : i32, i32
  }
  func.func @transform_3(%arg0: i32) -> (i32, i32) {
    %c0_i32 = arith.constant 0 : i32
    %c0_i32_0 = arith.constant 0 : i32
    %c0_i32_1 = arith.constant 0 : i32
    return %c0_i32, %c0_i32_0 : i32, i32
  }
  func.func @transform_4(%arg0: i32) -> (i32, i32) {
    %c0_i32 = arith.constant 0 : i32
    %c0_i32_0 = arith.constant 0 : i32
    %c0_i32_1 = arith.constant 0 : i32
    return %c0_i32, %c0_i32_0 : i32, i32
  }
  func.func @transform_5(%arg0: i32) -> (i32, i32) {
    %c0_i32 = arith.constant 0 : i32
    %c0_i32_0 = arith.constant 0 : i32
    %c0_i32_1 = arith.constant 0 : i32
    return %c0_i32, %c0_i32_0 : i32, i32
  }
  func.func @transform_6(%arg0: i32) -> (i32, i32) {
    %c0_i32 = arith.constant 0 : i32
    %c0_i32_0 = arith.constant 0 : i32
    %c0_i32_1 = arith.constant 0 : i32
    return %c0_i32, %c0_i32_0 : i32, i32
  }
  func.func @transform_7(%arg0: i32) -> (i32, i32) {
    %c0_i32 = arith.constant 0 : i32
    %c0_i32_0 = arith.constant 0 : i32
    %c0_i32_1 = arith.constant 0 : i32
    return %c0_i32, %c0_i32_0 : i32, i32
  }
  func.func @transform_8(%arg0: i32) -> (i32, i32) {
    %c0_i32 = arith.constant 0 : i32
    %c0_i32_0 = arith.constant 0 : i32
    %c0_i32_1 = arith.constant 0 : i32
    return %c0_i32, %c0_i32_0 : i32, i32
  }
  func.func @transform_9(%arg0: i32) -> (i32, i32) {
    %c0_i32 = arith.constant 0 : i32
    %c0_i32_0 = arith.constant 0 : i32
    %c0_i32_1 = arith.constant 0 : i32
    return %c0_i32, %c0_i32_0 : i32, i32
  }
  func.func @transform_10(%arg0: i32) -> (i32, i32) {
    %c0_i32 = arith.constant 0 : i32
    %c0_i32_0 = arith.constant 0 : i32
    %c0_i32_1 = arith.constant 0 : i32
    return %c0_i32, %c0_i32_0 : i32, i32
  }
}

module attributes {stable_mosaic.version = 14 : i64} {
  func.func @_ph_body(%arg0: i32, %arg1: memref<2048x16xf32, #tpu.memory_space<vmem>>, %arg2: memref<32x4xf32, #tpu.memory_space<vmem>>, %arg3: memref<16x32xf32, #tpu.memory_space<vmem>>, %arg4: memref<4x32xf32, #tpu.memory_space<vmem>>, %arg5: memref<8x32xf32, #tpu.memory_space<vmem>>, %arg6: memref<32x32xf32, #tpu.memory_space<vmem>>, %arg7: memref<2x32xf32, #tpu.memory_space<vmem>>, %arg8: memref<16x64xf32, #tpu.memory_space<vmem>>, %arg9: memref<4x64xf32, #tpu.memory_space<vmem>>, %arg10: memref<8x64xf32, #tpu.memory_space<vmem>>, %arg11: memref<64x64xf32, #tpu.memory_space<vmem>>, %arg12: memref<2x64xf32, #tpu.memory_space<vmem>>, %arg13: memref<16x64xf32, #tpu.memory_space<vmem>>, %arg14: memref<4x64xf32, #tpu.memory_space<vmem>>, %arg15: memref<8x64xf32, #tpu.memory_space<vmem>>, %arg16: memref<64x96xf32, #tpu.memory_space<vmem>>, %arg17: memref<2x64xf32, #tpu.memory_space<vmem>>, %arg18: memref<8x32xf32, #tpu.memory_space<vmem>>, %arg19: memref<8x64xf32, #tpu.memory_space<vmem>>, %arg20: memref<8x96xf32, #tpu.memory_space<vmem>>) attributes {dimension_semantics = [#tpu.dimension_semantics<arbitrary>], iteration_bounds = array<i64: 128>, scalar_prefetch = 0 : i64, scratch_operands = 0 : i64, tpu.core_type = #tpu.core_type<tc>, window_params = [{transform_indices = @transform_0, window_bounds = array<i64: 2048, 16>}, {transform_indices = @transform_1, window_bounds = array<i64: 32, 4>}, {pipeline_mode = #tpu.pipeline_mode<synchronous>, transform_indices = @transform_2, window_bounds = array<i64: 16, 32>}, {pipeline_mode = #tpu.pipeline_mode<synchronous>, transform_indices = @transform_3, window_bounds = array<i64: 4, 32>}, {pipeline_mode = #tpu.pipeline_mode<synchronous>, transform_indices = @transform_4, window_bounds = array<i64: 8, 32>}, {pipeline_mode = #tpu.pipeline_mode<synchronous>, transform_indices = @transform_5, window_bounds = array<i64: 32, 32>}, {pipeline_mode = #tpu.pipeline_mode<synchronous>, transform_indices = @transform_6, window_bounds = array<i64: 2, 32>}, {pipeline_mode = #tpu.pipeline_mode<synchronous>, transform_indices = @transform_7, window_bounds = array<i64: 16, 64>}, {pipeline_mode = #tpu.pipeline_mode<synchronous>, transform_indices = @transform_8, window_bounds = array<i64: 4, 64>}, {pipeline_mode = #tpu.pipeline_mode<synchronous>, transform_indices = @transform_9, window_bounds = array<i64: 8, 64>}, {pipeline_mode = #tpu.pipeline_mode<synchronous>, transform_indices = @transform_10, window_bounds = array<i64: 64, 64>}, {pipeline_mode = #tpu.pipeline_mode<synchronous>, transform_indices = @transform_11, window_bounds = array<i64: 2, 64>}, {pipeline_mode = #tpu.pipeline_mode<synchronous>, transform_indices = @transform_12, window_bounds = array<i64: 16, 64>}, {pipeline_mode = #tpu.pipeline_mode<synchronous>, transform_indices = @transform_13, window_bounds = array<i64: 4, 64>}, {pipeline_mode = #tpu.pipeline_mode<synchronous>, transform_indices = @transform_14, window_bounds = array<i64: 8, 64>}, {pipeline_mode = #tpu.pipeline_mode<synchronous>, transform_indices = @transform_15, window_bounds = array<i64: 64, 96>}, {pipeline_mode = #tpu.pipeline_mode<synchronous>, transform_indices = @transform_16, window_bounds = array<i64: 2, 64>}, {pipeline_mode = #tpu.pipeline_mode<synchronous>, transform_indices = @transform_17, window_bounds = array<i64: 8, 32>}, {pipeline_mode = #tpu.pipeline_mode<synchronous>, transform_indices = @transform_18, window_bounds = array<i64: 8, 64>}, {pipeline_mode = #tpu.pipeline_mode<synchronous>, transform_indices = @transform_19, window_bounds = array<i64: 8, 96>}]} {
    %get3A = arith.constant 0 : index
    %get3A_0 = arith.constant 0 : index
    %get3A_1 = vector.load %arg1[%get3A, %get3A_0] : memref<2048x16xf32, #tpu.memory_space<vmem>>, vector<2048x16xf32>
    %get3A_2 = arith.constant 0 : index
    %get3A_3 = arith.constant 0 : index
    %get3A_4 = vector.load %arg2[%get3A_2, %get3A_3] : memref<32x4xf32, #tpu.memory_space<vmem>>, vector<32x4xf32>
    %iota3A = tpu.iota {dimensions = array<i32: 0>} : vector<2048x1xi32>
    %jit3A = arith.constant 64 : i32
    %eq3A = arith.constant 0 : i32
    %eq3A_5 = arith.cmpi eq, %jit3A, %eq3A : i32
    %jit3A_6 = arith.constant 1 : i32
    %select_n3A = arith.select %eq3A_5, %jit3A_6, %jit3A : i32
    %rem3A = vector.broadcast %select_n3A : i32 to vector<2048x1xi32>
    %rem3A_7 = arith.remsi %iota3A, %rem3A : vector<2048x1xi32>
    %ne3A = arith.constant 0 : i32
    %ne3A_8 = vector.broadcast %ne3A : i32 to vector<2048x1xi32>
    %ne3A_9 = arith.cmpi ne, %rem3A_7, %ne3A_8 : vector<2048x1xi32>
    %lt3A = arith.constant 0 : i32
    %lt3A_10 = vector.broadcast %lt3A : i32 to vector<2048x1xi32>
    %lt3A_11 = arith.cmpi slt, %rem3A_7, %lt3A_10 : vector<2048x1xi32>
    %lt3A_12 = arith.constant 0 : i32
    %lt3A_13 = arith.cmpi slt, %select_n3A, %lt3A_12 : i32
    %ne3A_14 = vector.broadcast %lt3A_13 : i1 to vector<2048x1xi1>
    %ne3A_15 = vector.broadcast %ne3A_14 : vector<2048x1xi1> to vector<2048x1xi1>
    %ne3A_16 = arith.xori %lt3A_11, %ne3A_15 : vector<2048x1xi1>
    %and3A = arith.andi %ne3A_16, %ne3A_9 : vector<2048x1xi1>
    %add3A = vector.broadcast %select_n3A : i32 to vector<2048x1xi32>
    %add3A_17 = arith.addi %rem3A_7, %add3A : vector<2048x1xi32>
    %select_n3A_18 = arith.select %and3A, %add3A_17, %rem3A_7 : vector<2048x1xi1>, vector<2048x1xi32>
    %lt3A_19 = arith.constant 16 : i32
    %lt3A_20 = vector.broadcast %lt3A_19 : i32 to vector<2048x1xi32>
    %lt3A_21 = arith.cmpi slt, %select_n3A_18, %lt3A_20 : vector<2048x1xi32>
    %get3A_22 = arith.constant 0 : index
    %get3A_23 = arith.constant 0 : index
    %get3A_24 = vector.load %arg3[%get3A_22, %get3A_23] : memref<16x32xf32, #tpu.memory_space<vmem>>, vector<16x32xf32>
    %dot_general3A = arith.constant dense<0.000000e+00> : vector<2048x32xf32>
    %dot_general3A_25 = tpu.matmul %get3A_1, %get3A_24, %dot_general3A {dimension_numbers = #tpu.dot_dimension_numbers<[1], [0], [0], [1], [0, 0, 1, 1], [], []>, transpose_lhs_hint = false} : vector<2048x16xf32>, vector<16x32xf32>, vector<2048x32xf32> -> vector<2048x32xf32>
    %get3A_26 = arith.constant 0 : index
    %get3A_27 = arith.constant 0 : index
    %get3A_28 = vector.load %arg4[%get3A_26, %get3A_27] : memref<4x32xf32, #tpu.memory_space<vmem>>, vector<4x32xf32>
    %dot_general3A_29 = arith.constant dense<0.000000e+00> : vector<32x32xf32>
    %dot_general3A_30 = tpu.matmul %get3A_4, %get3A_28, %dot_general3A_29 {dimension_numbers = #tpu.dot_dimension_numbers<[1], [0], [0], [1], [0, 0, 1, 1], [], []>, transpose_lhs_hint = false} : vector<32x4xf32>, vector<4x32xf32>, vector<32x32xf32> -> vector<32x32xf32>
    %reshape3A = vector.shape_cast %dot_general3A_25 : vector<2048x32xf32> to vector<32x64x32xf32>
    %broadcast_in_dim3A = vector.shape_cast %dot_general3A_30 : vector<32x32xf32> to vector<32x1x32xf32>
    %sub3A = vector.broadcast %broadcast_in_dim3A : vector<32x1x32xf32> to vector<32x64x32xf32>
    %sub3A_31 = arith.subf %reshape3A, %sub3A : vector<32x64x32xf32>
    %reshape3A_32 = vector.shape_cast %sub3A_31 : vector<32x64x32xf32> to vector<2048x32xf32>
    %get3A_33 = arith.constant 0 : index
    %get3A_34 = arith.constant 0 : index
    %get3A_35 = vector.load %arg5[%get3A_33, %get3A_34] : memref<8x32xf32, #tpu.memory_space<vmem>>, vector<8x32xf32>
    %get3A_36 = arith.constant 0 : index
    %get3A_37 = arith.constant 0 : index
    %get3A_38 = vector.load %arg7[%get3A_36, %get3A_37] : memref<2x32xf32, #tpu.memory_space<vmem>>, vector<2x32xf32>
    %slice3A = vector.extract_strided_slice %get3A_35 {offsets = [0, 0], sizes = [1, 32], strides = [1, 1]} : vector<8x32xf32> to vector<1x32xf32>
    %mul3A = arith.constant 1.52587891E-5 : f32
    %mul3A_39 = vector.broadcast %mul3A : f32 to vector<1x32xf32>
    %mul3A_40 = arith.mulf %slice3A, %mul3A_39 : vector<1x32xf32>
    %slice3A_41 = vector.extract_strided_slice %get3A_35 {offsets = [1, 0], sizes = [1, 32], strides = [1, 1]} : vector<8x32xf32> to vector<1x32xf32>
    %mul3A_42 = arith.constant 1.52587891E-5 : f32
    %mul3A_43 = vector.broadcast %mul3A_42 : f32 to vector<1x32xf32>
    %mul3A_44 = arith.mulf %slice3A_41, %mul3A_43 : vector<1x32xf32>
    %mul3A_45 = arith.mulf %mul3A_40, %mul3A_40 : vector<1x32xf32>
    %sub3A_46 = arith.subf %mul3A_44, %mul3A_45 : vector<1x32xf32>
    %add3A_47 = arith.constant 9.99999974E-6 : f32
    %add3A_48 = vector.broadcast %add3A_47 : f32 to vector<1x32xf32>
    %add3A_49 = arith.addf %sub3A_46, %add3A_48 : vector<1x32xf32>
    %rsqrt3A = math.rsqrt %add3A_49 : vector<1x32xf32>
    %slice3A_50 = vector.extract_strided_slice %get3A_38 {offsets = [0, 0], sizes = [1, 32], strides = [1, 1]} : vector<2x32xf32> to vector<1x32xf32>
    %mul3A_51 = arith.mulf %rsqrt3A, %slice3A_50 : vector<1x32xf32>
    %sub3A_52 = vector.broadcast %mul3A_40 : vector<1x32xf32> to vector<2048x32xf32>
    %sub3A_53 = arith.subf %reshape3A_32, %sub3A_52 : vector<2048x32xf32>
    %mul3A_54 = vector.broadcast %mul3A_51 : vector<1x32xf32> to vector<2048x32xf32>
    %mul3A_55 = arith.mulf %sub3A_53, %mul3A_54 : vector<2048x32xf32>
    %slice3A_56 = vector.extract_strided_slice %get3A_38 {offsets = [1, 0], sizes = [1, 32], strides = [1, 1]} : vector<2x32xf32> to vector<1x32xf32>
    %add3A_57 = vector.broadcast %slice3A_56 : vector<1x32xf32> to vector<2048x32xf32>
    %add3A_58 = arith.addf %mul3A_55, %add3A_57 : vector<2048x32xf32>
    %max3A = arith.constant 0.000000e+00 : f32
    %max3A_59 = vector.broadcast %max3A : f32 to vector<2048x32xf32>
    %max3A_60 = arith.maximumf %add3A_58, %max3A_59 : vector<2048x32xf32>
    %get3A_61 = arith.constant 0 : index
    %get3A_62 = arith.constant 0 : index
    %get3A_63 = vector.load %arg6[%get3A_61, %get3A_62] : memref<32x32xf32, #tpu.memory_space<vmem>>, vector<32x32xf32>
    %dot_general3A_64 = arith.constant dense<0.000000e+00> : vector<2048x32xf32>
    %dot_general3A_65 = tpu.matmul %max3A_60, %get3A_63, %dot_general3A_64 {dimension_numbers = #tpu.dot_dimension_numbers<[1], [0], [0], [1], [0, 0, 1, 1], [], []>, transpose_lhs_hint = false} : vector<2048x32xf32>, vector<32x32xf32>, vector<2048x32xf32> -> vector<2048x32xf32>
    %eq3A_66 = arith.constant 0 : i32
    %eq3A_67 = arith.cmpi eq, %arg0, %eq3A_66 : i32
    %convert_element_type3A = arith.extui %eq3A_67 : i1 to i32
    %cond3A = arith.constant 0 : i32
    %cond3A_68 = arith.cmpi ne, %convert_element_type3A, %cond3A : i32
    scf.if %cond3A_68 {
      %broadcast_in_dim3A_265 = arith.constant 0.000000e+00 : f32
      %broadcast_in_dim3A_266 = vector.broadcast %broadcast_in_dim3A_265 : f32 to vector<8x32xf32>
      %swap3A_267 = arith.constant 0 : index
      %swap3A_268 = arith.constant 0 : index
      %swap3A_269 = vector.load %arg18[%swap3A_267, %swap3A_268] : memref<8x32xf32, #tpu.memory_space<vmem>>, vector<8x32xf32>
      tpu.vector_store %arg18[%swap3A_267, %swap3A_268], %broadcast_in_dim3A_266 {strides = array<i32>} : memref<8x32xf32, #tpu.memory_space<vmem>>, vector<8x32xf32>,
    } else {
    }
    %jit3A_69 = arith.constant 0.000000e+00 : f32
    %broadcast_in_dim3A_70 = vector.shape_cast %lt3A_21 : vector<2048x1xi1> to vector<2048x1xi1>
    %broadcast_in_dim3A_71 = vector.broadcast %broadcast_in_dim3A_70 : vector<2048x1xi1> to vector<2048x32xi1>
    %broadcast_in_dim3A_72 = vector.broadcast %jit3A_69 : f32 to vector<2048x32xf32>
    %select_n3A_73 = arith.select %broadcast_in_dim3A_71, %dot_general3A_65, %broadcast_in_dim3A_72 : vector<2048x32xi1>, vector<2048x32xf32>
    %get3A_74 = arith.constant 0 : index
    %get3A_75 = arith.constant 0 : index
    %get3A_76 = vector.load %arg18[%get3A_74, %get3A_75] : memref<8x32xf32, #tpu.memory_space<vmem>>, vector<1x32xf32>
    %reduce_sum3A = arith.constant dense<0.000000e+00> : vector<32xf32>
    %reduce_sum3A_77 = vector.multi_reduction <add>, %select_n3A_73, %reduce_sum3A [0] : vector<2048x32xf32> to vector<32xf32>
    %broadcast_in_dim3A_78 = vector.shape_cast %reduce_sum3A_77 : vector<32xf32> to vector<1x32xf32>
    %add3A_79 = arith.addf %get3A_76, %broadcast_in_dim3A_78 : vector<1x32xf32>
    %swap3A = arith.constant 0 : index
    %swap3A_80 = arith.constant 0 : index
    %swap3A_81 = vector.load %arg18[%swap3A, %swap3A_80] : memref<8x32xf32, #tpu.memory_space<vmem>>, vector<1x32xf32>
    tpu.vector_store %arg18[%swap3A, %swap3A_80], %add3A_79 {strides = array<i32>} : memref<8x32xf32, #tpu.memory_space<vmem>>, vector<1x32xf32>,
    %get3A_82 = arith.constant 1 : index
    %get3A_83 = arith.constant 0 : index
    %get3A_84 = vector.load %arg18[%get3A_82, %get3A_83] : memref<8x32xf32, #tpu.memory_space<vmem>>, vector<1x32xf32>
    %mul3A_85 = arith.mulf %select_n3A_73, %dot_general3A_65 : vector<2048x32xf32>
    %reduce_sum3A_86 = arith.constant dense<0.000000e+00> : vector<32xf32>
    %reduce_sum3A_87 = vector.multi_reduction <add>, %mul3A_85, %reduce_sum3A_86 [0] : vector<2048x32xf32> to vector<32xf32>
    %broadcast_in_dim3A_88 = vector.shape_cast %reduce_sum3A_87 : vector<32xf32> to vector<1x32xf32>
    %add3A_89 = arith.addf %get3A_84, %broadcast_in_dim3A_88 : vector<1x32xf32>
    %swap3A_90 = arith.constant 1 : index
    %swap3A_91 = arith.constant 0 : index
    %swap3A_92 = vector.load %arg18[%swap3A_90, %swap3A_91] : memref<8x32xf32, #tpu.memory_space<vmem>>, vector<1x32xf32>
    tpu.vector_store %arg18[%swap3A_90, %swap3A_91], %add3A_89 {strides = array<i32>} : memref<8x32xf32, #tpu.memory_space<vmem>>, vector<1x32xf32>,
    %lt3A_93 = arith.constant 32 : i32
    %lt3A_94 = vector.broadcast %lt3A_93 : i32 to vector<2048x1xi32>
    %lt3A_95 = arith.cmpi slt, %select_n3A_18, %lt3A_94 : vector<2048x1xi32>
    %get3A_96 = arith.constant 0 : index
    %get3A_97 = arith.constant 0 : index
    %get3A_98 = vector.load %arg8[%get3A_96, %get3A_97] : memref<16x64xf32, #tpu.memory_space<vmem>>, vector<16x64xf32>
    %dot_general3A_99 = arith.constant dense<0.000000e+00> : vector<2048x64xf32>
    %dot_general3A_100 = tpu.matmul %get3A_1, %get3A_98, %dot_general3A_99 {dimension_numbers = #tpu.dot_dimension_numbers<[1], [0], [0], [1], [0, 0, 1, 1], [], []>, transpose_lhs_hint = false} : vector<2048x16xf32>, vector<16x64xf32>, vector<2048x64xf32> -> vector<2048x64xf32>
    %get3A_101 = arith.constant 0 : index
    %get3A_102 = arith.constant 0 : index
    %get3A_103 = vector.load %arg9[%get3A_101, %get3A_102] : memref<4x64xf32, #tpu.memory_space<vmem>>, vector<4x64xf32>
    %dot_general3A_104 = arith.constant dense<0.000000e+00> : vector<32x64xf32>
    %dot_general3A_105 = tpu.matmul %get3A_4, %get3A_103, %dot_general3A_104 {dimension_numbers = #tpu.dot_dimension_numbers<[1], [0], [0], [1], [0, 0, 1, 1], [], []>, transpose_lhs_hint = false} : vector<32x4xf32>, vector<4x64xf32>, vector<32x64xf32> -> vector<32x64xf32>
    %reshape3A_106 = vector.shape_cast %dot_general3A_100 : vector<2048x64xf32> to vector<32x64x64xf32>
    %broadcast_in_dim3A_107 = vector.shape_cast %dot_general3A_105 : vector<32x64xf32> to vector<32x1x64xf32>
    %sub3A_108 = vector.broadcast %broadcast_in_dim3A_107 : vector<32x1x64xf32> to vector<32x64x64xf32>
    %sub3A_109 = arith.subf %reshape3A_106, %sub3A_108 : vector<32x64x64xf32>
    %reshape3A_110 = vector.shape_cast %sub3A_109 : vector<32x64x64xf32> to vector<2048x64xf32>
    %get3A_111 = arith.constant 0 : index
    %get3A_112 = arith.constant 0 : index
    %get3A_113 = vector.load %arg10[%get3A_111, %get3A_112] : memref<8x64xf32, #tpu.memory_space<vmem>>, vector<8x64xf32>
    %get3A_114 = arith.constant 0 : index
    %get3A_115 = arith.constant 0 : index
    %get3A_116 = vector.load %arg12[%get3A_114, %get3A_115] : memref<2x64xf32, #tpu.memory_space<vmem>>, vector<2x64xf32>
    %slice3A_117 = vector.extract_strided_slice %get3A_113 {offsets = [0, 0], sizes = [1, 64], strides = [1, 1]} : vector<8x64xf32> to vector<1x64xf32>
    %mul3A_118 = arith.constant 7.62939453E-6 : f32
    %mul3A_119 = vector.broadcast %mul3A_118 : f32 to vector<1x64xf32>
    %mul3A_120 = arith.mulf %slice3A_117, %mul3A_119 : vector<1x64xf32>
    %slice3A_121 = vector.extract_strided_slice %get3A_113 {offsets = [1, 0], sizes = [1, 64], strides = [1, 1]} : vector<8x64xf32> to vector<1x64xf32>
    %mul3A_122 = arith.constant 7.62939453E-6 : f32
    %mul3A_123 = vector.broadcast %mul3A_122 : f32 to vector<1x64xf32>
    %mul3A_124 = arith.mulf %slice3A_121, %mul3A_123 : vector<1x64xf32>
    %mul3A_125 = arith.mulf %mul3A_120, %mul3A_120 : vector<1x64xf32>
    %sub3A_126 = arith.subf %mul3A_124, %mul3A_125 : vector<1x64xf32>
    %add3A_127 = arith.constant 9.99999974E-6 : f32
    %add3A_128 = vector.broadcast %add3A_127 : f32 to vector<1x64xf32>
    %add3A_129 = arith.addf %sub3A_126, %add3A_128 : vector<1x64xf32>
    %rsqrt3A_130 = math.rsqrt %add3A_129 : vector<1x64xf32>
    %slice3A_131 = vector.extract_strided_slice %get3A_116 {offsets = [0, 0], sizes = [1, 64], strides = [1, 1]} : vector<2x64xf32> to vector<1x64xf32>
    %mul3A_132 = arith.mulf %rsqrt3A_130, %slice3A_131 : vector<1x64xf32>
    %sub3A_133 = vector.broadcast %mul3A_120 : vector<1x64xf32> to vector<2048x64xf32>
    %sub3A_134 = arith.subf %reshape3A_110, %sub3A_133 : vector<2048x64xf32>
    %mul3A_135 = vector.broadcast %mul3A_132 : vector<1x64xf32> to vector<2048x64xf32>
    %mul3A_136 = arith.mulf %sub3A_134, %mul3A_135 : vector<2048x64xf32>
    %slice3A_137 = vector.extract_strided_slice %get3A_116 {offsets = [1, 0], sizes = [1, 64], strides = [1, 1]} : vector<2x64xf32> to vector<1x64xf32>
    %add3A_138 = vector.broadcast %slice3A_137 : vector<1x64xf32> to vector<2048x64xf32>
    %add3A_139 = arith.addf %mul3A_136, %add3A_138 : vector<2048x64xf32>
    %max3A_140 = arith.constant 0.000000e+00 : f32
    %max3A_141 = vector.broadcast %max3A_140 : f32 to vector<2048x64xf32>
    %max3A_142 = arith.maximumf %add3A_139, %max3A_141 : vector<2048x64xf32>
    %get3A_143 = arith.constant 0 : index
    %get3A_144 = arith.constant 0 : index
    %get3A_145 = vector.load %arg11[%get3A_143, %get3A_144] : memref<64x64xf32, #tpu.memory_space<vmem>>, vector<64x64xf32>
    %dot_general3A_146 = arith.constant dense<0.000000e+00> : vector<2048x64xf32>
    %dot_general3A_147 = tpu.matmul %max3A_142, %get3A_145, %dot_general3A_146 {dimension_numbers = #tpu.dot_dimension_numbers<[1], [0], [0], [1], [0, 0, 1, 1], [], []>, transpose_lhs_hint = false} : vector<2048x64xf32>, vector<64x64xf32>, vector<2048x64xf32> -> vector<2048x64xf32>
    %eq3A_148 = arith.constant 0 : i32
    %eq3A_149 = arith.cmpi eq, %arg0, %eq3A_148 : i32
    %convert_element_type3A_150 = arith.extui %eq3A_149 : i1 to i32
    %cond3A_151 = arith.constant 0 : i32
    %cond3A_152 = arith.cmpi ne, %convert_element_type3A_150, %cond3A_151 : i32
    scf.if %cond3A_152 {
      %broadcast_in_dim3A_265 = arith.constant 0.000000e+00 : f32
      %broadcast_in_dim3A_266 = vector.broadcast %broadcast_in_dim3A_265 : f32 to vector<8x64xf32>
      %swap3A_267 = arith.constant 0 : index
      %swap3A_268 = arith.constant 0 : index
      %swap3A_269 = vector.load %arg19[%swap3A_267, %swap3A_268] : memref<8x64xf32, #tpu.memory_space<vmem>>, vector<8x64xf32>
      tpu.vector_store %arg19[%swap3A_267, %swap3A_268], %broadcast_in_dim3A_266 {strides = array<i32>} : memref<8x64xf32, #tpu.memory_space<vmem>>, vector<8x64xf32>,
    } else {
    }
    %jit3A_153 = arith.constant 0.000000e+00 : f32
    %broadcast_in_dim3A_154 = vector.shape_cast %lt3A_95 : vector<2048x1xi1> to vector<2048x1xi1>
    %broadcast_in_dim3A_155 = vector.broadcast %broadcast_in_dim3A_154 : vector<2048x1xi1> to vector<2048x64xi1>
    %broadcast_in_dim3A_156 = vector.broadcast %jit3A_153 : f32 to vector<2048x64xf32>
    %select_n3A_157 = arith.select %broadcast_in_dim3A_155, %dot_general3A_147, %broadcast_in_dim3A_156 : vector<2048x64xi1>, vector<2048x64xf32>
    %get3A_158 = arith.constant 0 : index
    %get3A_159 = arith.constant 0 : index
    %get3A_160 = vector.load %arg19[%get3A_158, %get3A_159] : memref<8x64xf32, #tpu.memory_space<vmem>>, vector<1x64xf32>
    %reduce_sum3A_161 = arith.constant dense<0.000000e+00> : vector<64xf32>
    %reduce_sum3A_162 = vector.multi_reduction <add>, %select_n3A_157, %reduce_sum3A_161 [0] : vector<2048x64xf32> to vector<64xf32>
    %broadcast_in_dim3A_163 = vector.shape_cast %reduce_sum3A_162 : vector<64xf32> to vector<1x64xf32>
    %add3A_164 = arith.addf %get3A_160, %broadcast_in_dim3A_163 : vector<1x64xf32>
    %swap3A_165 = arith.constant 0 : index
    %swap3A_166 = arith.constant 0 : index
    %swap3A_167 = vector.load %arg19[%swap3A_165, %swap3A_166] : memref<8x64xf32, #tpu.memory_space<vmem>>, vector<1x64xf32>
    tpu.vector_store %arg19[%swap3A_165, %swap3A_166], %add3A_164 {strides = array<i32>} : memref<8x64xf32, #tpu.memory_space<vmem>>, vector<1x64xf32>,
    %get3A_168 = arith.constant 1 : index
    %get3A_169 = arith.constant 0 : index
    %get3A_170 = vector.load %arg19[%get3A_168, %get3A_169] : memref<8x64xf32, #tpu.memory_space<vmem>>, vector<1x64xf32>
    %mul3A_171 = arith.mulf %select_n3A_157, %dot_general3A_147 : vector<2048x64xf32>
    %reduce_sum3A_172 = arith.constant dense<0.000000e+00> : vector<64xf32>
    %reduce_sum3A_173 = vector.multi_reduction <add>, %mul3A_171, %reduce_sum3A_172 [0] : vector<2048x64xf32> to vector<64xf32>
    %broadcast_in_dim3A_174 = vector.shape_cast %reduce_sum3A_173 : vector<64xf32> to vector<1x64xf32>
    %add3A_175 = arith.addf %get3A_170, %broadcast_in_dim3A_174 : vector<1x64xf32>
    %swap3A_176 = arith.constant 1 : index
    %swap3A_177 = arith.constant 0 : index
    %swap3A_178 = vector.load %arg19[%swap3A_176, %swap3A_177] : memref<8x64xf32, #tpu.memory_space<vmem>>, vector<1x64xf32>
    tpu.vector_store %arg19[%swap3A_176, %swap3A_177], %add3A_175 {strides = array<i32>} : memref<8x64xf32, #tpu.memory_space<vmem>>, vector<1x64xf32>,
    %lt3A_179 = arith.constant 64 : i32
    %lt3A_180 = vector.broadcast %lt3A_179 : i32 to vector<2048x1xi32>
    %lt3A_181 = arith.cmpi slt, %select_n3A_18, %lt3A_180 : vector<2048x1xi32>
    %get3A_182 = arith.constant 0 : index
    %get3A_183 = arith.constant 0 : index
    %get3A_184 = vector.load %arg13[%get3A_182, %get3A_183] : memref<16x64xf32, #tpu.memory_space<vmem>>, vector<16x64xf32>
    %dot_general3A_185 = arith.constant dense<0.000000e+00> : vector<2048x64xf32>
    %dot_general3A_186 = tpu.matmul %get3A_1, %get3A_184, %dot_general3A_185 {dimension_numbers = #tpu.dot_dimension_numbers<[1], [0], [0], [1], [0, 0, 1, 1], [], []>, transpose_lhs_hint = false} : vector<2048x16xf32>, vector<16x64xf32>, vector<2048x64xf32> -> vector<2048x64xf32>
    %get3A_187 = arith.constant 0 : index
    %get3A_188 = arith.constant 0 : index
    %get3A_189 = vector.load %arg14[%get3A_187, %get3A_188] : memref<4x64xf32, #tpu.memory_space<vmem>>, vector<4x64xf32>
    %dot_general3A_190 = arith.constant dense<0.000000e+00> : vector<32x64xf32>
    %dot_general3A_191 = tpu.matmul %get3A_4, %get3A_189, %dot_general3A_190 {dimension_numbers = #tpu.dot_dimension_numbers<[1], [0], [0], [1], [0, 0, 1, 1], [], []>, transpose_lhs_hint = false} : vector<32x4xf32>, vector<4x64xf32>, vector<32x64xf32> -> vector<32x64xf32>
    %reshape3A_192 = vector.shape_cast %dot_general3A_186 : vector<2048x64xf32> to vector<32x64x64xf32>
    %broadcast_in_dim3A_193 = vector.shape_cast %dot_general3A_191 : vector<32x64xf32> to vector<32x1x64xf32>
    %sub3A_194 = vector.broadcast %broadcast_in_dim3A_193 : vector<32x1x64xf32> to vector<32x64x64xf32>
    %sub3A_195 = arith.subf %reshape3A_192, %sub3A_194 : vector<32x64x64xf32>
    %reshape3A_196 = vector.shape_cast %sub3A_195 : vector<32x64x64xf32> to vector<2048x64xf32>
    %get3A_197 = arith.constant 0 : index
    %get3A_198 = arith.constant 0 : index
    %get3A_199 = vector.load %arg15[%get3A_197, %get3A_198] : memref<8x64xf32, #tpu.memory_space<vmem>>, vector<8x64xf32>
    %get3A_200 = arith.constant 0 : index
    %get3A_201 = arith.constant 0 : index
    %get3A_202 = vector.load %arg17[%get3A_200, %get3A_201] : memref<2x64xf32, #tpu.memory_space<vmem>>, vector<2x64xf32>
    %slice3A_203 = vector.extract_strided_slice %get3A_199 {offsets = [0, 0], sizes = [1, 64], strides = [1, 1]} : vector<8x64xf32> to vector<1x64xf32>
    %mul3A_204 = arith.constant 3.81469727E-6 : f32
    %mul3A_205 = vector.broadcast %mul3A_204 : f32 to vector<1x64xf32>
    %mul3A_206 = arith.mulf %slice3A_203, %mul3A_205 : vector<1x64xf32>
    %slice3A_207 = vector.extract_strided_slice %get3A_199 {offsets = [1, 0], sizes = [1, 64], strides = [1, 1]} : vector<8x64xf32> to vector<1x64xf32>
    %mul3A_208 = arith.constant 3.81469727E-6 : f32
    %mul3A_209 = vector.broadcast %mul3A_208 : f32 to vector<1x64xf32>
    %mul3A_210 = arith.mulf %slice3A_207, %mul3A_209 : vector<1x64xf32>
    %mul3A_211 = arith.mulf %mul3A_206, %mul3A_206 : vector<1x64xf32>
    %sub3A_212 = arith.subf %mul3A_210, %mul3A_211 : vector<1x64xf32>
    %add3A_213 = arith.constant 9.99999974E-6 : f32
    %add3A_214 = vector.broadcast %add3A_213 : f32 to vector<1x64xf32>
    %add3A_215 = arith.addf %sub3A_212, %add3A_214 : vector<1x64xf32>
    %rsqrt3A_216 = math.rsqrt %add3A_215 : vector<1x64xf32>
    %slice3A_217 = vector.extract_strided_slice %get3A_202 {offsets = [0, 0], sizes = [1, 64], strides = [1, 1]} : vector<2x64xf32> to vector<1x64xf32>
    %mul3A_218 = arith.mulf %rsqrt3A_216, %slice3A_217 : vector<1x64xf32>
    %sub3A_219 = vector.broadcast %mul3A_206 : vector<1x64xf32> to vector<2048x64xf32>
    %sub3A_220 = arith.subf %reshape3A_196, %sub3A_219 : vector<2048x64xf32>
    %mul3A_221 = vector.broadcast %mul3A_218 : vector<1x64xf32> to vector<2048x64xf32>
    %mul3A_222 = arith.mulf %sub3A_220, %mul3A_221 : vector<2048x64xf32>
    %slice3A_223 = vector.extract_strided_slice %get3A_202 {offsets = [1, 0], sizes = [1, 64], strides = [1, 1]} : vector<2x64xf32> to vector<1x64xf32>
    %add3A_224 = vector.broadcast %slice3A_223 : vector<1x64xf32> to vector<2048x64xf32>
    %add3A_225 = arith.addf %mul3A_222, %add3A_224 : vector<2048x64xf32>
    %max3A_226 = arith.constant 0.000000e+00 : f32
    %max3A_227 = vector.broadcast %max3A_226 : f32 to vector<2048x64xf32>
    %max3A_228 = arith.maximumf %add3A_225, %max3A_227 : vector<2048x64xf32>
    %get3A_229 = arith.constant 0 : index
    %get3A_230 = arith.constant 0 : index
    %get3A_231 = vector.load %arg16[%get3A_229, %get3A_230] : memref<64x96xf32, #tpu.memory_space<vmem>>, vector<64x96xf32>
    %dot_general3A_232 = arith.constant dense<0.000000e+00> : vector<2048x96xf32>
    %dot_general3A_233 = tpu.matmul %max3A_228, %get3A_231, %dot_general3A_232 {dimension_numbers = #tpu.dot_dimension_numbers<[1], [0], [0], [1], [0, 0, 1, 1], [], []>, transpose_lhs_hint = false} : vector<2048x64xf32>, vector<64x96xf32>, vector<2048x96xf32> -> vector<2048x96xf32>
    %eq3A_234 = arith.constant 0 : i32
    %eq3A_235 = arith.cmpi eq, %arg0, %eq3A_234 : i32
    %convert_element_type3A_236 = arith.extui %eq3A_235 : i1 to i32
    %cond3A_237 = arith.constant 0 : i32
    %cond3A_238 = arith.cmpi ne, %convert_element_type3A_236, %cond3A_237 : i32
    scf.if %cond3A_238 {
      %broadcast_in_dim3A_265 = arith.constant 0.000000e+00 : f32
      %broadcast_in_dim3A_266 = vector.broadcast %broadcast_in_dim3A_265 : f32 to vector<8x96xf32>
      %swap3A_267 = arith.constant 0 : index
      %swap3A_268 = arith.constant 0 : index
      %swap3A_269 = vector.load %arg20[%swap3A_267, %swap3A_268] : memref<8x96xf32, #tpu.memory_space<vmem>>, vector<8x96xf32>
      tpu.vector_store %arg20[%swap3A_267, %swap3A_268], %broadcast_in_dim3A_266 {strides = array<i32>} : memref<8x96xf32, #tpu.memory_space<vmem>>, vector<8x96xf32>,
    } else {
    }
    %jit3A_239 = arith.constant 0.000000e+00 : f32
    %broadcast_in_dim3A_240 = vector.shape_cast %lt3A_181 : vector<2048x1xi1> to vector<2048x1xi1>
    %broadcast_in_dim3A_241 = vector.broadcast %broadcast_in_dim3A_240 : vector<2048x1xi1> to vector<2048x96xi1>
    %broadcast_in_dim3A_242 = vector.broadcast %jit3A_239 : f32 to vector<2048x96xf32>
    %select_n3A_243 = arith.select %broadcast_in_dim3A_241, %dot_general3A_233, %broadcast_in_dim3A_242 : vector<2048x96xi1>, vector<2048x96xf32>
    %get3A_244 = arith.constant 0 : index
    %get3A_245 = arith.constant 0 : index
    %get3A_246 = vector.load %arg20[%get3A_244, %get3A_245] : memref<8x96xf32, #tpu.memory_space<vmem>>, vector<1x96xf32>
    %reduce_sum3A_247 = arith.constant dense<0.000000e+00> : vector<96xf32>
    %reduce_sum3A_248 = vector.multi_reduction <add>, %select_n3A_243, %reduce_sum3A_247 [0] : vector<2048x96xf32> to vector<96xf32>
    %broadcast_in_dim3A_249 = vector.shape_cast %reduce_sum3A_248 : vector<96xf32> to vector<1x96xf32>
    %add3A_250 = arith.addf %get3A_246, %broadcast_in_dim3A_249 : vector<1x96xf32>
    %swap3A_251 = arith.constant 0 : index
    %swap3A_252 = arith.constant 0 : index
    %swap3A_253 = vector.load %arg20[%swap3A_251, %swap3A_252] : memref<8x96xf32, #tpu.memory_space<vmem>>, vector<1x96xf32>
    tpu.vector_store %arg20[%swap3A_251, %swap3A_252], %add3A_250 {strides = array<i32>} : memref<8x96xf32, #tpu.memory_space<vmem>>, vector<1x96xf32>,
    %get3A_254 = arith.constant 1 : index
    %get3A_255 = arith.constant 0 : index
    %get3A_256 = vector.load %arg20[%get3A_254, %get3A_255] : memref<8x96xf32, #tpu.memory_space<vmem>>, vector<1x96xf32>
    %mul3A_257 = arith.mulf %select_n3A_243, %dot_general3A_233 : vector<2048x96xf32>
    %reduce_sum3A_258 = arith.constant dense<0.000000e+00> : vector<96xf32>
    %reduce_sum3A_259 = vector.multi_reduction <add>, %mul3A_257, %reduce_sum3A_258 [0] : vector<2048x96xf32> to vector<96xf32>
    %broadcast_in_dim3A_260 = vector.shape_cast %reduce_sum3A_259 : vector<96xf32> to vector<1x96xf32>
    %add3A_261 = arith.addf %get3A_256, %broadcast_in_dim3A_260 : vector<1x96xf32>
    %swap3A_262 = arith.constant 1 : index
    %swap3A_263 = arith.constant 0 : index
    %swap3A_264 = vector.load %arg20[%swap3A_262, %swap3A_263] : memref<8x96xf32, #tpu.memory_space<vmem>>, vector<1x96xf32>
    tpu.vector_store %arg20[%swap3A_262, %swap3A_263], %add3A_261 {strides = array<i32>} : memref<8x96xf32, #tpu.memory_space<vmem>>, vector<1x96xf32>,
    return
  }
  func.func @transform_0(%arg0: i32) -> (i32, i32) {
    %c0_i32 = arith.constant 0 : i32
    %c0_i32_0 = arith.constant 0 : i32
    return %arg0, %c0_i32 : i32, i32
  }
  func.func @transform_1(%arg0: i32) -> (i32, i32) {
    %c0_i32 = arith.constant 0 : i32
    %c0_i32_0 = arith.constant 0 : i32
    return %arg0, %c0_i32 : i32, i32
  }
  func.func @transform_2(%arg0: i32) -> (i32, i32) {
    %c0_i32 = arith.constant 0 : i32
    %c0_i32_0 = arith.constant 0 : i32
    %c0_i32_1 = arith.constant 0 : i32
    return %c0_i32, %c0_i32_0 : i32, i32
  }
  func.func @transform_3(%arg0: i32) -> (i32, i32) {
    %c0_i32 = arith.constant 0 : i32
    %c0_i32_0 = arith.constant 0 : i32
    %c0_i32_1 = arith.constant 0 : i32
    return %c0_i32, %c0_i32_0 : i32, i32
  }
  func.func @transform_4(%arg0: i32) -> (i32, i32) {
    %c0_i32 = arith.constant 0 : i32
    %c0_i32_0 = arith.constant 0 : i32
    %c0_i32_1 = arith.constant 0 : i32
    return %c0_i32, %c0_i32_0 : i32, i32
  }
  func.func @transform_5(%arg0: i32) -> (i32, i32) {
    %c0_i32 = arith.constant 0 : i32
    %c0_i32_0 = arith.constant 0 : i32
    %c0_i32_1 = arith.constant 0 : i32
    return %c0_i32, %c0_i32_0 : i32, i32
  }
  func.func @transform_6(%arg0: i32) -> (i32, i32) {
    %c0_i32 = arith.constant 0 : i32
    %c0_i32_0 = arith.constant 0 : i32
    %c0_i32_1 = arith.constant 0 : i32
    return %c0_i32, %c0_i32_0 : i32, i32
  }
  func.func @transform_7(%arg0: i32) -> (i32, i32) {
    %c0_i32 = arith.constant 0 : i32
    %c0_i32_0 = arith.constant 0 : i32
    %c0_i32_1 = arith.constant 0 : i32
    return %c0_i32, %c0_i32_0 : i32, i32
  }
  func.func @transform_8(%arg0: i32) -> (i32, i32) {
    %c0_i32 = arith.constant 0 : i32
    %c0_i32_0 = arith.constant 0 : i32
    %c0_i32_1 = arith.constant 0 : i32
    return %c0_i32, %c0_i32_0 : i32, i32
  }
  func.func @transform_9(%arg0: i32) -> (i32, i32) {
    %c0_i32 = arith.constant 0 : i32
    %c0_i32_0 = arith.constant 0 : i32
    %c0_i32_1 = arith.constant 0 : i32
    return %c0_i32, %c0_i32_0 : i32, i32
  }
  func.func @transform_10(%arg0: i32) -> (i32, i32) {
    %c0_i32 = arith.constant 0 : i32
    %c0_i32_0 = arith.constant 0 : i32
    %c0_i32_1 = arith.constant 0 : i32
    return %c0_i32, %c0_i32_0 : i32, i32
  }
  func.func @transform_11(%arg0: i32) -> (i32, i32) {
    %c0_i32 = arith.constant 0 : i32
    %c0_i32_0 = arith.constant 0 : i32
    %c0_i32_1 = arith.constant 0 : i32
    return %c0_i32, %c0_i32_0 : i32, i32
  }
  func.func @transform_12(%arg0: i32) -> (i32, i32) {
    %c0_i32 = arith.constant 0 : i32
    %c0_i32_0 = arith.constant 0 : i32
    %c0_i32_1 = arith.constant 0 : i32
    return %c0_i32, %c0_i32_0 : i32, i32
  }
  func.func @transform_13(%arg0: i32) -> (i32, i32) {
    %c0_i32 = arith.constant 0 : i32
    %c0_i32_0 = arith.constant 0 : i32
    %c0_i32_1 = arith.constant 0 : i32
    return %c0_i32, %c0_i32_0 : i32, i32
  }
  func.func @transform_14(%arg0: i32) -> (i32, i32) {
    %c0_i32 = arith.constant 0 : i32
    %c0_i32_0 = arith.constant 0 : i32
    %c0_i32_1 = arith.constant 0 : i32
    return %c0_i32, %c0_i32_0 : i32, i32
  }
  func.func @transform_15(%arg0: i32) -> (i32, i32) {
    %c0_i32 = arith.constant 0 : i32
    %c0_i32_0 = arith.constant 0 : i32
    %c0_i32_1 = arith.constant 0 : i32
    return %c0_i32, %c0_i32_0 : i32, i32
  }
  func.func @transform_16(%arg0: i32) -> (i32, i32) {
    %c0_i32 = arith.constant 0 : i32
    %c0_i32_0 = arith.constant 0 : i32
    %c0_i32_1 = arith.constant 0 : i32
    return %c0_i32, %c0_i32_0 : i32, i32
  }
  func.func @transform_17(%arg0: i32) -> (i32, i32) {
    %c0_i32 = arith.constant 0 : i32
    %c0_i32_0 = arith.constant 0 : i32
    %c0_i32_1 = arith.constant 0 : i32
    return %c0_i32, %c0_i32_0 : i32, i32
  }
  func.func @transform_18(%arg0: i32) -> (i32, i32) {
    %c0_i32 = arith.constant 0 : i32
    %c0_i32_0 = arith.constant 0 : i32
    %c0_i32_1 = arith.constant 0 : i32
    return %c0_i32, %c0_i32_0 : i32, i32
  }
  func.func @transform_19(%arg0: i32) -> (i32, i32) {
    %c0_i32 = arith.constant 0 : i32
    %c0_i32_0 = arith.constant 0 : i32
    %c0_i32_1 = arith.constant 0 : i32
    return %c0_i32, %c0_i32_0 : i32, i32
  }
}

module attributes {stable_mosaic.version = 14 : i64} {
  func.func @_ph_body(%arg0: i32, %arg1: memref<2048x16xf32, #tpu.memory_space<vmem>>, %arg2: memref<32x4xf32, #tpu.memory_space<vmem>>, %arg3: memref<16x32xf32, #tpu.memory_space<vmem>>, %arg4: memref<4x32xf32, #tpu.memory_space<vmem>>, %arg5: memref<8x32xf32, #tpu.memory_space<vmem>>, %arg6: memref<32x32xf32, #tpu.memory_space<vmem>>, %arg7: memref<2x32xf32, #tpu.memory_space<vmem>>, %arg8: memref<8x32xf32, #tpu.memory_space<vmem>>, %arg9: memref<32x64xf32, #tpu.memory_space<vmem>>, %arg10: memref<2x32xf32, #tpu.memory_space<vmem>>, %arg11: memref<16x64xf32, #tpu.memory_space<vmem>>, %arg12: memref<4x64xf32, #tpu.memory_space<vmem>>, %arg13: memref<8x64xf32, #tpu.memory_space<vmem>>, %arg14: memref<64x64xf32, #tpu.memory_space<vmem>>, %arg15: memref<2x64xf32, #tpu.memory_space<vmem>>, %arg16: memref<8x64xf32, #tpu.memory_space<vmem>>, %arg17: memref<64x128xf32, #tpu.memory_space<vmem>>, %arg18: memref<2x64xf32, #tpu.memory_space<vmem>>, %arg19: memref<16x64xf32, #tpu.memory_space<vmem>>, %arg20: memref<4x64xf32, #tpu.memory_space<vmem>>, %arg21: memref<8x64xf32, #tpu.memory_space<vmem>>, %arg22: memref<64x96xf32, #tpu.memory_space<vmem>>, %arg23: memref<2x64xf32, #tpu.memory_space<vmem>>, %arg24: memref<8x96xf32, #tpu.memory_space<vmem>>, %arg25: memref<96x128xf32, #tpu.memory_space<vmem>>, %arg26: memref<2x96xf32, #tpu.memory_space<vmem>>, %arg27: memref<8x64xf32, #tpu.memory_space<vmem>>, %arg28: memref<8x128xf32, #tpu.memory_space<vmem>>, %arg29: memref<8x128xf32, #tpu.memory_space<vmem>>) attributes {dimension_semantics = [#tpu.dimension_semantics<arbitrary>], iteration_bounds = array<i64: 128>, scalar_prefetch = 0 : i64, scratch_operands = 0 : i64, tpu.core_type = #tpu.core_type<tc>, window_params = [{transform_indices = @transform_0, window_bounds = array<i64: 2048, 16>}, {transform_indices = @transform_1, window_bounds = array<i64: 32, 4>}, {pipeline_mode = #tpu.pipeline_mode<synchronous>, transform_indices = @transform_2, window_bounds = array<i64: 16, 32>}, {pipeline_mode = #tpu.pipeline_mode<synchronous>, transform_indices = @transform_3, window_bounds = array<i64: 4, 32>}, {pipeline_mode = #tpu.pipeline_mode<synchronous>, transform_indices = @transform_4, window_bounds = array<i64: 8, 32>}, {pipeline_mode = #tpu.pipeline_mode<synchronous>, transform_indices = @transform_5, window_bounds = array<i64: 32, 32>}, {pipeline_mode = #tpu.pipeline_mode<synchronous>, transform_indices = @transform_6, window_bounds = array<i64: 2, 32>}, {pipeline_mode = #tpu.pipeline_mode<synchronous>, transform_indices = @transform_7, window_bounds = array<i64: 8, 32>}, {pipeline_mode = #tpu.pipeline_mode<synchronous>, transform_indices = @transform_8, window_bounds = array<i64: 32, 64>}, {pipeline_mode = #tpu.pipeline_mode<synchronous>, transform_indices = @transform_9, window_bounds = array<i64: 2, 32>}, {pipeline_mode = #tpu.pipeline_mode<synchronous>, transform_indices = @transform_10, window_bounds = array<i64: 16, 64>}, {pipeline_mode = #tpu.pipeline_mode<synchronous>, transform_indices = @transform_11, window_bounds = array<i64: 4, 64>}, {pipeline_mode = #tpu.pipeline_mode<synchronous>, transform_indices = @transform_12, window_bounds = array<i64: 8, 64>}, {pipeline_mode = #tpu.pipeline_mode<synchronous>, transform_indices = @transform_13, window_bounds = array<i64: 64, 64>}, {pipeline_mode = #tpu.pipeline_mode<synchronous>, transform_indices = @transform_14, window_bounds = array<i64: 2, 64>}, {pipeline_mode = #tpu.pipeline_mode<synchronous>, transform_indices = @transform_15, window_bounds = array<i64: 8, 64>}, {pipeline_mode = #tpu.pipeline_mode<synchronous>, transform_indices = @transform_16, window_bounds = array<i64: 64, 128>}, {pipeline_mode = #tpu.pipeline_mode<synchronous>, transform_indices = @transform_17, window_bounds = array<i64: 2, 64>}, {pipeline_mode = #tpu.pipeline_mode<synchronous>, transform_indices = @transform_18, window_bounds = array<i64: 16, 64>}, {pipeline_mode = #tpu.pipeline_mode<synchronous>, transform_indices = @transform_19, window_bounds = array<i64: 4, 64>}, {pipeline_mode = #tpu.pipeline_mode<synchronous>, transform_indices = @transform_20, window_bounds = array<i64: 8, 64>}, {pipeline_mode = #tpu.pipeline_mode<synchronous>, transform_indices = @transform_21, window_bounds = array<i64: 64, 96>}, {pipeline_mode = #tpu.pipeline_mode<synchronous>, transform_indices = @transform_22, window_bounds = array<i64: 2, 64>}, {pipeline_mode = #tpu.pipeline_mode<synchronous>, transform_indices = @transform_23, window_bounds = array<i64: 8, 96>}, {pipeline_mode = #tpu.pipeline_mode<synchronous>, transform_indices = @transform_24, window_bounds = array<i64: 96, 128>}, {pipeline_mode = #tpu.pipeline_mode<synchronous>, transform_indices = @transform_25, window_bounds = array<i64: 2, 96>}, {pipeline_mode = #tpu.pipeline_mode<synchronous>, transform_indices = @transform_26, window_bounds = array<i64: 8, 64>}, {pipeline_mode = #tpu.pipeline_mode<synchronous>, transform_indices = @transform_27, window_bounds = array<i64: 8, 128>}, {pipeline_mode = #tpu.pipeline_mode<synchronous>, transform_indices = @transform_28, window_bounds = array<i64: 8, 128>}]} {
    %get3A = arith.constant 0 : index
    %get3A_0 = arith.constant 0 : index
    %get3A_1 = vector.load %arg1[%get3A, %get3A_0] : memref<2048x16xf32, #tpu.memory_space<vmem>>, vector<2048x16xf32>
    %get3A_2 = arith.constant 0 : index
    %get3A_3 = arith.constant 0 : index
    %get3A_4 = vector.load %arg2[%get3A_2, %get3A_3] : memref<32x4xf32, #tpu.memory_space<vmem>>, vector<32x4xf32>
    %iota3A = tpu.iota {dimensions = array<i32: 0>} : vector<2048x1xi32>
    %jit3A = arith.constant 64 : i32
    %eq3A = arith.constant 0 : i32
    %eq3A_5 = arith.cmpi eq, %jit3A, %eq3A : i32
    %jit3A_6 = arith.constant 1 : i32
    %select_n3A = arith.select %eq3A_5, %jit3A_6, %jit3A : i32
    %rem3A = vector.broadcast %select_n3A : i32 to vector<2048x1xi32>
    %rem3A_7 = arith.remsi %iota3A, %rem3A : vector<2048x1xi32>
    %ne3A = arith.constant 0 : i32
    %ne3A_8 = vector.broadcast %ne3A : i32 to vector<2048x1xi32>
    %ne3A_9 = arith.cmpi ne, %rem3A_7, %ne3A_8 : vector<2048x1xi32>
    %lt3A = arith.constant 0 : i32
    %lt3A_10 = vector.broadcast %lt3A : i32 to vector<2048x1xi32>
    %lt3A_11 = arith.cmpi slt, %rem3A_7, %lt3A_10 : vector<2048x1xi32>
    %lt3A_12 = arith.constant 0 : i32
    %lt3A_13 = arith.cmpi slt, %select_n3A, %lt3A_12 : i32
    %ne3A_14 = vector.broadcast %lt3A_13 : i1 to vector<2048x1xi1>
    %ne3A_15 = vector.broadcast %ne3A_14 : vector<2048x1xi1> to vector<2048x1xi1>
    %ne3A_16 = arith.xori %lt3A_11, %ne3A_15 : vector<2048x1xi1>
    %and3A = arith.andi %ne3A_16, %ne3A_9 : vector<2048x1xi1>
    %add3A = vector.broadcast %select_n3A : i32 to vector<2048x1xi32>
    %add3A_17 = arith.addi %rem3A_7, %add3A : vector<2048x1xi32>
    %select_n3A_18 = arith.select %and3A, %add3A_17, %rem3A_7 : vector<2048x1xi1>, vector<2048x1xi32>
    %lt3A_19 = arith.constant 16 : i32
    %lt3A_20 = vector.broadcast %lt3A_19 : i32 to vector<2048x1xi32>
    %lt3A_21 = arith.cmpi slt, %select_n3A_18, %lt3A_20 : vector<2048x1xi32>
    %get3A_22 = arith.constant 0 : index
    %get3A_23 = arith.constant 0 : index
    %get3A_24 = vector.load %arg3[%get3A_22, %get3A_23] : memref<16x32xf32, #tpu.memory_space<vmem>>, vector<16x32xf32>
    %dot_general3A = arith.constant dense<0.000000e+00> : vector<2048x32xf32>
    %dot_general3A_25 = tpu.matmul %get3A_1, %get3A_24, %dot_general3A {dimension_numbers = #tpu.dot_dimension_numbers<[1], [0], [0], [1], [0, 0, 1, 1], [], []>, transpose_lhs_hint = false} : vector<2048x16xf32>, vector<16x32xf32>, vector<2048x32xf32> -> vector<2048x32xf32>
    %get3A_26 = arith.constant 0 : index
    %get3A_27 = arith.constant 0 : index
    %get3A_28 = vector.load %arg4[%get3A_26, %get3A_27] : memref<4x32xf32, #tpu.memory_space<vmem>>, vector<4x32xf32>
    %dot_general3A_29 = arith.constant dense<0.000000e+00> : vector<32x32xf32>
    %dot_general3A_30 = tpu.matmul %get3A_4, %get3A_28, %dot_general3A_29 {dimension_numbers = #tpu.dot_dimension_numbers<[1], [0], [0], [1], [0, 0, 1, 1], [], []>, transpose_lhs_hint = false} : vector<32x4xf32>, vector<4x32xf32>, vector<32x32xf32> -> vector<32x32xf32>
    %reshape3A = vector.shape_cast %dot_general3A_25 : vector<2048x32xf32> to vector<32x64x32xf32>
    %broadcast_in_dim3A = vector.shape_cast %dot_general3A_30 : vector<32x32xf32> to vector<32x1x32xf32>
    %sub3A = vector.broadcast %broadcast_in_dim3A : vector<32x1x32xf32> to vector<32x64x32xf32>
    %sub3A_31 = arith.subf %reshape3A, %sub3A : vector<32x64x32xf32>
    %reshape3A_32 = vector.shape_cast %sub3A_31 : vector<32x64x32xf32> to vector<2048x32xf32>
    %get3A_33 = arith.constant 0 : index
    %get3A_34 = arith.constant 0 : index
    %get3A_35 = vector.load %arg5[%get3A_33, %get3A_34] : memref<8x32xf32, #tpu.memory_space<vmem>>, vector<8x32xf32>
    %get3A_36 = arith.constant 0 : index
    %get3A_37 = arith.constant 0 : index
    %get3A_38 = vector.load %arg7[%get3A_36, %get3A_37] : memref<2x32xf32, #tpu.memory_space<vmem>>, vector<2x32xf32>
    %slice3A = vector.extract_strided_slice %get3A_35 {offsets = [0, 0], sizes = [1, 32], strides = [1, 1]} : vector<8x32xf32> to vector<1x32xf32>
    %mul3A = arith.constant 1.52587891E-5 : f32
    %mul3A_39 = vector.broadcast %mul3A : f32 to vector<1x32xf32>
    %mul3A_40 = arith.mulf %slice3A, %mul3A_39 : vector<1x32xf32>
    %slice3A_41 = vector.extract_strided_slice %get3A_35 {offsets = [1, 0], sizes = [1, 32], strides = [1, 1]} : vector<8x32xf32> to vector<1x32xf32>
    %mul3A_42 = arith.constant 1.52587891E-5 : f32
    %mul3A_43 = vector.broadcast %mul3A_42 : f32 to vector<1x32xf32>
    %mul3A_44 = arith.mulf %slice3A_41, %mul3A_43 : vector<1x32xf32>
    %mul3A_45 = arith.mulf %mul3A_40, %mul3A_40 : vector<1x32xf32>
    %sub3A_46 = arith.subf %mul3A_44, %mul3A_45 : vector<1x32xf32>
    %add3A_47 = arith.constant 9.99999974E-6 : f32
    %add3A_48 = vector.broadcast %add3A_47 : f32 to vector<1x32xf32>
    %add3A_49 = arith.addf %sub3A_46, %add3A_48 : vector<1x32xf32>
    %rsqrt3A = math.rsqrt %add3A_49 : vector<1x32xf32>
    %slice3A_50 = vector.extract_strided_slice %get3A_38 {offsets = [0, 0], sizes = [1, 32], strides = [1, 1]} : vector<2x32xf32> to vector<1x32xf32>
    %mul3A_51 = arith.mulf %rsqrt3A, %slice3A_50 : vector<1x32xf32>
    %sub3A_52 = vector.broadcast %mul3A_40 : vector<1x32xf32> to vector<2048x32xf32>
    %sub3A_53 = arith.subf %reshape3A_32, %sub3A_52 : vector<2048x32xf32>
    %mul3A_54 = vector.broadcast %mul3A_51 : vector<1x32xf32> to vector<2048x32xf32>
    %mul3A_55 = arith.mulf %sub3A_53, %mul3A_54 : vector<2048x32xf32>
    %slice3A_56 = vector.extract_strided_slice %get3A_38 {offsets = [1, 0], sizes = [1, 32], strides = [1, 1]} : vector<2x32xf32> to vector<1x32xf32>
    %add3A_57 = vector.broadcast %slice3A_56 : vector<1x32xf32> to vector<2048x32xf32>
    %add3A_58 = arith.addf %mul3A_55, %add3A_57 : vector<2048x32xf32>
    %max3A = arith.constant 0.000000e+00 : f32
    %max3A_59 = vector.broadcast %max3A : f32 to vector<2048x32xf32>
    %max3A_60 = arith.maximumf %add3A_58, %max3A_59 : vector<2048x32xf32>
    %get3A_61 = arith.constant 0 : index
    %get3A_62 = arith.constant 0 : index
    %get3A_63 = vector.load %arg6[%get3A_61, %get3A_62] : memref<32x32xf32, #tpu.memory_space<vmem>>, vector<32x32xf32>
    %dot_general3A_64 = arith.constant dense<0.000000e+00> : vector<2048x32xf32>
    %dot_general3A_65 = tpu.matmul %max3A_60, %get3A_63, %dot_general3A_64 {dimension_numbers = #tpu.dot_dimension_numbers<[1], [0], [0], [1], [0, 0, 1, 1], [], []>, transpose_lhs_hint = false} : vector<2048x32xf32>, vector<32x32xf32>, vector<2048x32xf32> -> vector<2048x32xf32>
    %get3A_66 = arith.constant 0 : index
    %get3A_67 = arith.constant 0 : index
    %get3A_68 = vector.load %arg8[%get3A_66, %get3A_67] : memref<8x32xf32, #tpu.memory_space<vmem>>, vector<8x32xf32>
    %get3A_69 = arith.constant 0 : index
    %get3A_70 = arith.constant 0 : index
    %get3A_71 = vector.load %arg10[%get3A_69, %get3A_70] : memref<2x32xf32, #tpu.memory_space<vmem>>, vector<2x32xf32>
    %slice3A_72 = vector.extract_strided_slice %get3A_68 {offsets = [0, 0], sizes = [1, 32], strides = [1, 1]} : vector<8x32xf32> to vector<1x32xf32>
    %mul3A_73 = arith.constant 1.52587891E-5 : f32
    %mul3A_74 = vector.broadcast %mul3A_73 : f32 to vector<1x32xf32>
    %mul3A_75 = arith.mulf %slice3A_72, %mul3A_74 : vector<1x32xf32>
    %slice3A_76 = vector.extract_strided_slice %get3A_68 {offsets = [1, 0], sizes = [1, 32], strides = [1, 1]} : vector<8x32xf32> to vector<1x32xf32>
    %mul3A_77 = arith.constant 1.52587891E-5 : f32
    %mul3A_78 = vector.broadcast %mul3A_77 : f32 to vector<1x32xf32>
    %mul3A_79 = arith.mulf %slice3A_76, %mul3A_78 : vector<1x32xf32>
    %mul3A_80 = arith.mulf %mul3A_75, %mul3A_75 : vector<1x32xf32>
    %sub3A_81 = arith.subf %mul3A_79, %mul3A_80 : vector<1x32xf32>
    %add3A_82 = arith.constant 9.99999974E-6 : f32
    %add3A_83 = vector.broadcast %add3A_82 : f32 to vector<1x32xf32>
    %add3A_84 = arith.addf %sub3A_81, %add3A_83 : vector<1x32xf32>
    %rsqrt3A_85 = math.rsqrt %add3A_84 : vector<1x32xf32>
    %slice3A_86 = vector.extract_strided_slice %get3A_71 {offsets = [0, 0], sizes = [1, 32], strides = [1, 1]} : vector<2x32xf32> to vector<1x32xf32>
    %mul3A_87 = arith.mulf %rsqrt3A_85, %slice3A_86 : vector<1x32xf32>
    %sub3A_88 = vector.broadcast %mul3A_75 : vector<1x32xf32> to vector<2048x32xf32>
    %sub3A_89 = arith.subf %dot_general3A_65, %sub3A_88 : vector<2048x32xf32>
    %mul3A_90 = vector.broadcast %mul3A_87 : vector<1x32xf32> to vector<2048x32xf32>
    %mul3A_91 = arith.mulf %sub3A_89, %mul3A_90 : vector<2048x32xf32>
    %slice3A_92 = vector.extract_strided_slice %get3A_71 {offsets = [1, 0], sizes = [1, 32], strides = [1, 1]} : vector<2x32xf32> to vector<1x32xf32>
    %add3A_93 = vector.broadcast %slice3A_92 : vector<1x32xf32> to vector<2048x32xf32>
    %add3A_94 = arith.addf %mul3A_91, %add3A_93 : vector<2048x32xf32>
    %max3A_95 = arith.constant 0.000000e+00 : f32
    %max3A_96 = vector.broadcast %max3A_95 : f32 to vector<2048x32xf32>
    %max3A_97 = arith.maximumf %add3A_94, %max3A_96 : vector<2048x32xf32>
    %get3A_98 = arith.constant 0 : index
    %get3A_99 = arith.constant 0 : index
    %get3A_100 = vector.load %arg9[%get3A_98, %get3A_99] : memref<32x64xf32, #tpu.memory_space<vmem>>, vector<32x64xf32>
    %dot_general3A_101 = arith.constant dense<0.000000e+00> : vector<2048x64xf32>
    %dot_general3A_102 = tpu.matmul %max3A_97, %get3A_100, %dot_general3A_101 {dimension_numbers = #tpu.dot_dimension_numbers<[1], [0], [0], [1], [0, 0, 1, 1], [], []>, transpose_lhs_hint = false} : vector<2048x32xf32>, vector<32x64xf32>, vector<2048x64xf32> -> vector<2048x64xf32>
    %eq3A_103 = arith.constant 0 : i32
    %eq3A_104 = arith.cmpi eq, %arg0, %eq3A_103 : i32
    %convert_element_type3A = arith.extui %eq3A_104 : i1 to i32
    %cond3A = arith.constant 0 : i32
    %cond3A_105 = arith.cmpi ne, %convert_element_type3A, %cond3A : i32
    scf.if %cond3A_105 {
      %broadcast_in_dim3A_376 = arith.constant 0.000000e+00 : f32
      %broadcast_in_dim3A_377 = vector.broadcast %broadcast_in_dim3A_376 : f32 to vector<8x64xf32>
      %swap3A_378 = arith.constant 0 : index
      %swap3A_379 = arith.constant 0 : index
      %swap3A_380 = vector.load %arg27[%swap3A_378, %swap3A_379] : memref<8x64xf32, #tpu.memory_space<vmem>>, vector<8x64xf32>
      tpu.vector_store %arg27[%swap3A_378, %swap3A_379], %broadcast_in_dim3A_377 {strides = array<i32>} : memref<8x64xf32, #tpu.memory_space<vmem>>, vector<8x64xf32>,
    } else {
    }
    %jit3A_106 = arith.constant 0.000000e+00 : f32
    %broadcast_in_dim3A_107 = vector.shape_cast %lt3A_21 : vector<2048x1xi1> to vector<2048x1xi1>
    %broadcast_in_dim3A_108 = vector.broadcast %broadcast_in_dim3A_107 : vector<2048x1xi1> to vector<2048x64xi1>
    %broadcast_in_dim3A_109 = vector.broadcast %jit3A_106 : f32 to vector<2048x64xf32>
    %select_n3A_110 = arith.select %broadcast_in_dim3A_108, %dot_general3A_102, %broadcast_in_dim3A_109 : vector<2048x64xi1>, vector<2048x64xf32>
    %get3A_111 = arith.constant 0 : index
    %get3A_112 = arith.constant 0 : index
    %get3A_113 = vector.load %arg27[%get3A_111, %get3A_112] : memref<8x64xf32, #tpu.memory_space<vmem>>, vector<1x64xf32>
    %reduce_sum3A = arith.constant dense<0.000000e+00> : vector<64xf32>
    %reduce_sum3A_114 = vector.multi_reduction <add>, %select_n3A_110, %reduce_sum3A [0] : vector<2048x64xf32> to vector<64xf32>
    %broadcast_in_dim3A_115 = vector.shape_cast %reduce_sum3A_114 : vector<64xf32> to vector<1x64xf32>
    %add3A_116 = arith.addf %get3A_113, %broadcast_in_dim3A_115 : vector<1x64xf32>
    %swap3A = arith.constant 0 : index
    %swap3A_117 = arith.constant 0 : index
    %swap3A_118 = vector.load %arg27[%swap3A, %swap3A_117] : memref<8x64xf32, #tpu.memory_space<vmem>>, vector<1x64xf32>
    tpu.vector_store %arg27[%swap3A, %swap3A_117], %add3A_116 {strides = array<i32>} : memref<8x64xf32, #tpu.memory_space<vmem>>, vector<1x64xf32>,
    %get3A_119 = arith.constant 1 : index
    %get3A_120 = arith.constant 0 : index
    %get3A_121 = vector.load %arg27[%get3A_119, %get3A_120] : memref<8x64xf32, #tpu.memory_space<vmem>>, vector<1x64xf32>
    %mul3A_122 = arith.mulf %select_n3A_110, %dot_general3A_102 : vector<2048x64xf32>
    %reduce_sum3A_123 = arith.constant dense<0.000000e+00> : vector<64xf32>
    %reduce_sum3A_124 = vector.multi_reduction <add>, %mul3A_122, %reduce_sum3A_123 [0] : vector<2048x64xf32> to vector<64xf32>
    %broadcast_in_dim3A_125 = vector.shape_cast %reduce_sum3A_124 : vector<64xf32> to vector<1x64xf32>
    %add3A_126 = arith.addf %get3A_121, %broadcast_in_dim3A_125 : vector<1x64xf32>
    %swap3A_127 = arith.constant 1 : index
    %swap3A_128 = arith.constant 0 : index
    %swap3A_129 = vector.load %arg27[%swap3A_127, %swap3A_128] : memref<8x64xf32, #tpu.memory_space<vmem>>, vector<1x64xf32>
    tpu.vector_store %arg27[%swap3A_127, %swap3A_128], %add3A_126 {strides = array<i32>} : memref<8x64xf32, #tpu.memory_space<vmem>>, vector<1x64xf32>,
    %lt3A_130 = arith.constant 32 : i32
    %lt3A_131 = vector.broadcast %lt3A_130 : i32 to vector<2048x1xi32>
    %lt3A_132 = arith.cmpi slt, %select_n3A_18, %lt3A_131 : vector<2048x1xi32>
    %get3A_133 = arith.constant 0 : index
    %get3A_134 = arith.constant 0 : index
    %get3A_135 = vector.load %arg11[%get3A_133, %get3A_134] : memref<16x64xf32, #tpu.memory_space<vmem>>, vector<16x64xf32>
    %dot_general3A_136 = arith.constant dense<0.000000e+00> : vector<2048x64xf32>
    %dot_general3A_137 = tpu.matmul %get3A_1, %get3A_135, %dot_general3A_136 {dimension_numbers = #tpu.dot_dimension_numbers<[1], [0], [0], [1], [0, 0, 1, 1], [], []>, transpose_lhs_hint = false} : vector<2048x16xf32>, vector<16x64xf32>, vector<2048x64xf32> -> vector<2048x64xf32>
    %get3A_138 = arith.constant 0 : index
    %get3A_139 = arith.constant 0 : index
    %get3A_140 = vector.load %arg12[%get3A_138, %get3A_139] : memref<4x64xf32, #tpu.memory_space<vmem>>, vector<4x64xf32>
    %dot_general3A_141 = arith.constant dense<0.000000e+00> : vector<32x64xf32>
    %dot_general3A_142 = tpu.matmul %get3A_4, %get3A_140, %dot_general3A_141 {dimension_numbers = #tpu.dot_dimension_numbers<[1], [0], [0], [1], [0, 0, 1, 1], [], []>, transpose_lhs_hint = false} : vector<32x4xf32>, vector<4x64xf32>, vector<32x64xf32> -> vector<32x64xf32>
    %reshape3A_143 = vector.shape_cast %dot_general3A_137 : vector<2048x64xf32> to vector<32x64x64xf32>
    %broadcast_in_dim3A_144 = vector.shape_cast %dot_general3A_142 : vector<32x64xf32> to vector<32x1x64xf32>
    %sub3A_145 = vector.broadcast %broadcast_in_dim3A_144 : vector<32x1x64xf32> to vector<32x64x64xf32>
    %sub3A_146 = arith.subf %reshape3A_143, %sub3A_145 : vector<32x64x64xf32>
    %reshape3A_147 = vector.shape_cast %sub3A_146 : vector<32x64x64xf32> to vector<2048x64xf32>
    %get3A_148 = arith.constant 0 : index
    %get3A_149 = arith.constant 0 : index
    %get3A_150 = vector.load %arg13[%get3A_148, %get3A_149] : memref<8x64xf32, #tpu.memory_space<vmem>>, vector<8x64xf32>
    %get3A_151 = arith.constant 0 : index
    %get3A_152 = arith.constant 0 : index
    %get3A_153 = vector.load %arg15[%get3A_151, %get3A_152] : memref<2x64xf32, #tpu.memory_space<vmem>>, vector<2x64xf32>
    %slice3A_154 = vector.extract_strided_slice %get3A_150 {offsets = [0, 0], sizes = [1, 64], strides = [1, 1]} : vector<8x64xf32> to vector<1x64xf32>
    %mul3A_155 = arith.constant 7.62939453E-6 : f32
    %mul3A_156 = vector.broadcast %mul3A_155 : f32 to vector<1x64xf32>
    %mul3A_157 = arith.mulf %slice3A_154, %mul3A_156 : vector<1x64xf32>
    %slice3A_158 = vector.extract_strided_slice %get3A_150 {offsets = [1, 0], sizes = [1, 64], strides = [1, 1]} : vector<8x64xf32> to vector<1x64xf32>
    %mul3A_159 = arith.constant 7.62939453E-6 : f32
    %mul3A_160 = vector.broadcast %mul3A_159 : f32 to vector<1x64xf32>
    %mul3A_161 = arith.mulf %slice3A_158, %mul3A_160 : vector<1x64xf32>
    %mul3A_162 = arith.mulf %mul3A_157, %mul3A_157 : vector<1x64xf32>
    %sub3A_163 = arith.subf %mul3A_161, %mul3A_162 : vector<1x64xf32>
    %add3A_164 = arith.constant 9.99999974E-6 : f32
    %add3A_165 = vector.broadcast %add3A_164 : f32 to vector<1x64xf32>
    %add3A_166 = arith.addf %sub3A_163, %add3A_165 : vector<1x64xf32>
    %rsqrt3A_167 = math.rsqrt %add3A_166 : vector<1x64xf32>
    %slice3A_168 = vector.extract_strided_slice %get3A_153 {offsets = [0, 0], sizes = [1, 64], strides = [1, 1]} : vector<2x64xf32> to vector<1x64xf32>
    %mul3A_169 = arith.mulf %rsqrt3A_167, %slice3A_168 : vector<1x64xf32>
    %sub3A_170 = vector.broadcast %mul3A_157 : vector<1x64xf32> to vector<2048x64xf32>
    %sub3A_171 = arith.subf %reshape3A_147, %sub3A_170 : vector<2048x64xf32>
    %mul3A_172 = vector.broadcast %mul3A_169 : vector<1x64xf32> to vector<2048x64xf32>
    %mul3A_173 = arith.mulf %sub3A_171, %mul3A_172 : vector<2048x64xf32>
    %slice3A_174 = vector.extract_strided_slice %get3A_153 {offsets = [1, 0], sizes = [1, 64], strides = [1, 1]} : vector<2x64xf32> to vector<1x64xf32>
    %add3A_175 = vector.broadcast %slice3A_174 : vector<1x64xf32> to vector<2048x64xf32>
    %add3A_176 = arith.addf %mul3A_173, %add3A_175 : vector<2048x64xf32>
    %max3A_177 = arith.constant 0.000000e+00 : f32
    %max3A_178 = vector.broadcast %max3A_177 : f32 to vector<2048x64xf32>
    %max3A_179 = arith.maximumf %add3A_176, %max3A_178 : vector<2048x64xf32>
    %get3A_180 = arith.constant 0 : index
    %get3A_181 = arith.constant 0 : index
    %get3A_182 = vector.load %arg14[%get3A_180, %get3A_181] : memref<64x64xf32, #tpu.memory_space<vmem>>, vector<64x64xf32>
    %dot_general3A_183 = arith.constant dense<0.000000e+00> : vector<2048x64xf32>
    %dot_general3A_184 = tpu.matmul %max3A_179, %get3A_182, %dot_general3A_183 {dimension_numbers = #tpu.dot_dimension_numbers<[1], [0], [0], [1], [0, 0, 1, 1], [], []>, transpose_lhs_hint = false} : vector<2048x64xf32>, vector<64x64xf32>, vector<2048x64xf32> -> vector<2048x64xf32>
    %get3A_185 = arith.constant 0 : index
    %get3A_186 = arith.constant 0 : index
    %get3A_187 = vector.load %arg16[%get3A_185, %get3A_186] : memref<8x64xf32, #tpu.memory_space<vmem>>, vector<8x64xf32>
    %get3A_188 = arith.constant 0 : index
    %get3A_189 = arith.constant 0 : index
    %get3A_190 = vector.load %arg18[%get3A_188, %get3A_189] : memref<2x64xf32, #tpu.memory_space<vmem>>, vector<2x64xf32>
    %slice3A_191 = vector.extract_strided_slice %get3A_187 {offsets = [0, 0], sizes = [1, 64], strides = [1, 1]} : vector<8x64xf32> to vector<1x64xf32>
    %mul3A_192 = arith.constant 7.62939453E-6 : f32
    %mul3A_193 = vector.broadcast %mul3A_192 : f32 to vector<1x64xf32>
    %mul3A_194 = arith.mulf %slice3A_191, %mul3A_193 : vector<1x64xf32>
    %slice3A_195 = vector.extract_strided_slice %get3A_187 {offsets = [1, 0], sizes = [1, 64], strides = [1, 1]} : vector<8x64xf32> to vector<1x64xf32>
    %mul3A_196 = arith.constant 7.62939453E-6 : f32
    %mul3A_197 = vector.broadcast %mul3A_196 : f32 to vector<1x64xf32>
    %mul3A_198 = arith.mulf %slice3A_195, %mul3A_197 : vector<1x64xf32>
    %mul3A_199 = arith.mulf %mul3A_194, %mul3A_194 : vector<1x64xf32>
    %sub3A_200 = arith.subf %mul3A_198, %mul3A_199 : vector<1x64xf32>
    %add3A_201 = arith.constant 9.99999974E-6 : f32
    %add3A_202 = vector.broadcast %add3A_201 : f32 to vector<1x64xf32>
    %add3A_203 = arith.addf %sub3A_200, %add3A_202 : vector<1x64xf32>
    %rsqrt3A_204 = math.rsqrt %add3A_203 : vector<1x64xf32>
    %slice3A_205 = vector.extract_strided_slice %get3A_190 {offsets = [0, 0], sizes = [1, 64], strides = [1, 1]} : vector<2x64xf32> to vector<1x64xf32>
    %mul3A_206 = arith.mulf %rsqrt3A_204, %slice3A_205 : vector<1x64xf32>
    %sub3A_207 = vector.broadcast %mul3A_194 : vector<1x64xf32> to vector<2048x64xf32>
    %sub3A_208 = arith.subf %dot_general3A_184, %sub3A_207 : vector<2048x64xf32>
    %mul3A_209 = vector.broadcast %mul3A_206 : vector<1x64xf32> to vector<2048x64xf32>
    %mul3A_210 = arith.mulf %sub3A_208, %mul3A_209 : vector<2048x64xf32>
    %slice3A_211 = vector.extract_strided_slice %get3A_190 {offsets = [1, 0], sizes = [1, 64], strides = [1, 1]} : vector<2x64xf32> to vector<1x64xf32>
    %add3A_212 = vector.broadcast %slice3A_211 : vector<1x64xf32> to vector<2048x64xf32>
    %add3A_213 = arith.addf %mul3A_210, %add3A_212 : vector<2048x64xf32>
    %max3A_214 = arith.constant 0.000000e+00 : f32
    %max3A_215 = vector.broadcast %max3A_214 : f32 to vector<2048x64xf32>
    %max3A_216 = arith.maximumf %add3A_213, %max3A_215 : vector<2048x64xf32>
    %get3A_217 = arith.constant 0 : index
    %get3A_218 = arith.constant 0 : index
    %get3A_219 = vector.load %arg17[%get3A_217, %get3A_218] : memref<64x128xf32, #tpu.memory_space<vmem>>, vector<64x128xf32>
    %dot_general3A_220 = arith.constant dense<0.000000e+00> : vector<2048x128xf32>
    %dot_general3A_221 = tpu.matmul %max3A_216, %get3A_219, %dot_general3A_220 {dimension_numbers = #tpu.dot_dimension_numbers<[1], [0], [0], [1], [0, 0, 1, 1], [], []>, transpose_lhs_hint = false} : vector<2048x64xf32>, vector<64x128xf32>, vector<2048x128xf32> -> vector<2048x128xf32>
    %eq3A_222 = arith.constant 0 : i32
    %eq3A_223 = arith.cmpi eq, %arg0, %eq3A_222 : i32
    %convert_element_type3A_224 = arith.extui %eq3A_223 : i1 to i32
    %cond3A_225 = arith.constant 0 : i32
    %cond3A_226 = arith.cmpi ne, %convert_element_type3A_224, %cond3A_225 : i32
    scf.if %cond3A_226 {
      %broadcast_in_dim3A_376 = arith.constant 0.000000e+00 : f32
      %broadcast_in_dim3A_377 = vector.broadcast %broadcast_in_dim3A_376 : f32 to vector<8x128xf32>
      %swap3A_378 = arith.constant 0 : index
      %swap3A_379 = arith.constant 0 : index
      %swap3A_380 = vector.load %arg28[%swap3A_378, %swap3A_379] : memref<8x128xf32, #tpu.memory_space<vmem>>, vector<8x128xf32>
      tpu.vector_store %arg28[%swap3A_378, %swap3A_379], %broadcast_in_dim3A_377 {strides = array<i32>} : memref<8x128xf32, #tpu.memory_space<vmem>>, vector<8x128xf32>,
    } else {
    }
    %jit3A_227 = arith.constant 0.000000e+00 : f32
    %broadcast_in_dim3A_228 = vector.shape_cast %lt3A_132 : vector<2048x1xi1> to vector<2048x1xi1>
    %broadcast_in_dim3A_229 = vector.broadcast %broadcast_in_dim3A_228 : vector<2048x1xi1> to vector<2048x128xi1>
    %broadcast_in_dim3A_230 = vector.broadcast %jit3A_227 : f32 to vector<2048x128xf32>
    %select_n3A_231 = arith.select %broadcast_in_dim3A_229, %dot_general3A_221, %broadcast_in_dim3A_230 : vector<2048x128xi1>, vector<2048x128xf32>
    %get3A_232 = arith.constant 0 : index
    %get3A_233 = arith.constant 0 : index
    %get3A_234 = vector.load %arg28[%get3A_232, %get3A_233] : memref<8x128xf32, #tpu.memory_space<vmem>>, vector<1x128xf32>
    %reduce_sum3A_235 = arith.constant dense<0.000000e+00> : vector<128xf32>
    %reduce_sum3A_236 = vector.multi_reduction <add>, %select_n3A_231, %reduce_sum3A_235 [0] : vector<2048x128xf32> to vector<128xf32>
    %broadcast_in_dim3A_237 = vector.shape_cast %reduce_sum3A_236 : vector<128xf32> to vector<1x128xf32>
    %add3A_238 = arith.addf %get3A_234, %broadcast_in_dim3A_237 : vector<1x128xf32>
    %swap3A_239 = arith.constant 0 : index
    %swap3A_240 = arith.constant 0 : index
    %swap3A_241 = vector.load %arg28[%swap3A_239, %swap3A_240] : memref<8x128xf32, #tpu.memory_space<vmem>>, vector<1x128xf32>
    tpu.vector_store %arg28[%swap3A_239, %swap3A_240], %add3A_238 {strides = array<i32>} : memref<8x128xf32, #tpu.memory_space<vmem>>, vector<1x128xf32>,
    %get3A_242 = arith.constant 1 : index
    %get3A_243 = arith.constant 0 : index
    %get3A_244 = vector.load %arg28[%get3A_242, %get3A_243] : memref<8x128xf32, #tpu.memory_space<vmem>>, vector<1x128xf32>
    %mul3A_245 = arith.mulf %select_n3A_231, %dot_general3A_221 : vector<2048x128xf32>
    %reduce_sum3A_246 = arith.constant dense<0.000000e+00> : vector<128xf32>
    %reduce_sum3A_247 = vector.multi_reduction <add>, %mul3A_245, %reduce_sum3A_246 [0] : vector<2048x128xf32> to vector<128xf32>
    %broadcast_in_dim3A_248 = vector.shape_cast %reduce_sum3A_247 : vector<128xf32> to vector<1x128xf32>
    %add3A_249 = arith.addf %get3A_244, %broadcast_in_dim3A_248 : vector<1x128xf32>
    %swap3A_250 = arith.constant 1 : index
    %swap3A_251 = arith.constant 0 : index
    %swap3A_252 = vector.load %arg28[%swap3A_250, %swap3A_251] : memref<8x128xf32, #tpu.memory_space<vmem>>, vector<1x128xf32>
    tpu.vector_store %arg28[%swap3A_250, %swap3A_251], %add3A_249 {strides = array<i32>} : memref<8x128xf32, #tpu.memory_space<vmem>>, vector<1x128xf32>,
    %lt3A_253 = arith.constant 64 : i32
    %lt3A_254 = vector.broadcast %lt3A_253 : i32 to vector<2048x1xi32>
    %lt3A_255 = arith.cmpi slt, %select_n3A_18, %lt3A_254 : vector<2048x1xi32>
    %get3A_256 = arith.constant 0 : index
    %get3A_257 = arith.constant 0 : index
    %get3A_258 = vector.load %arg19[%get3A_256, %get3A_257] : memref<16x64xf32, #tpu.memory_space<vmem>>, vector<16x64xf32>
    %dot_general3A_259 = arith.constant dense<0.000000e+00> : vector<2048x64xf32>
    %dot_general3A_260 = tpu.matmul %get3A_1, %get3A_258, %dot_general3A_259 {dimension_numbers = #tpu.dot_dimension_numbers<[1], [0], [0], [1], [0, 0, 1, 1], [], []>, transpose_lhs_hint = false} : vector<2048x16xf32>, vector<16x64xf32>, vector<2048x64xf32> -> vector<2048x64xf32>
    %get3A_261 = arith.constant 0 : index
    %get3A_262 = arith.constant 0 : index
    %get3A_263 = vector.load %arg20[%get3A_261, %get3A_262] : memref<4x64xf32, #tpu.memory_space<vmem>>, vector<4x64xf32>
    %dot_general3A_264 = arith.constant dense<0.000000e+00> : vector<32x64xf32>
    %dot_general3A_265 = tpu.matmul %get3A_4, %get3A_263, %dot_general3A_264 {dimension_numbers = #tpu.dot_dimension_numbers<[1], [0], [0], [1], [0, 0, 1, 1], [], []>, transpose_lhs_hint = false} : vector<32x4xf32>, vector<4x64xf32>, vector<32x64xf32> -> vector<32x64xf32>
    %reshape3A_266 = vector.shape_cast %dot_general3A_260 : vector<2048x64xf32> to vector<32x64x64xf32>
    %broadcast_in_dim3A_267 = vector.shape_cast %dot_general3A_265 : vector<32x64xf32> to vector<32x1x64xf32>
    %sub3A_268 = vector.broadcast %broadcast_in_dim3A_267 : vector<32x1x64xf32> to vector<32x64x64xf32>
    %sub3A_269 = arith.subf %reshape3A_266, %sub3A_268 : vector<32x64x64xf32>
    %reshape3A_270 = vector.shape_cast %sub3A_269 : vector<32x64x64xf32> to vector<2048x64xf32>
    %get3A_271 = arith.constant 0 : index
    %get3A_272 = arith.constant 0 : index
    %get3A_273 = vector.load %arg21[%get3A_271, %get3A_272] : memref<8x64xf32, #tpu.memory_space<vmem>>, vector<8x64xf32>
    %get3A_274 = arith.constant 0 : index
    %get3A_275 = arith.constant 0 : index
    %get3A_276 = vector.load %arg23[%get3A_274, %get3A_275] : memref<2x64xf32, #tpu.memory_space<vmem>>, vector<2x64xf32>
    %slice3A_277 = vector.extract_strided_slice %get3A_273 {offsets = [0, 0], sizes = [1, 64], strides = [1, 1]} : vector<8x64xf32> to vector<1x64xf32>
    %mul3A_278 = arith.constant 3.81469727E-6 : f32
    %mul3A_279 = vector.broadcast %mul3A_278 : f32 to vector<1x64xf32>
    %mul3A_280 = arith.mulf %slice3A_277, %mul3A_279 : vector<1x64xf32>
    %slice3A_281 = vector.extract_strided_slice %get3A_273 {offsets = [1, 0], sizes = [1, 64], strides = [1, 1]} : vector<8x64xf32> to vector<1x64xf32>
    %mul3A_282 = arith.constant 3.81469727E-6 : f32
    %mul3A_283 = vector.broadcast %mul3A_282 : f32 to vector<1x64xf32>
    %mul3A_284 = arith.mulf %slice3A_281, %mul3A_283 : vector<1x64xf32>
    %mul3A_285 = arith.mulf %mul3A_280, %mul3A_280 : vector<1x64xf32>
    %sub3A_286 = arith.subf %mul3A_284, %mul3A_285 : vector<1x64xf32>
    %add3A_287 = arith.constant 9.99999974E-6 : f32
    %add3A_288 = vector.broadcast %add3A_287 : f32 to vector<1x64xf32>
    %add3A_289 = arith.addf %sub3A_286, %add3A_288 : vector<1x64xf32>
    %rsqrt3A_290 = math.rsqrt %add3A_289 : vector<1x64xf32>
    %slice3A_291 = vector.extract_strided_slice %get3A_276 {offsets = [0, 0], sizes = [1, 64], strides = [1, 1]} : vector<2x64xf32> to vector<1x64xf32>
    %mul3A_292 = arith.mulf %rsqrt3A_290, %slice3A_291 : vector<1x64xf32>
    %sub3A_293 = vector.broadcast %mul3A_280 : vector<1x64xf32> to vector<2048x64xf32>
    %sub3A_294 = arith.subf %reshape3A_270, %sub3A_293 : vector<2048x64xf32>
    %mul3A_295 = vector.broadcast %mul3A_292 : vector<1x64xf32> to vector<2048x64xf32>
    %mul3A_296 = arith.mulf %sub3A_294, %mul3A_295 : vector<2048x64xf32>
    %slice3A_297 = vector.extract_strided_slice %get3A_276 {offsets = [1, 0], sizes = [1, 64], strides = [1, 1]} : vector<2x64xf32> to vector<1x64xf32>
    %add3A_298 = vector.broadcast %slice3A_297 : vector<1x64xf32> to vector<2048x64xf32>
    %add3A_299 = arith.addf %mul3A_296, %add3A_298 : vector<2048x64xf32>
    %max3A_300 = arith.constant 0.000000e+00 : f32
    %max3A_301 = vector.broadcast %max3A_300 : f32 to vector<2048x64xf32>
    %max3A_302 = arith.maximumf %add3A_299, %max3A_301 : vector<2048x64xf32>
    %get3A_303 = arith.constant 0 : index
    %get3A_304 = arith.constant 0 : index
    %get3A_305 = vector.load %arg22[%get3A_303, %get3A_304] : memref<64x96xf32, #tpu.memory_space<vmem>>, vector<64x96xf32>
    %dot_general3A_306 = arith.constant dense<0.000000e+00> : vector<2048x96xf32>
    %dot_general3A_307 = tpu.matmul %max3A_302, %get3A_305, %dot_general3A_306 {dimension_numbers = #tpu.dot_dimension_numbers<[1], [0], [0], [1], [0, 0, 1, 1], [], []>, transpose_lhs_hint = false} : vector<2048x64xf32>, vector<64x96xf32>, vector<2048x96xf32> -> vector<2048x96xf32>
    %get3A_308 = arith.constant 0 : index
    %get3A_309 = arith.constant 0 : index
    %get3A_310 = vector.load %arg24[%get3A_308, %get3A_309] : memref<8x96xf32, #tpu.memory_space<vmem>>, vector<8x96xf32>
    %get3A_311 = arith.constant 0 : index
    %get3A_312 = arith.constant 0 : index
    %get3A_313 = vector.load %arg26[%get3A_311, %get3A_312] : memref<2x96xf32, #tpu.memory_space<vmem>>, vector<2x96xf32>
    %slice3A_314 = vector.extract_strided_slice %get3A_310 {offsets = [0, 0], sizes = [1, 96], strides = [1, 1]} : vector<8x96xf32> to vector<1x96xf32>
    %mul3A_315 = arith.constant 3.81469727E-6 : f32
    %mul3A_316 = vector.broadcast %mul3A_315 : f32 to vector<1x96xf32>
    %mul3A_317 = arith.mulf %slice3A_314, %mul3A_316 : vector<1x96xf32>
    %slice3A_318 = vector.extract_strided_slice %get3A_310 {offsets = [1, 0], sizes = [1, 96], strides = [1, 1]} : vector<8x96xf32> to vector<1x96xf32>
    %mul3A_319 = arith.constant 3.81469727E-6 : f32
    %mul3A_320 = vector.broadcast %mul3A_319 : f32 to vector<1x96xf32>
    %mul3A_321 = arith.mulf %slice3A_318, %mul3A_320 : vector<1x96xf32>
    %mul3A_322 = arith.mulf %mul3A_317, %mul3A_317 : vector<1x96xf32>
    %sub3A_323 = arith.subf %mul3A_321, %mul3A_322 : vector<1x96xf32>
    %add3A_324 = arith.constant 9.99999974E-6 : f32
    %add3A_325 = vector.broadcast %add3A_324 : f32 to vector<1x96xf32>
    %add3A_326 = arith.addf %sub3A_323, %add3A_325 : vector<1x96xf32>
    %rsqrt3A_327 = math.rsqrt %add3A_326 : vector<1x96xf32>
    %slice3A_328 = vector.extract_strided_slice %get3A_313 {offsets = [0, 0], sizes = [1, 96], strides = [1, 1]} : vector<2x96xf32> to vector<1x96xf32>
    %mul3A_329 = arith.mulf %rsqrt3A_327, %slice3A_328 : vector<1x96xf32>
    %sub3A_330 = vector.broadcast %mul3A_317 : vector<1x96xf32> to vector<2048x96xf32>
    %sub3A_331 = arith.subf %dot_general3A_307, %sub3A_330 : vector<2048x96xf32>
    %mul3A_332 = vector.broadcast %mul3A_329 : vector<1x96xf32> to vector<2048x96xf32>
    %mul3A_333 = arith.mulf %sub3A_331, %mul3A_332 : vector<2048x96xf32>
    %slice3A_334 = vector.extract_strided_slice %get3A_313 {offsets = [1, 0], sizes = [1, 96], strides = [1, 1]} : vector<2x96xf32> to vector<1x96xf32>
    %add3A_335 = vector.broadcast %slice3A_334 : vector<1x96xf32> to vector<2048x96xf32>
    %add3A_336 = arith.addf %mul3A_333, %add3A_335 : vector<2048x96xf32>
    %max3A_337 = arith.constant 0.000000e+00 : f32
    %max3A_338 = vector.broadcast %max3A_337 : f32 to vector<2048x96xf32>
    %max3A_339 = arith.maximumf %add3A_336, %max3A_338 : vector<2048x96xf32>
    %get3A_340 = arith.constant 0 : index
    %get3A_341 = arith.constant 0 : index
    %get3A_342 = vector.load %arg25[%get3A_340, %get3A_341] : memref<96x128xf32, #tpu.memory_space<vmem>>, vector<96x128xf32>
    %dot_general3A_343 = arith.constant dense<0.000000e+00> : vector<2048x128xf32>
    %dot_general3A_344 = tpu.matmul %max3A_339, %get3A_342, %dot_general3A_343 {dimension_numbers = #tpu.dot_dimension_numbers<[1], [0], [0], [1], [0, 0, 1, 1], [], []>, transpose_lhs_hint = false} : vector<2048x96xf32>, vector<96x128xf32>, vector<2048x128xf32> -> vector<2048x128xf32>
    %eq3A_345 = arith.constant 0 : i32
    %eq3A_346 = arith.cmpi eq, %arg0, %eq3A_345 : i32
    %convert_element_type3A_347 = arith.extui %eq3A_346 : i1 to i32
    %cond3A_348 = arith.constant 0 : i32
    %cond3A_349 = arith.cmpi ne, %convert_element_type3A_347, %cond3A_348 : i32
    scf.if %cond3A_349 {
      %broadcast_in_dim3A_376 = arith.constant 0.000000e+00 : f32
      %broadcast_in_dim3A_377 = vector.broadcast %broadcast_in_dim3A_376 : f32 to vector<8x128xf32>
      %swap3A_378 = arith.constant 0 : index
      %swap3A_379 = arith.constant 0 : index
      %swap3A_380 = vector.load %arg29[%swap3A_378, %swap3A_379] : memref<8x128xf32, #tpu.memory_space<vmem>>, vector<8x128xf32>
      tpu.vector_store %arg29[%swap3A_378, %swap3A_379], %broadcast_in_dim3A_377 {strides = array<i32>} : memref<8x128xf32, #tpu.memory_space<vmem>>, vector<8x128xf32>,
    } else {
    }
    %jit3A_350 = arith.constant 0.000000e+00 : f32
    %broadcast_in_dim3A_351 = vector.shape_cast %lt3A_255 : vector<2048x1xi1> to vector<2048x1xi1>
    %broadcast_in_dim3A_352 = vector.broadcast %broadcast_in_dim3A_351 : vector<2048x1xi1> to vector<2048x128xi1>
    %broadcast_in_dim3A_353 = vector.broadcast %jit3A_350 : f32 to vector<2048x128xf32>
    %select_n3A_354 = arith.select %broadcast_in_dim3A_352, %dot_general3A_344, %broadcast_in_dim3A_353 : vector<2048x128xi1>, vector<2048x128xf32>
    %get3A_355 = arith.constant 0 : index
    %get3A_356 = arith.constant 0 : index
    %get3A_357 = vector.load %arg29[%get3A_355, %get3A_356] : memref<8x128xf32, #tpu.memory_space<vmem>>, vector<1x128xf32>
    %reduce_sum3A_358 = arith.constant dense<0.000000e+00> : vector<128xf32>
    %reduce_sum3A_359 = vector.multi_reduction <add>, %select_n3A_354, %reduce_sum3A_358 [0] : vector<2048x128xf32> to vector<128xf32>
    %broadcast_in_dim3A_360 = vector.shape_cast %reduce_sum3A_359 : vector<128xf32> to vector<1x128xf32>
    %add3A_361 = arith.addf %get3A_357, %broadcast_in_dim3A_360 : vector<1x128xf32>
    %swap3A_362 = arith.constant 0 : index
    %swap3A_363 = arith.constant 0 : index
    %swap3A_364 = vector.load %arg29[%swap3A_362, %swap3A_363] : memref<8x128xf32, #tpu.memory_space<vmem>>, vector<1x128xf32>
    tpu.vector_store %arg29[%swap3A_362, %swap3A_363], %add3A_361 {strides = array<i32>} : memref<8x128xf32, #tpu.memory_space<vmem>>, vector<1x128xf32>,
    %get3A_365 = arith.constant 1 : index
    %get3A_366 = arith.constant 0 : index
    %get3A_367 = vector.load %arg29[%get3A_365, %get3A_366] : memref<8x128xf32, #tpu.memory_space<vmem>>, vector<1x128xf32>
    %mul3A_368 = arith.mulf %select_n3A_354, %dot_general3A_344 : vector<2048x128xf32>
    %reduce_sum3A_369 = arith.constant dense<0.000000e+00> : vector<128xf32>
    %reduce_sum3A_370 = vector.multi_reduction <add>, %mul3A_368, %reduce_sum3A_369 [0] : vector<2048x128xf32> to vector<128xf32>
    %broadcast_in_dim3A_371 = vector.shape_cast %reduce_sum3A_370 : vector<128xf32> to vector<1x128xf32>
    %add3A_372 = arith.addf %get3A_367, %broadcast_in_dim3A_371 : vector<1x128xf32>
    %swap3A_373 = arith.constant 1 : index
    %swap3A_374 = arith.constant 0 : index
    %swap3A_375 = vector.load %arg29[%swap3A_373, %swap3A_374] : memref<8x128xf32, #tpu.memory_space<vmem>>, vector<1x128xf32>
    tpu.vector_store %arg29[%swap3A_373, %swap3A_374], %add3A_372 {strides = array<i32>} : memref<8x128xf32, #tpu.memory_space<vmem>>, vector<1x128xf32>,
    return
  }
  func.func @transform_0(%arg0: i32) -> (i32, i32) {
    %c0_i32 = arith.constant 0 : i32
    %c0_i32_0 = arith.constant 0 : i32
    return %arg0, %c0_i32 : i32, i32
  }
  func.func @transform_1(%arg0: i32) -> (i32, i32) {
    %c0_i32 = arith.constant 0 : i32
    %c0_i32_0 = arith.constant 0 : i32
    return %arg0, %c0_i32 : i32, i32
  }
  func.func @transform_2(%arg0: i32) -> (i32, i32) {
    %c0_i32 = arith.constant 0 : i32
    %c0_i32_0 = arith.constant 0 : i32
    %c0_i32_1 = arith.constant 0 : i32
    return %c0_i32, %c0_i32_0 : i32, i32
  }
  func.func @transform_3(%arg0: i32) -> (i32, i32) {
    %c0_i32 = arith.constant 0 : i32
    %c0_i32_0 = arith.constant 0 : i32
    %c0_i32_1 = arith.constant 0 : i32
    return %c0_i32, %c0_i32_0 : i32, i32
  }
  func.func @transform_4(%arg0: i32) -> (i32, i32) {
    %c0_i32 = arith.constant 0 : i32
    %c0_i32_0 = arith.constant 0 : i32
    %c0_i32_1 = arith.constant 0 : i32
    return %c0_i32, %c0_i32_0 : i32, i32
  }
  func.func @transform_5(%arg0: i32) -> (i32, i32) {
    %c0_i32 = arith.constant 0 : i32
    %c0_i32_0 = arith.constant 0 : i32
    %c0_i32_1 = arith.constant 0 : i32
    return %c0_i32, %c0_i32_0 : i32, i32
  }
  func.func @transform_6(%arg0: i32) -> (i32, i32) {
    %c0_i32 = arith.constant 0 : i32
    %c0_i32_0 = arith.constant 0 : i32
    %c0_i32_1 = arith.constant 0 : i32
    return %c0_i32, %c0_i32_0 : i32, i32
  }
  func.func @transform_7(%arg0: i32) -> (i32, i32) {
    %c0_i32 = arith.constant 0 : i32
    %c0_i32_0 = arith.constant 0 : i32
    %c0_i32_1 = arith.constant 0 : i32
    return %c0_i32, %c0_i32_0 : i32, i32
  }
  func.func @transform_8(%arg0: i32) -> (i32, i32) {
    %c0_i32 = arith.constant 0 : i32
    %c0_i32_0 = arith.constant 0 : i32
    %c0_i32_1 = arith.constant 0 : i32
    return %c0_i32, %c0_i32_0 : i32, i32
  }
  func.func @transform_9(%arg0: i32) -> (i32, i32) {
    %c0_i32 = arith.constant 0 : i32
    %c0_i32_0 = arith.constant 0 : i32
    %c0_i32_1 = arith.constant 0 : i32
    return %c0_i32, %c0_i32_0 : i32, i32
  }
  func.func @transform_10(%arg0: i32) -> (i32, i32) {
    %c0_i32 = arith.constant 0 : i32
    %c0_i32_0 = arith.constant 0 : i32
    %c0_i32_1 = arith.constant 0 : i32
    return %c0_i32, %c0_i32_0 : i32, i32
  }
  func.func @transform_11(%arg0: i32) -> (i32, i32) {
    %c0_i32 = arith.constant 0 : i32
    %c0_i32_0 = arith.constant 0 : i32
    %c0_i32_1 = arith.constant 0 : i32
    return %c0_i32, %c0_i32_0 : i32, i32
  }
  func.func @transform_12(%arg0: i32) -> (i32, i32) {
    %c0_i32 = arith.constant 0 : i32
    %c0_i32_0 = arith.constant 0 : i32
    %c0_i32_1 = arith.constant 0 : i32
    return %c0_i32, %c0_i32_0 : i32, i32
  }
  func.func @transform_13(%arg0: i32) -> (i32, i32) {
    %c0_i32 = arith.constant 0 : i32
    %c0_i32_0 = arith.constant 0 : i32
    %c0_i32_1 = arith.constant 0 : i32
    return %c0_i32, %c0_i32_0 : i32, i32
  }
  func.func @transform_14(%arg0: i32) -> (i32, i32) {
    %c0_i32 = arith.constant 0 : i32
    %c0_i32_0 = arith.constant 0 : i32
    %c0_i32_1 = arith.constant 0 : i32
    return %c0_i32, %c0_i32_0 : i32, i32
  }
  func.func @transform_15(%arg0: i32) -> (i32, i32) {
    %c0_i32 = arith.constant 0 : i32
    %c0_i32_0 = arith.constant 0 : i32
    %c0_i32_1 = arith.constant 0 : i32
    return %c0_i32, %c0_i32_0 : i32, i32
  }
  func.func @transform_16(%arg0: i32) -> (i32, i32) {
    %c0_i32 = arith.constant 0 : i32
    %c0_i32_0 = arith.constant 0 : i32
    %c0_i32_1 = arith.constant 0 : i32
    return %c0_i32, %c0_i32_0 : i32, i32
  }
  func.func @transform_17(%arg0: i32) -> (i32, i32) {
    %c0_i32 = arith.constant 0 : i32
    %c0_i32_0 = arith.constant 0 : i32
    %c0_i32_1 = arith.constant 0 : i32
    return %c0_i32, %c0_i32_0 : i32, i32
  }
  func.func @transform_18(%arg0: i32) -> (i32, i32) {
    %c0_i32 = arith.constant 0 : i32
    %c0_i32_0 = arith.constant 0 : i32
    %c0_i32_1 = arith.constant 0 : i32
    return %c0_i32, %c0_i32_0 : i32, i32
  }
  func.func @transform_19(%arg0: i32) -> (i32, i32) {
    %c0_i32 = arith.constant 0 : i32
    %c0_i32_0 = arith.constant 0 : i32
    %c0_i32_1 = arith.constant 0 : i32
    return %c0_i32, %c0_i32_0 : i32, i32
  }
  func.func @transform_20(%arg0: i32) -> (i32, i32) {
    %c0_i32 = arith.constant 0 : i32
    %c0_i32_0 = arith.constant 0 : i32
    %c0_i32_1 = arith.constant 0 : i32
    return %c0_i32, %c0_i32_0 : i32, i32
  }
  func.func @transform_21(%arg0: i32) -> (i32, i32) {
    %c0_i32 = arith.constant 0 : i32
    %c0_i32_0 = arith.constant 0 : i32
    %c0_i32_1 = arith.constant 0 : i32
    return %c0_i32, %c0_i32_0 : i32, i32
  }
  func.func @transform_22(%arg0: i32) -> (i32, i32) {
    %c0_i32 = arith.constant 0 : i32
    %c0_i32_0 = arith.constant 0 : i32
    %c0_i32_1 = arith.constant 0 : i32
    return %c0_i32, %c0_i32_0 : i32, i32
  }
  func.func @transform_23(%arg0: i32) -> (i32, i32) {
    %c0_i32 = arith.constant 0 : i32
    %c0_i32_0 = arith.constant 0 : i32
    %c0_i32_1 = arith.constant 0 : i32
    return %c0_i32, %c0_i32_0 : i32, i32
  }
  func.func @transform_24(%arg0: i32) -> (i32, i32) {
    %c0_i32 = arith.constant 0 : i32
    %c0_i32_0 = arith.constant 0 : i32
    %c0_i32_1 = arith.constant 0 : i32
    return %c0_i32, %c0_i32_0 : i32, i32
  }
  func.func @transform_25(%arg0: i32) -> (i32, i32) {
    %c0_i32 = arith.constant 0 : i32
    %c0_i32_0 = arith.constant 0 : i32
    %c0_i32_1 = arith.constant 0 : i32
    return %c0_i32, %c0_i32_0 : i32, i32
  }
  func.func @transform_26(%arg0: i32) -> (i32, i32) {
    %c0_i32 = arith.constant 0 : i32
    %c0_i32_0 = arith.constant 0 : i32
    %c0_i32_1 = arith.constant 0 : i32
    return %c0_i32, %c0_i32_0 : i32, i32
  }
  func.func @transform_27(%arg0: i32) -> (i32, i32) {
    %c0_i32 = arith.constant 0 : i32
    %c0_i32_0 = arith.constant 0 : i32
    %c0_i32_1 = arith.constant 0 : i32
    return %c0_i32, %c0_i32_0 : i32, i32
  }
  func.func @transform_28(%arg0: i32) -> (i32, i32) {
    %c0_i32 = arith.constant 0 : i32
    %c0_i32_0 = arith.constant 0 : i32
    %c0_i32_1 = arith.constant 0 : i32
    return %c0_i32, %c0_i32_0 : i32, i32
  }
}

module attributes {stable_mosaic.version = 14 : i64} {
  func.func @_ph_body(%arg0: i32, %arg1: memref<2048x16xf32, #tpu.memory_space<vmem>>, %arg2: memref<32x4xf32, #tpu.memory_space<vmem>>, %arg3: memref<16x32xf32, #tpu.memory_space<vmem>>, %arg4: memref<4x32xf32, #tpu.memory_space<vmem>>, %arg5: memref<8x32xf32, #tpu.memory_space<vmem>>, %arg6: memref<32x32xf32, #tpu.memory_space<vmem>>, %arg7: memref<2x32xf32, #tpu.memory_space<vmem>>, %arg8: memref<8x32xf32, #tpu.memory_space<vmem>>, %arg9: memref<32x64xf32, #tpu.memory_space<vmem>>, %arg10: memref<2x32xf32, #tpu.memory_space<vmem>>, %arg11: memref<8x64xf32, #tpu.memory_space<vmem>>, %arg12: memref<2x64xf32, #tpu.memory_space<vmem>>, %arg13: memref<16x64xf32, #tpu.memory_space<vmem>>, %arg14: memref<4x64xf32, #tpu.memory_space<vmem>>, %arg15: memref<8x64xf32, #tpu.memory_space<vmem>>, %arg16: memref<64x64xf32, #tpu.memory_space<vmem>>, %arg17: memref<2x64xf32, #tpu.memory_space<vmem>>, %arg18: memref<8x64xf32, #tpu.memory_space<vmem>>, %arg19: memref<64x128xf32, #tpu.memory_space<vmem>>, %arg20: memref<2x64xf32, #tpu.memory_space<vmem>>, %arg21: memref<8x128xf32, #tpu.memory_space<vmem>>, %arg22: memref<2x128xf32, #tpu.memory_space<vmem>>, %arg23: memref<16x64xf32, #tpu.memory_space<vmem>>, %arg24: memref<4x64xf32, #tpu.memory_space<vmem>>, %arg25: memref<8x64xf32, #tpu.memory_space<vmem>>, %arg26: memref<64x96xf32, #tpu.memory_space<vmem>>, %arg27: memref<2x64xf32, #tpu.memory_space<vmem>>, %arg28: memref<8x96xf32, #tpu.memory_space<vmem>>, %arg29: memref<96x128xf32, #tpu.memory_space<vmem>>, %arg30: memref<2x96xf32, #tpu.memory_space<vmem>>, %arg31: memref<8x128xf32, #tpu.memory_space<vmem>>, %arg32: memref<2x128xf32, #tpu.memory_space<vmem>>, %arg33: memref<32x64xf32, #tpu.memory_space<vmem>>, %arg34: memref<32x128xf32, #tpu.memory_space<vmem>>, %arg35: memref<32x128xf32, #tpu.memory_space<vmem>>) attributes {dimension_semantics = [#tpu.dimension_semantics<arbitrary>], iteration_bounds = array<i64: 128>, scalar_prefetch = 0 : i64, scratch_operands = 0 : i64, tpu.core_type = #tpu.core_type<tc>, window_params = [{transform_indices = @transform_0, window_bounds = array<i64: 2048, 16>}, {transform_indices = @transform_1, window_bounds = array<i64: 32, 4>}, {pipeline_mode = #tpu.pipeline_mode<synchronous>, transform_indices = @transform_2, window_bounds = array<i64: 16, 32>}, {pipeline_mode = #tpu.pipeline_mode<synchronous>, transform_indices = @transform_3, window_bounds = array<i64: 4, 32>}, {pipeline_mode = #tpu.pipeline_mode<synchronous>, transform_indices = @transform_4, window_bounds = array<i64: 8, 32>}, {pipeline_mode = #tpu.pipeline_mode<synchronous>, transform_indices = @transform_5, window_bounds = array<i64: 32, 32>}, {pipeline_mode = #tpu.pipeline_mode<synchronous>, transform_indices = @transform_6, window_bounds = array<i64: 2, 32>}, {pipeline_mode = #tpu.pipeline_mode<synchronous>, transform_indices = @transform_7, window_bounds = array<i64: 8, 32>}, {pipeline_mode = #tpu.pipeline_mode<synchronous>, transform_indices = @transform_8, window_bounds = array<i64: 32, 64>}, {pipeline_mode = #tpu.pipeline_mode<synchronous>, transform_indices = @transform_9, window_bounds = array<i64: 2, 32>}, {pipeline_mode = #tpu.pipeline_mode<synchronous>, transform_indices = @transform_10, window_bounds = array<i64: 8, 64>}, {pipeline_mode = #tpu.pipeline_mode<synchronous>, transform_indices = @transform_11, window_bounds = array<i64: 2, 64>}, {pipeline_mode = #tpu.pipeline_mode<synchronous>, transform_indices = @transform_12, window_bounds = array<i64: 16, 64>}, {pipeline_mode = #tpu.pipeline_mode<synchronous>, transform_indices = @transform_13, window_bounds = array<i64: 4, 64>}, {pipeline_mode = #tpu.pipeline_mode<synchronous>, transform_indices = @transform_14, window_bounds = array<i64: 8, 64>}, {pipeline_mode = #tpu.pipeline_mode<synchronous>, transform_indices = @transform_15, window_bounds = array<i64: 64, 64>}, {pipeline_mode = #tpu.pipeline_mode<synchronous>, transform_indices = @transform_16, window_bounds = array<i64: 2, 64>}, {pipeline_mode = #tpu.pipeline_mode<synchronous>, transform_indices = @transform_17, window_bounds = array<i64: 8, 64>}, {pipeline_mode = #tpu.pipeline_mode<synchronous>, transform_indices = @transform_18, window_bounds = array<i64: 64, 128>}, {pipeline_mode = #tpu.pipeline_mode<synchronous>, transform_indices = @transform_19, window_bounds = array<i64: 2, 64>}, {pipeline_mode = #tpu.pipeline_mode<synchronous>, transform_indices = @transform_20, window_bounds = array<i64: 8, 128>}, {pipeline_mode = #tpu.pipeline_mode<synchronous>, transform_indices = @transform_21, window_bounds = array<i64: 2, 128>}, {pipeline_mode = #tpu.pipeline_mode<synchronous>, transform_indices = @transform_22, window_bounds = array<i64: 16, 64>}, {pipeline_mode = #tpu.pipeline_mode<synchronous>, transform_indices = @transform_23, window_bounds = array<i64: 4, 64>}, {pipeline_mode = #tpu.pipeline_mode<synchronous>, transform_indices = @transform_24, window_bounds = array<i64: 8, 64>}, {pipeline_mode = #tpu.pipeline_mode<synchronous>, transform_indices = @transform_25, window_bounds = array<i64: 64, 96>}, {pipeline_mode = #tpu.pipeline_mode<synchronous>, transform_indices = @transform_26, window_bounds = array<i64: 2, 64>}, {pipeline_mode = #tpu.pipeline_mode<synchronous>, transform_indices = @transform_27, window_bounds = array<i64: 8, 96>}, {pipeline_mode = #tpu.pipeline_mode<synchronous>, transform_indices = @transform_28, window_bounds = array<i64: 96, 128>}, {pipeline_mode = #tpu.pipeline_mode<synchronous>, transform_indices = @transform_29, window_bounds = array<i64: 2, 96>}, {pipeline_mode = #tpu.pipeline_mode<synchronous>, transform_indices = @transform_30, window_bounds = array<i64: 8, 128>}, {pipeline_mode = #tpu.pipeline_mode<synchronous>, transform_indices = @transform_31, window_bounds = array<i64: 2, 128>}, {transform_indices = @transform_32, window_bounds = array<i64: 32, 64>}, {transform_indices = @transform_33, window_bounds = array<i64: 32, 128>}, {transform_indices = @transform_34, window_bounds = array<i64: 32, 128>}]} {
    %get3A = arith.constant 0 : index
    %get3A_0 = arith.constant 0 : index
    %get3A_1 = vector.load %arg1[%get3A, %get3A_0] : memref<2048x16xf32, #tpu.memory_space<vmem>>, vector<2048x16xf32>
    %get3A_2 = arith.constant 0 : index
    %get3A_3 = arith.constant 0 : index
    %get3A_4 = vector.load %arg2[%get3A_2, %get3A_3] : memref<32x4xf32, #tpu.memory_space<vmem>>, vector<32x4xf32>
    %iota3A = tpu.iota {dimensions = array<i32: 0>} : vector<2048x1xi32>
    %jit3A = arith.constant 64 : i32
    %eq3A = arith.constant 0 : i32
    %eq3A_5 = arith.cmpi eq, %jit3A, %eq3A : i32
    %jit3A_6 = arith.constant 1 : i32
    %select_n3A = arith.select %eq3A_5, %jit3A_6, %jit3A : i32
    %rem3A = vector.broadcast %select_n3A : i32 to vector<2048x1xi32>
    %rem3A_7 = arith.remsi %iota3A, %rem3A : vector<2048x1xi32>
    %ne3A = arith.constant 0 : i32
    %ne3A_8 = vector.broadcast %ne3A : i32 to vector<2048x1xi32>
    %ne3A_9 = arith.cmpi ne, %rem3A_7, %ne3A_8 : vector<2048x1xi32>
    %lt3A = arith.constant 0 : i32
    %lt3A_10 = vector.broadcast %lt3A : i32 to vector<2048x1xi32>
    %lt3A_11 = arith.cmpi slt, %rem3A_7, %lt3A_10 : vector<2048x1xi32>
    %lt3A_12 = arith.constant 0 : i32
    %lt3A_13 = arith.cmpi slt, %select_n3A, %lt3A_12 : i32
    %ne3A_14 = vector.broadcast %lt3A_13 : i1 to vector<2048x1xi1>
    %ne3A_15 = vector.broadcast %ne3A_14 : vector<2048x1xi1> to vector<2048x1xi1>
    %ne3A_16 = arith.xori %lt3A_11, %ne3A_15 : vector<2048x1xi1>
    %and3A = arith.andi %ne3A_16, %ne3A_9 : vector<2048x1xi1>
    %add3A = vector.broadcast %select_n3A : i32 to vector<2048x1xi32>
    %add3A_17 = arith.addi %rem3A_7, %add3A : vector<2048x1xi32>
    %select_n3A_18 = arith.select %and3A, %add3A_17, %rem3A_7 : vector<2048x1xi1>, vector<2048x1xi32>
    %lt3A_19 = arith.constant 16 : i32
    %lt3A_20 = vector.broadcast %lt3A_19 : i32 to vector<2048x1xi32>
    %lt3A_21 = arith.cmpi slt, %select_n3A_18, %lt3A_20 : vector<2048x1xi32>
    %get3A_22 = arith.constant 0 : index
    %get3A_23 = arith.constant 0 : index
    %get3A_24 = vector.load %arg3[%get3A_22, %get3A_23] : memref<16x32xf32, #tpu.memory_space<vmem>>, vector<16x32xf32>
    %dot_general3A = arith.constant dense<0.000000e+00> : vector<2048x32xf32>
    %dot_general3A_25 = tpu.matmul %get3A_1, %get3A_24, %dot_general3A {dimension_numbers = #tpu.dot_dimension_numbers<[1], [0], [0], [1], [0, 0, 1, 1], [], []>, transpose_lhs_hint = false} : vector<2048x16xf32>, vector<16x32xf32>, vector<2048x32xf32> -> vector<2048x32xf32>
    %get3A_26 = arith.constant 0 : index
    %get3A_27 = arith.constant 0 : index
    %get3A_28 = vector.load %arg4[%get3A_26, %get3A_27] : memref<4x32xf32, #tpu.memory_space<vmem>>, vector<4x32xf32>
    %dot_general3A_29 = arith.constant dense<0.000000e+00> : vector<32x32xf32>
    %dot_general3A_30 = tpu.matmul %get3A_4, %get3A_28, %dot_general3A_29 {dimension_numbers = #tpu.dot_dimension_numbers<[1], [0], [0], [1], [0, 0, 1, 1], [], []>, transpose_lhs_hint = false} : vector<32x4xf32>, vector<4x32xf32>, vector<32x32xf32> -> vector<32x32xf32>
    %reshape3A = vector.shape_cast %dot_general3A_25 : vector<2048x32xf32> to vector<32x64x32xf32>
    %broadcast_in_dim3A = vector.shape_cast %dot_general3A_30 : vector<32x32xf32> to vector<32x1x32xf32>
    %sub3A = vector.broadcast %broadcast_in_dim3A : vector<32x1x32xf32> to vector<32x64x32xf32>
    %sub3A_31 = arith.subf %reshape3A, %sub3A : vector<32x64x32xf32>
    %reshape3A_32 = vector.shape_cast %sub3A_31 : vector<32x64x32xf32> to vector<2048x32xf32>
    %get3A_33 = arith.constant 0 : index
    %get3A_34 = arith.constant 0 : index
    %get3A_35 = vector.load %arg5[%get3A_33, %get3A_34] : memref<8x32xf32, #tpu.memory_space<vmem>>, vector<8x32xf32>
    %get3A_36 = arith.constant 0 : index
    %get3A_37 = arith.constant 0 : index
    %get3A_38 = vector.load %arg7[%get3A_36, %get3A_37] : memref<2x32xf32, #tpu.memory_space<vmem>>, vector<2x32xf32>
    %slice3A = vector.extract_strided_slice %get3A_35 {offsets = [0, 0], sizes = [1, 32], strides = [1, 1]} : vector<8x32xf32> to vector<1x32xf32>
    %mul3A = arith.constant 1.52587891E-5 : f32
    %mul3A_39 = vector.broadcast %mul3A : f32 to vector<1x32xf32>
    %mul3A_40 = arith.mulf %slice3A, %mul3A_39 : vector<1x32xf32>
    %slice3A_41 = vector.extract_strided_slice %get3A_35 {offsets = [1, 0], sizes = [1, 32], strides = [1, 1]} : vector<8x32xf32> to vector<1x32xf32>
    %mul3A_42 = arith.constant 1.52587891E-5 : f32
    %mul3A_43 = vector.broadcast %mul3A_42 : f32 to vector<1x32xf32>
    %mul3A_44 = arith.mulf %slice3A_41, %mul3A_43 : vector<1x32xf32>
    %mul3A_45 = arith.mulf %mul3A_40, %mul3A_40 : vector<1x32xf32>
    %sub3A_46 = arith.subf %mul3A_44, %mul3A_45 : vector<1x32xf32>
    %add3A_47 = arith.constant 9.99999974E-6 : f32
    %add3A_48 = vector.broadcast %add3A_47 : f32 to vector<1x32xf32>
    %add3A_49 = arith.addf %sub3A_46, %add3A_48 : vector<1x32xf32>
    %rsqrt3A = math.rsqrt %add3A_49 : vector<1x32xf32>
    %slice3A_50 = vector.extract_strided_slice %get3A_38 {offsets = [0, 0], sizes = [1, 32], strides = [1, 1]} : vector<2x32xf32> to vector<1x32xf32>
    %mul3A_51 = arith.mulf %rsqrt3A, %slice3A_50 : vector<1x32xf32>
    %sub3A_52 = vector.broadcast %mul3A_40 : vector<1x32xf32> to vector<2048x32xf32>
    %sub3A_53 = arith.subf %reshape3A_32, %sub3A_52 : vector<2048x32xf32>
    %mul3A_54 = vector.broadcast %mul3A_51 : vector<1x32xf32> to vector<2048x32xf32>
    %mul3A_55 = arith.mulf %sub3A_53, %mul3A_54 : vector<2048x32xf32>
    %slice3A_56 = vector.extract_strided_slice %get3A_38 {offsets = [1, 0], sizes = [1, 32], strides = [1, 1]} : vector<2x32xf32> to vector<1x32xf32>
    %add3A_57 = vector.broadcast %slice3A_56 : vector<1x32xf32> to vector<2048x32xf32>
    %add3A_58 = arith.addf %mul3A_55, %add3A_57 : vector<2048x32xf32>
    %max3A = arith.constant 0.000000e+00 : f32
    %max3A_59 = vector.broadcast %max3A : f32 to vector<2048x32xf32>
    %max3A_60 = arith.maximumf %add3A_58, %max3A_59 : vector<2048x32xf32>
    %get3A_61 = arith.constant 0 : index
    %get3A_62 = arith.constant 0 : index
    %get3A_63 = vector.load %arg6[%get3A_61, %get3A_62] : memref<32x32xf32, #tpu.memory_space<vmem>>, vector<32x32xf32>
    %dot_general3A_64 = arith.constant dense<0.000000e+00> : vector<2048x32xf32>
    %dot_general3A_65 = tpu.matmul %max3A_60, %get3A_63, %dot_general3A_64 {dimension_numbers = #tpu.dot_dimension_numbers<[1], [0], [0], [1], [0, 0, 1, 1], [], []>, transpose_lhs_hint = false} : vector<2048x32xf32>, vector<32x32xf32>, vector<2048x32xf32> -> vector<2048x32xf32>
    %get3A_66 = arith.constant 0 : index
    %get3A_67 = arith.constant 0 : index
    %get3A_68 = vector.load %arg8[%get3A_66, %get3A_67] : memref<8x32xf32, #tpu.memory_space<vmem>>, vector<8x32xf32>
    %get3A_69 = arith.constant 0 : index
    %get3A_70 = arith.constant 0 : index
    %get3A_71 = vector.load %arg10[%get3A_69, %get3A_70] : memref<2x32xf32, #tpu.memory_space<vmem>>, vector<2x32xf32>
    %slice3A_72 = vector.extract_strided_slice %get3A_68 {offsets = [0, 0], sizes = [1, 32], strides = [1, 1]} : vector<8x32xf32> to vector<1x32xf32>
    %mul3A_73 = arith.constant 1.52587891E-5 : f32
    %mul3A_74 = vector.broadcast %mul3A_73 : f32 to vector<1x32xf32>
    %mul3A_75 = arith.mulf %slice3A_72, %mul3A_74 : vector<1x32xf32>
    %slice3A_76 = vector.extract_strided_slice %get3A_68 {offsets = [1, 0], sizes = [1, 32], strides = [1, 1]} : vector<8x32xf32> to vector<1x32xf32>
    %mul3A_77 = arith.constant 1.52587891E-5 : f32
    %mul3A_78 = vector.broadcast %mul3A_77 : f32 to vector<1x32xf32>
    %mul3A_79 = arith.mulf %slice3A_76, %mul3A_78 : vector<1x32xf32>
    %mul3A_80 = arith.mulf %mul3A_75, %mul3A_75 : vector<1x32xf32>
    %sub3A_81 = arith.subf %mul3A_79, %mul3A_80 : vector<1x32xf32>
    %add3A_82 = arith.constant 9.99999974E-6 : f32
    %add3A_83 = vector.broadcast %add3A_82 : f32 to vector<1x32xf32>
    %add3A_84 = arith.addf %sub3A_81, %add3A_83 : vector<1x32xf32>
    %rsqrt3A_85 = math.rsqrt %add3A_84 : vector<1x32xf32>
    %slice3A_86 = vector.extract_strided_slice %get3A_71 {offsets = [0, 0], sizes = [1, 32], strides = [1, 1]} : vector<2x32xf32> to vector<1x32xf32>
    %mul3A_87 = arith.mulf %rsqrt3A_85, %slice3A_86 : vector<1x32xf32>
    %sub3A_88 = vector.broadcast %mul3A_75 : vector<1x32xf32> to vector<2048x32xf32>
    %sub3A_89 = arith.subf %dot_general3A_65, %sub3A_88 : vector<2048x32xf32>
    %mul3A_90 = vector.broadcast %mul3A_87 : vector<1x32xf32> to vector<2048x32xf32>
    %mul3A_91 = arith.mulf %sub3A_89, %mul3A_90 : vector<2048x32xf32>
    %slice3A_92 = vector.extract_strided_slice %get3A_71 {offsets = [1, 0], sizes = [1, 32], strides = [1, 1]} : vector<2x32xf32> to vector<1x32xf32>
    %add3A_93 = vector.broadcast %slice3A_92 : vector<1x32xf32> to vector<2048x32xf32>
    %add3A_94 = arith.addf %mul3A_91, %add3A_93 : vector<2048x32xf32>
    %max3A_95 = arith.constant 0.000000e+00 : f32
    %max3A_96 = vector.broadcast %max3A_95 : f32 to vector<2048x32xf32>
    %max3A_97 = arith.maximumf %add3A_94, %max3A_96 : vector<2048x32xf32>
    %get3A_98 = arith.constant 0 : index
    %get3A_99 = arith.constant 0 : index
    %get3A_100 = vector.load %arg9[%get3A_98, %get3A_99] : memref<32x64xf32, #tpu.memory_space<vmem>>, vector<32x64xf32>
    %dot_general3A_101 = arith.constant dense<0.000000e+00> : vector<2048x64xf32>
    %dot_general3A_102 = tpu.matmul %max3A_97, %get3A_100, %dot_general3A_101 {dimension_numbers = #tpu.dot_dimension_numbers<[1], [0], [0], [1], [0, 0, 1, 1], [], []>, transpose_lhs_hint = false} : vector<2048x32xf32>, vector<32x64xf32>, vector<2048x64xf32> -> vector<2048x64xf32>
    %get3A_103 = arith.constant 0 : index
    %get3A_104 = arith.constant 0 : index
    %get3A_105 = vector.load %arg11[%get3A_103, %get3A_104] : memref<8x64xf32, #tpu.memory_space<vmem>>, vector<8x64xf32>
    %get3A_106 = arith.constant 0 : index
    %get3A_107 = arith.constant 0 : index
    %get3A_108 = vector.load %arg12[%get3A_106, %get3A_107] : memref<2x64xf32, #tpu.memory_space<vmem>>, vector<2x64xf32>
    %slice3A_109 = vector.extract_strided_slice %get3A_105 {offsets = [0, 0], sizes = [1, 64], strides = [1, 1]} : vector<8x64xf32> to vector<1x64xf32>
    %mul3A_110 = arith.constant 1.52587891E-5 : f32
    %mul3A_111 = vector.broadcast %mul3A_110 : f32 to vector<1x64xf32>
    %mul3A_112 = arith.mulf %slice3A_109, %mul3A_111 : vector<1x64xf32>
    %slice3A_113 = vector.extract_strided_slice %get3A_105 {offsets = [1, 0], sizes = [1, 64], strides = [1, 1]} : vector<8x64xf32> to vector<1x64xf32>
    %mul3A_114 = arith.constant 1.52587891E-5 : f32
    %mul3A_115 = vector.broadcast %mul3A_114 : f32 to vector<1x64xf32>
    %mul3A_116 = arith.mulf %slice3A_113, %mul3A_115 : vector<1x64xf32>
    %mul3A_117 = arith.mulf %mul3A_112, %mul3A_112 : vector<1x64xf32>
    %sub3A_118 = arith.subf %mul3A_116, %mul3A_117 : vector<1x64xf32>
    %add3A_119 = arith.constant 9.99999974E-6 : f32
    %add3A_120 = vector.broadcast %add3A_119 : f32 to vector<1x64xf32>
    %add3A_121 = arith.addf %sub3A_118, %add3A_120 : vector<1x64xf32>
    %rsqrt3A_122 = math.rsqrt %add3A_121 : vector<1x64xf32>
    %slice3A_123 = vector.extract_strided_slice %get3A_108 {offsets = [0, 0], sizes = [1, 64], strides = [1, 1]} : vector<2x64xf32> to vector<1x64xf32>
    %mul3A_124 = arith.mulf %rsqrt3A_122, %slice3A_123 : vector<1x64xf32>
    %sub3A_125 = vector.broadcast %mul3A_112 : vector<1x64xf32> to vector<2048x64xf32>
    %sub3A_126 = arith.subf %dot_general3A_102, %sub3A_125 : vector<2048x64xf32>
    %mul3A_127 = vector.broadcast %mul3A_124 : vector<1x64xf32> to vector<2048x64xf32>
    %mul3A_128 = arith.mulf %sub3A_126, %mul3A_127 : vector<2048x64xf32>
    %slice3A_129 = vector.extract_strided_slice %get3A_108 {offsets = [1, 0], sizes = [1, 64], strides = [1, 1]} : vector<2x64xf32> to vector<1x64xf32>
    %add3A_130 = vector.broadcast %slice3A_129 : vector<1x64xf32> to vector<2048x64xf32>
    %add3A_131 = arith.addf %mul3A_128, %add3A_130 : vector<2048x64xf32>
    %max3A_132 = arith.constant 0.000000e+00 : f32
    %max3A_133 = vector.broadcast %max3A_132 : f32 to vector<2048x64xf32>
    %max3A_134 = arith.maximumf %add3A_131, %max3A_133 : vector<2048x64xf32>
    %jit3A_135 = arith.constant -1.000000e+30 : f32
    %broadcast_in_dim3A_136 = vector.shape_cast %lt3A_21 : vector<2048x1xi1> to vector<2048x1xi1>
    %broadcast_in_dim3A_137 = vector.broadcast %broadcast_in_dim3A_136 : vector<2048x1xi1> to vector<2048x64xi1>
    %broadcast_in_dim3A_138 = vector.broadcast %jit3A_135 : f32 to vector<2048x64xf32>
    %select_n3A_139 = arith.select %broadcast_in_dim3A_137, %max3A_134, %broadcast_in_dim3A_138 : vector<2048x64xi1>, vector<2048x64xf32>
    %reshape3A_140 = vector.shape_cast %select_n3A_139 : vector<2048x64xf32> to vector<32x64x64xf32>
    %reduce_max3A = arith.constant dense<0xFF800000> : vector<32x64xf32>
    %reduce_max3A_141 = vector.multi_reduction <maximumf>, %reshape3A_140, %reduce_max3A [1] : vector<32x64x64xf32> to vector<32x64xf32>
    %swap3A = arith.constant 0 : index
    %swap3A_142 = arith.constant 0 : index
    %swap3A_143 = vector.load %arg33[%swap3A, %swap3A_142] : memref<32x64xf32, #tpu.memory_space<vmem>>, vector<32x64xf32>
    tpu.vector_store %arg33[%swap3A, %swap3A_142], %reduce_max3A_141 {strides = array<i32>} : memref<32x64xf32, #tpu.memory_space<vmem>>, vector<32x64xf32>,
    %lt3A_144 = arith.constant 32 : i32
    %lt3A_145 = vector.broadcast %lt3A_144 : i32 to vector<2048x1xi32>
    %lt3A_146 = arith.cmpi slt, %select_n3A_18, %lt3A_145 : vector<2048x1xi32>
    %get3A_147 = arith.constant 0 : index
    %get3A_148 = arith.constant 0 : index
    %get3A_149 = vector.load %arg13[%get3A_147, %get3A_148] : memref<16x64xf32, #tpu.memory_space<vmem>>, vector<16x64xf32>
    %dot_general3A_150 = arith.constant dense<0.000000e+00> : vector<2048x64xf32>
    %dot_general3A_151 = tpu.matmul %get3A_1, %get3A_149, %dot_general3A_150 {dimension_numbers = #tpu.dot_dimension_numbers<[1], [0], [0], [1], [0, 0, 1, 1], [], []>, transpose_lhs_hint = false} : vector<2048x16xf32>, vector<16x64xf32>, vector<2048x64xf32> -> vector<2048x64xf32>
    %get3A_152 = arith.constant 0 : index
    %get3A_153 = arith.constant 0 : index
    %get3A_154 = vector.load %arg14[%get3A_152, %get3A_153] : memref<4x64xf32, #tpu.memory_space<vmem>>, vector<4x64xf32>
    %dot_general3A_155 = arith.constant dense<0.000000e+00> : vector<32x64xf32>
    %dot_general3A_156 = tpu.matmul %get3A_4, %get3A_154, %dot_general3A_155 {dimension_numbers = #tpu.dot_dimension_numbers<[1], [0], [0], [1], [0, 0, 1, 1], [], []>, transpose_lhs_hint = false} : vector<32x4xf32>, vector<4x64xf32>, vector<32x64xf32> -> vector<32x64xf32>
    %reshape3A_157 = vector.shape_cast %dot_general3A_151 : vector<2048x64xf32> to vector<32x64x64xf32>
    %broadcast_in_dim3A_158 = vector.shape_cast %dot_general3A_156 : vector<32x64xf32> to vector<32x1x64xf32>
    %sub3A_159 = vector.broadcast %broadcast_in_dim3A_158 : vector<32x1x64xf32> to vector<32x64x64xf32>
    %sub3A_160 = arith.subf %reshape3A_157, %sub3A_159 : vector<32x64x64xf32>
    %reshape3A_161 = vector.shape_cast %sub3A_160 : vector<32x64x64xf32> to vector<2048x64xf32>
    %get3A_162 = arith.constant 0 : index
    %get3A_163 = arith.constant 0 : index
    %get3A_164 = vector.load %arg15[%get3A_162, %get3A_163] : memref<8x64xf32, #tpu.memory_space<vmem>>, vector<8x64xf32>
    %get3A_165 = arith.constant 0 : index
    %get3A_166 = arith.constant 0 : index
    %get3A_167 = vector.load %arg17[%get3A_165, %get3A_166] : memref<2x64xf32, #tpu.memory_space<vmem>>, vector<2x64xf32>
    %slice3A_168 = vector.extract_strided_slice %get3A_164 {offsets = [0, 0], sizes = [1, 64], strides = [1, 1]} : vector<8x64xf32> to vector<1x64xf32>
    %mul3A_169 = arith.constant 7.62939453E-6 : f32
    %mul3A_170 = vector.broadcast %mul3A_169 : f32 to vector<1x64xf32>
    %mul3A_171 = arith.mulf %slice3A_168, %mul3A_170 : vector<1x64xf32>
    %slice3A_172 = vector.extract_strided_slice %get3A_164 {offsets = [1, 0], sizes = [1, 64], strides = [1, 1]} : vector<8x64xf32> to vector<1x64xf32>
    %mul3A_173 = arith.constant 7.62939453E-6 : f32
    %mul3A_174 = vector.broadcast %mul3A_173 : f32 to vector<1x64xf32>
    %mul3A_175 = arith.mulf %slice3A_172, %mul3A_174 : vector<1x64xf32>
    %mul3A_176 = arith.mulf %mul3A_171, %mul3A_171 : vector<1x64xf32>
    %sub3A_177 = arith.subf %mul3A_175, %mul3A_176 : vector<1x64xf32>
    %add3A_178 = arith.constant 9.99999974E-6 : f32
    %add3A_179 = vector.broadcast %add3A_178 : f32 to vector<1x64xf32>
    %add3A_180 = arith.addf %sub3A_177, %add3A_179 : vector<1x64xf32>
    %rsqrt3A_181 = math.rsqrt %add3A_180 : vector<1x64xf32>
    %slice3A_182 = vector.extract_strided_slice %get3A_167 {offsets = [0, 0], sizes = [1, 64], strides = [1, 1]} : vector<2x64xf32> to vector<1x64xf32>
    %mul3A_183 = arith.mulf %rsqrt3A_181, %slice3A_182 : vector<1x64xf32>
    %sub3A_184 = vector.broadcast %mul3A_171 : vector<1x64xf32> to vector<2048x64xf32>
    %sub3A_185 = arith.subf %reshape3A_161, %sub3A_184 : vector<2048x64xf32>
    %mul3A_186 = vector.broadcast %mul3A_183 : vector<1x64xf32> to vector<2048x64xf32>
    %mul3A_187 = arith.mulf %sub3A_185, %mul3A_186 : vector<2048x64xf32>
    %slice3A_188 = vector.extract_strided_slice %get3A_167 {offsets = [1, 0], sizes = [1, 64], strides = [1, 1]} : vector<2x64xf32> to vector<1x64xf32>
    %add3A_189 = vector.broadcast %slice3A_188 : vector<1x64xf32> to vector<2048x64xf32>
    %add3A_190 = arith.addf %mul3A_187, %add3A_189 : vector<2048x64xf32>
    %max3A_191 = arith.constant 0.000000e+00 : f32
    %max3A_192 = vector.broadcast %max3A_191 : f32 to vector<2048x64xf32>
    %max3A_193 = arith.maximumf %add3A_190, %max3A_192 : vector<2048x64xf32>
    %get3A_194 = arith.constant 0 : index
    %get3A_195 = arith.constant 0 : index
    %get3A_196 = vector.load %arg16[%get3A_194, %get3A_195] : memref<64x64xf32, #tpu.memory_space<vmem>>, vector<64x64xf32>
    %dot_general3A_197 = arith.constant dense<0.000000e+00> : vector<2048x64xf32>
    %dot_general3A_198 = tpu.matmul %max3A_193, %get3A_196, %dot_general3A_197 {dimension_numbers = #tpu.dot_dimension_numbers<[1], [0], [0], [1], [0, 0, 1, 1], [], []>, transpose_lhs_hint = false} : vector<2048x64xf32>, vector<64x64xf32>, vector<2048x64xf32> -> vector<2048x64xf32>
    %get3A_199 = arith.constant 0 : index
    %get3A_200 = arith.constant 0 : index
    %get3A_201 = vector.load %arg18[%get3A_199, %get3A_200] : memref<8x64xf32, #tpu.memory_space<vmem>>, vector<8x64xf32>
    %get3A_202 = arith.constant 0 : index
    %get3A_203 = arith.constant 0 : index
    %get3A_204 = vector.load %arg20[%get3A_202, %get3A_203] : memref<2x64xf32, #tpu.memory_space<vmem>>, vector<2x64xf32>
    %slice3A_205 = vector.extract_strided_slice %get3A_201 {offsets = [0, 0], sizes = [1, 64], strides = [1, 1]} : vector<8x64xf32> to vector<1x64xf32>
    %mul3A_206 = arith.constant 7.62939453E-6 : f32
    %mul3A_207 = vector.broadcast %mul3A_206 : f32 to vector<1x64xf32>
    %mul3A_208 = arith.mulf %slice3A_205, %mul3A_207 : vector<1x64xf32>
    %slice3A_209 = vector.extract_strided_slice %get3A_201 {offsets = [1, 0], sizes = [1, 64], strides = [1, 1]} : vector<8x64xf32> to vector<1x64xf32>
    %mul3A_210 = arith.constant 7.62939453E-6 : f32
    %mul3A_211 = vector.broadcast %mul3A_210 : f32 to vector<1x64xf32>
    %mul3A_212 = arith.mulf %slice3A_209, %mul3A_211 : vector<1x64xf32>
    %mul3A_213 = arith.mulf %mul3A_208, %mul3A_208 : vector<1x64xf32>
    %sub3A_214 = arith.subf %mul3A_212, %mul3A_213 : vector<1x64xf32>
    %add3A_215 = arith.constant 9.99999974E-6 : f32
    %add3A_216 = vector.broadcast %add3A_215 : f32 to vector<1x64xf32>
    %add3A_217 = arith.addf %sub3A_214, %add3A_216 : vector<1x64xf32>
    %rsqrt3A_218 = math.rsqrt %add3A_217 : vector<1x64xf32>
    %slice3A_219 = vector.extract_strided_slice %get3A_204 {offsets = [0, 0], sizes = [1, 64], strides = [1, 1]} : vector<2x64xf32> to vector<1x64xf32>
    %mul3A_220 = arith.mulf %rsqrt3A_218, %slice3A_219 : vector<1x64xf32>
    %sub3A_221 = vector.broadcast %mul3A_208 : vector<1x64xf32> to vector<2048x64xf32>
    %sub3A_222 = arith.subf %dot_general3A_198, %sub3A_221 : vector<2048x64xf32>
    %mul3A_223 = vector.broadcast %mul3A_220 : vector<1x64xf32> to vector<2048x64xf32>
    %mul3A_224 = arith.mulf %sub3A_222, %mul3A_223 : vector<2048x64xf32>
    %slice3A_225 = vector.extract_strided_slice %get3A_204 {offsets = [1, 0], sizes = [1, 64], strides = [1, 1]} : vector<2x64xf32> to vector<1x64xf32>
    %add3A_226 = vector.broadcast %slice3A_225 : vector<1x64xf32> to vector<2048x64xf32>
    %add3A_227 = arith.addf %mul3A_224, %add3A_226 : vector<2048x64xf32>
    %max3A_228 = arith.constant 0.000000e+00 : f32
    %max3A_229 = vector.broadcast %max3A_228 : f32 to vector<2048x64xf32>
    %max3A_230 = arith.maximumf %add3A_227, %max3A_229 : vector<2048x64xf32>
    %get3A_231 = arith.constant 0 : index
    %get3A_232 = arith.constant 0 : index
    %get3A_233 = vector.load %arg19[%get3A_231, %get3A_232] : memref<64x128xf32, #tpu.memory_space<vmem>>, vector<64x128xf32>
    %dot_general3A_234 = arith.constant dense<0.000000e+00> : vector<2048x128xf32>
    %dot_general3A_235 = tpu.matmul %max3A_230, %get3A_233, %dot_general3A_234 {dimension_numbers = #tpu.dot_dimension_numbers<[1], [0], [0], [1], [0, 0, 1, 1], [], []>, transpose_lhs_hint = false} : vector<2048x64xf32>, vector<64x128xf32>, vector<2048x128xf32> -> vector<2048x128xf32>
    %get3A_236 = arith.constant 0 : index
    %get3A_237 = arith.constant 0 : index
    %get3A_238 = vector.load %arg21[%get3A_236, %get3A_237] : memref<8x128xf32, #tpu.memory_space<vmem>>, vector<8x128xf32>
    %get3A_239 = arith.constant 0 : index
    %get3A_240 = arith.constant 0 : index
    %get3A_241 = vector.load %arg22[%get3A_239, %get3A_240] : memref<2x128xf32, #tpu.memory_space<vmem>>, vector<2x128xf32>
    %slice3A_242 = vector.extract_strided_slice %get3A_238 {offsets = [0, 0], sizes = [1, 128], strides = [1, 1]} : vector<8x128xf32> to vector<1x128xf32>
    %mul3A_243 = arith.constant 7.62939453E-6 : f32
    %mul3A_244 = vector.broadcast %mul3A_243 : f32 to vector<1x128xf32>
    %mul3A_245 = arith.mulf %slice3A_242, %mul3A_244 : vector<1x128xf32>
    %slice3A_246 = vector.extract_strided_slice %get3A_238 {offsets = [1, 0], sizes = [1, 128], strides = [1, 1]} : vector<8x128xf32> to vector<1x128xf32>
    %mul3A_247 = arith.constant 7.62939453E-6 : f32
    %mul3A_248 = vector.broadcast %mul3A_247 : f32 to vector<1x128xf32>
    %mul3A_249 = arith.mulf %slice3A_246, %mul3A_248 : vector<1x128xf32>
    %mul3A_250 = arith.mulf %mul3A_245, %mul3A_245 : vector<1x128xf32>
    %sub3A_251 = arith.subf %mul3A_249, %mul3A_250 : vector<1x128xf32>
    %add3A_252 = arith.constant 9.99999974E-6 : f32
    %add3A_253 = vector.broadcast %add3A_252 : f32 to vector<1x128xf32>
    %add3A_254 = arith.addf %sub3A_251, %add3A_253 : vector<1x128xf32>
    %rsqrt3A_255 = math.rsqrt %add3A_254 : vector<1x128xf32>
    %slice3A_256 = vector.extract_strided_slice %get3A_241 {offsets = [0, 0], sizes = [1, 128], strides = [1, 1]} : vector<2x128xf32> to vector<1x128xf32>
    %mul3A_257 = arith.mulf %rsqrt3A_255, %slice3A_256 : vector<1x128xf32>
    %sub3A_258 = vector.broadcast %mul3A_245 : vector<1x128xf32> to vector<2048x128xf32>
    %sub3A_259 = arith.subf %dot_general3A_235, %sub3A_258 : vector<2048x128xf32>
    %mul3A_260 = vector.broadcast %mul3A_257 : vector<1x128xf32> to vector<2048x128xf32>
    %mul3A_261 = arith.mulf %sub3A_259, %mul3A_260 : vector<2048x128xf32>
    %slice3A_262 = vector.extract_strided_slice %get3A_241 {offsets = [1, 0], sizes = [1, 128], strides = [1, 1]} : vector<2x128xf32> to vector<1x128xf32>
    %add3A_263 = vector.broadcast %slice3A_262 : vector<1x128xf32> to vector<2048x128xf32>
    %add3A_264 = arith.addf %mul3A_261, %add3A_263 : vector<2048x128xf32>
    %max3A_265 = arith.constant 0.000000e+00 : f32
    %max3A_266 = vector.broadcast %max3A_265 : f32 to vector<2048x128xf32>
    %max3A_267 = arith.maximumf %add3A_264, %max3A_266 : vector<2048x128xf32>
    %jit3A_268 = arith.constant -1.000000e+30 : f32
    %broadcast_in_dim3A_269 = vector.shape_cast %lt3A_146 : vector<2048x1xi1> to vector<2048x1xi1>
    %broadcast_in_dim3A_270 = vector.broadcast %broadcast_in_dim3A_269 : vector<2048x1xi1> to vector<2048x128xi1>
    %broadcast_in_dim3A_271 = vector.broadcast %jit3A_268 : f32 to vector<2048x128xf32>
    %select_n3A_272 = arith.select %broadcast_in_dim3A_270, %max3A_267, %broadcast_in_dim3A_271 : vector<2048x128xi1>, vector<2048x128xf32>
    %reshape3A_273 = vector.shape_cast %select_n3A_272 : vector<2048x128xf32> to vector<32x64x128xf32>
    %reduce_max3A_274 = arith.constant dense<0xFF800000> : vector<32x128xf32>
    %reduce_max3A_275 = vector.multi_reduction <maximumf>, %reshape3A_273, %reduce_max3A_274 [1] : vector<32x64x128xf32> to vector<32x128xf32>
    %swap3A_276 = arith.constant 0 : index
    %swap3A_277 = arith.constant 0 : index
    %swap3A_278 = vector.load %arg34[%swap3A_276, %swap3A_277] : memref<32x128xf32, #tpu.memory_space<vmem>>, vector<32x128xf32>
    tpu.vector_store %arg34[%swap3A_276, %swap3A_277], %reduce_max3A_275 {strides = array<i32>} : memref<32x128xf32, #tpu.memory_space<vmem>>, vector<32x128xf32>,
    %lt3A_279 = arith.constant 64 : i32
    %lt3A_280 = vector.broadcast %lt3A_279 : i32 to vector<2048x1xi32>
    %lt3A_281 = arith.cmpi slt, %select_n3A_18, %lt3A_280 : vector<2048x1xi32>
    %get3A_282 = arith.constant 0 : index
    %get3A_283 = arith.constant 0 : index
    %get3A_284 = vector.load %arg23[%get3A_282, %get3A_283] : memref<16x64xf32, #tpu.memory_space<vmem>>, vector<16x64xf32>
    %dot_general3A_285 = arith.constant dense<0.000000e+00> : vector<2048x64xf32>
    %dot_general3A_286 = tpu.matmul %get3A_1, %get3A_284, %dot_general3A_285 {dimension_numbers = #tpu.dot_dimension_numbers<[1], [0], [0], [1], [0, 0, 1, 1], [], []>, transpose_lhs_hint = false} : vector<2048x16xf32>, vector<16x64xf32>, vector<2048x64xf32> -> vector<2048x64xf32>
    %get3A_287 = arith.constant 0 : index
    %get3A_288 = arith.constant 0 : index
    %get3A_289 = vector.load %arg24[%get3A_287, %get3A_288] : memref<4x64xf32, #tpu.memory_space<vmem>>, vector<4x64xf32>
    %dot_general3A_290 = arith.constant dense<0.000000e+00> : vector<32x64xf32>
    %dot_general3A_291 = tpu.matmul %get3A_4, %get3A_289, %dot_general3A_290 {dimension_numbers = #tpu.dot_dimension_numbers<[1], [0], [0], [1], [0, 0, 1, 1], [], []>, transpose_lhs_hint = false} : vector<32x4xf32>, vector<4x64xf32>, vector<32x64xf32> -> vector<32x64xf32>
    %reshape3A_292 = vector.shape_cast %dot_general3A_286 : vector<2048x64xf32> to vector<32x64x64xf32>
    %broadcast_in_dim3A_293 = vector.shape_cast %dot_general3A_291 : vector<32x64xf32> to vector<32x1x64xf32>
    %sub3A_294 = vector.broadcast %broadcast_in_dim3A_293 : vector<32x1x64xf32> to vector<32x64x64xf32>
    %sub3A_295 = arith.subf %reshape3A_292, %sub3A_294 : vector<32x64x64xf32>
    %reshape3A_296 = vector.shape_cast %sub3A_295 : vector<32x64x64xf32> to vector<2048x64xf32>
    %get3A_297 = arith.constant 0 : index
    %get3A_298 = arith.constant 0 : index
    %get3A_299 = vector.load %arg25[%get3A_297, %get3A_298] : memref<8x64xf32, #tpu.memory_space<vmem>>, vector<8x64xf32>
    %get3A_300 = arith.constant 0 : index
    %get3A_301 = arith.constant 0 : index
    %get3A_302 = vector.load %arg27[%get3A_300, %get3A_301] : memref<2x64xf32, #tpu.memory_space<vmem>>, vector<2x64xf32>
    %slice3A_303 = vector.extract_strided_slice %get3A_299 {offsets = [0, 0], sizes = [1, 64], strides = [1, 1]} : vector<8x64xf32> to vector<1x64xf32>
    %mul3A_304 = arith.constant 3.81469727E-6 : f32
    %mul3A_305 = vector.broadcast %mul3A_304 : f32 to vector<1x64xf32>
    %mul3A_306 = arith.mulf %slice3A_303, %mul3A_305 : vector<1x64xf32>
    %slice3A_307 = vector.extract_strided_slice %get3A_299 {offsets = [1, 0], sizes = [1, 64], strides = [1, 1]} : vector<8x64xf32> to vector<1x64xf32>
    %mul3A_308 = arith.constant 3.81469727E-6 : f32
    %mul3A_309 = vector.broadcast %mul3A_308 : f32 to vector<1x64xf32>
    %mul3A_310 = arith.mulf %slice3A_307, %mul3A_309 : vector<1x64xf32>
    %mul3A_311 = arith.mulf %mul3A_306, %mul3A_306 : vector<1x64xf32>
    %sub3A_312 = arith.subf %mul3A_310, %mul3A_311 : vector<1x64xf32>
    %add3A_313 = arith.constant 9.99999974E-6 : f32
    %add3A_314 = vector.broadcast %add3A_313 : f32 to vector<1x64xf32>
    %add3A_315 = arith.addf %sub3A_312, %add3A_314 : vector<1x64xf32>
    %rsqrt3A_316 = math.rsqrt %add3A_315 : vector<1x64xf32>
    %slice3A_317 = vector.extract_strided_slice %get3A_302 {offsets = [0, 0], sizes = [1, 64], strides = [1, 1]} : vector<2x64xf32> to vector<1x64xf32>
    %mul3A_318 = arith.mulf %rsqrt3A_316, %slice3A_317 : vector<1x64xf32>
    %sub3A_319 = vector.broadcast %mul3A_306 : vector<1x64xf32> to vector<2048x64xf32>
    %sub3A_320 = arith.subf %reshape3A_296, %sub3A_319 : vector<2048x64xf32>
    %mul3A_321 = vector.broadcast %mul3A_318 : vector<1x64xf32> to vector<2048x64xf32>
    %mul3A_322 = arith.mulf %sub3A_320, %mul3A_321 : vector<2048x64xf32>
    %slice3A_323 = vector.extract_strided_slice %get3A_302 {offsets = [1, 0], sizes = [1, 64], strides = [1, 1]} : vector<2x64xf32> to vector<1x64xf32>
    %add3A_324 = vector.broadcast %slice3A_323 : vector<1x64xf32> to vector<2048x64xf32>
    %add3A_325 = arith.addf %mul3A_322, %add3A_324 : vector<2048x64xf32>
    %max3A_326 = arith.constant 0.000000e+00 : f32
    %max3A_327 = vector.broadcast %max3A_326 : f32 to vector<2048x64xf32>
    %max3A_328 = arith.maximumf %add3A_325, %max3A_327 : vector<2048x64xf32>
    %get3A_329 = arith.constant 0 : index
    %get3A_330 = arith.constant 0 : index
    %get3A_331 = vector.load %arg26[%get3A_329, %get3A_330] : memref<64x96xf32, #tpu.memory_space<vmem>>, vector<64x96xf32>
    %dot_general3A_332 = arith.constant dense<0.000000e+00> : vector<2048x96xf32>
    %dot_general3A_333 = tpu.matmul %max3A_328, %get3A_331, %dot_general3A_332 {dimension_numbers = #tpu.dot_dimension_numbers<[1], [0], [0], [1], [0, 0, 1, 1], [], []>, transpose_lhs_hint = false} : vector<2048x64xf32>, vector<64x96xf32>, vector<2048x96xf32> -> vector<2048x96xf32>
    %get3A_334 = arith.constant 0 : index
    %get3A_335 = arith.constant 0 : index
    %get3A_336 = vector.load %arg28[%get3A_334, %get3A_335] : memref<8x96xf32, #tpu.memory_space<vmem>>, vector<8x96xf32>
    %get3A_337 = arith.constant 0 : index
    %get3A_338 = arith.constant 0 : index
    %get3A_339 = vector.load %arg30[%get3A_337, %get3A_338] : memref<2x96xf32, #tpu.memory_space<vmem>>, vector<2x96xf32>
    %slice3A_340 = vector.extract_strided_slice %get3A_336 {offsets = [0, 0], sizes = [1, 96], strides = [1, 1]} : vector<8x96xf32> to vector<1x96xf32>
    %mul3A_341 = arith.constant 3.81469727E-6 : f32
    %mul3A_342 = vector.broadcast %mul3A_341 : f32 to vector<1x96xf32>
    %mul3A_343 = arith.mulf %slice3A_340, %mul3A_342 : vector<1x96xf32>
    %slice3A_344 = vector.extract_strided_slice %get3A_336 {offsets = [1, 0], sizes = [1, 96], strides = [1, 1]} : vector<8x96xf32> to vector<1x96xf32>
    %mul3A_345 = arith.constant 3.81469727E-6 : f32
    %mul3A_346 = vector.broadcast %mul3A_345 : f32 to vector<1x96xf32>
    %mul3A_347 = arith.mulf %slice3A_344, %mul3A_346 : vector<1x96xf32>
    %mul3A_348 = arith.mulf %mul3A_343, %mul3A_343 : vector<1x96xf32>
    %sub3A_349 = arith.subf %mul3A_347, %mul3A_348 : vector<1x96xf32>
    %add3A_350 = arith.constant 9.99999974E-6 : f32
    %add3A_351 = vector.broadcast %add3A_350 : f32 to vector<1x96xf32>
    %add3A_352 = arith.addf %sub3A_349, %add3A_351 : vector<1x96xf32>
    %rsqrt3A_353 = math.rsqrt %add3A_352 : vector<1x96xf32>
    %slice3A_354 = vector.extract_strided_slice %get3A_339 {offsets = [0, 0], sizes = [1, 96], strides = [1, 1]} : vector<2x96xf32> to vector<1x96xf32>
    %mul3A_355 = arith.mulf %rsqrt3A_353, %slice3A_354 : vector<1x96xf32>
    %sub3A_356 = vector.broadcast %mul3A_343 : vector<1x96xf32> to vector<2048x96xf32>
    %sub3A_357 = arith.subf %dot_general3A_333, %sub3A_356 : vector<2048x96xf32>
    %mul3A_358 = vector.broadcast %mul3A_355 : vector<1x96xf32> to vector<2048x96xf32>
    %mul3A_359 = arith.mulf %sub3A_357, %mul3A_358 : vector<2048x96xf32>
    %slice3A_360 = vector.extract_strided_slice %get3A_339 {offsets = [1, 0], sizes = [1, 96], strides = [1, 1]} : vector<2x96xf32> to vector<1x96xf32>
    %add3A_361 = vector.broadcast %slice3A_360 : vector<1x96xf32> to vector<2048x96xf32>
    %add3A_362 = arith.addf %mul3A_359, %add3A_361 : vector<2048x96xf32>
    %max3A_363 = arith.constant 0.000000e+00 : f32
    %max3A_364 = vector.broadcast %max3A_363 : f32 to vector<2048x96xf32>
    %max3A_365 = arith.maximumf %add3A_362, %max3A_364 : vector<2048x96xf32>
    %get3A_366 = arith.constant 0 : index
    %get3A_367 = arith.constant 0 : index
    %get3A_368 = vector.load %arg29[%get3A_366, %get3A_367] : memref<96x128xf32, #tpu.memory_space<vmem>>, vector<96x128xf32>
    %dot_general3A_369 = arith.constant dense<0.000000e+00> : vector<2048x128xf32>
    %dot_general3A_370 = tpu.matmul %max3A_365, %get3A_368, %dot_general3A_369 {dimension_numbers = #tpu.dot_dimension_numbers<[1], [0], [0], [1], [0, 0, 1, 1], [], []>, transpose_lhs_hint = false} : vector<2048x96xf32>, vector<96x128xf32>, vector<2048x128xf32> -> vector<2048x128xf32>
    %get3A_371 = arith.constant 0 : index
    %get3A_372 = arith.constant 0 : index
    %get3A_373 = vector.load %arg31[%get3A_371, %get3A_372] : memref<8x128xf32, #tpu.memory_space<vmem>>, vector<8x128xf32>
    %get3A_374 = arith.constant 0 : index
    %get3A_375 = arith.constant 0 : index
    %get3A_376 = vector.load %arg32[%get3A_374, %get3A_375] : memref<2x128xf32, #tpu.memory_space<vmem>>, vector<2x128xf32>
    %slice3A_377 = vector.extract_strided_slice %get3A_373 {offsets = [0, 0], sizes = [1, 128], strides = [1, 1]} : vector<8x128xf32> to vector<1x128xf32>
    %mul3A_378 = arith.constant 3.81469727E-6 : f32
    %mul3A_379 = vector.broadcast %mul3A_378 : f32 to vector<1x128xf32>
    %mul3A_380 = arith.mulf %slice3A_377, %mul3A_379 : vector<1x128xf32>
    %slice3A_381 = vector.extract_strided_slice %get3A_373 {offsets = [1, 0], sizes = [1, 128], strides = [1, 1]} : vector<8x128xf32> to vector<1x128xf32>
    %mul3A_382 = arith.constant 3.81469727E-6 : f32
    %mul3A_383 = vector.broadcast %mul3A_382 : f32 to vector<1x128xf32>
    %mul3A_384 = arith.mulf %slice3A_381, %mul3A_383 : vector<1x128xf32>
    %mul3A_385 = arith.mulf %mul3A_380, %mul3A_380 : vector<1x128xf32>
    %sub3A_386 = arith.subf %mul3A_384, %mul3A_385 : vector<1x128xf32>
    %add3A_387 = arith.constant 9.99999974E-6 : f32
    %add3A_388 = vector.broadcast %add3A_387 : f32 to vector<1x128xf32>
    %add3A_389 = arith.addf %sub3A_386, %add3A_388 : vector<1x128xf32>
    %rsqrt3A_390 = math.rsqrt %add3A_389 : vector<1x128xf32>
    %slice3A_391 = vector.extract_strided_slice %get3A_376 {offsets = [0, 0], sizes = [1, 128], strides = [1, 1]} : vector<2x128xf32> to vector<1x128xf32>
    %mul3A_392 = arith.mulf %rsqrt3A_390, %slice3A_391 : vector<1x128xf32>
    %sub3A_393 = vector.broadcast %mul3A_380 : vector<1x128xf32> to vector<2048x128xf32>
    %sub3A_394 = arith.subf %dot_general3A_370, %sub3A_393 : vector<2048x128xf32>
    %mul3A_395 = vector.broadcast %mul3A_392 : vector<1x128xf32> to vector<2048x128xf32>
    %mul3A_396 = arith.mulf %sub3A_394, %mul3A_395 : vector<2048x128xf32>
    %slice3A_397 = vector.extract_strided_slice %get3A_376 {offsets = [1, 0], sizes = [1, 128], strides = [1, 1]} : vector<2x128xf32> to vector<1x128xf32>
    %add3A_398 = vector.broadcast %slice3A_397 : vector<1x128xf32> to vector<2048x128xf32>
    %add3A_399 = arith.addf %mul3A_396, %add3A_398 : vector<2048x128xf32>
    %max3A_400 = arith.constant 0.000000e+00 : f32
    %max3A_401 = vector.broadcast %max3A_400 : f32 to vector<2048x128xf32>
    %max3A_402 = arith.maximumf %add3A_399, %max3A_401 : vector<2048x128xf32>
    %jit3A_403 = arith.constant -1.000000e+30 : f32
    %broadcast_in_dim3A_404 = vector.shape_cast %lt3A_281 : vector<2048x1xi1> to vector<2048x1xi1>
    %broadcast_in_dim3A_405 = vector.broadcast %broadcast_in_dim3A_404 : vector<2048x1xi1> to vector<2048x128xi1>
    %broadcast_in_dim3A_406 = vector.broadcast %jit3A_403 : f32 to vector<2048x128xf32>
    %select_n3A_407 = arith.select %broadcast_in_dim3A_405, %max3A_402, %broadcast_in_dim3A_406 : vector<2048x128xi1>, vector<2048x128xf32>
    %reshape3A_408 = vector.shape_cast %select_n3A_407 : vector<2048x128xf32> to vector<32x64x128xf32>
    %reduce_max3A_409 = arith.constant dense<0xFF800000> : vector<32x128xf32>
    %reduce_max3A_410 = vector.multi_reduction <maximumf>, %reshape3A_408, %reduce_max3A_409 [1] : vector<32x64x128xf32> to vector<32x128xf32>
    %swap3A_411 = arith.constant 0 : index
    %swap3A_412 = arith.constant 0 : index
    %swap3A_413 = vector.load %arg35[%swap3A_411, %swap3A_412] : memref<32x128xf32, #tpu.memory_space<vmem>>, vector<32x128xf32>
    tpu.vector_store %arg35[%swap3A_411, %swap3A_412], %reduce_max3A_410 {strides = array<i32>} : memref<32x128xf32, #tpu.memory_space<vmem>>, vector<32x128xf32>,
    return
  }
  func.func @transform_0(%arg0: i32) -> (i32, i32) {
    %c0_i32 = arith.constant 0 : i32
    %c0_i32_0 = arith.constant 0 : i32
    return %arg0, %c0_i32 : i32, i32
  }
  func.func @transform_1(%arg0: i32) -> (i32, i32) {
    %c0_i32 = arith.constant 0 : i32
    %c0_i32_0 = arith.constant 0 : i32
    return %arg0, %c0_i32 : i32, i32
  }
  func.func @transform_2(%arg0: i32) -> (i32, i32) {
    %c0_i32 = arith.constant 0 : i32
    %c0_i32_0 = arith.constant 0 : i32
    %c0_i32_1 = arith.constant 0 : i32
    return %c0_i32, %c0_i32_0 : i32, i32
  }
  func.func @transform_3(%arg0: i32) -> (i32, i32) {
    %c0_i32 = arith.constant 0 : i32
    %c0_i32_0 = arith.constant 0 : i32
    %c0_i32_1 = arith.constant 0 : i32
    return %c0_i32, %c0_i32_0 : i32, i32
  }
  func.func @transform_4(%arg0: i32) -> (i32, i32) {
    %c0_i32 = arith.constant 0 : i32
    %c0_i32_0 = arith.constant 0 : i32
    %c0_i32_1 = arith.constant 0 : i32
    return %c0_i32, %c0_i32_0 : i32, i32
  }
  func.func @transform_5(%arg0: i32) -> (i32, i32) {
    %c0_i32 = arith.constant 0 : i32
    %c0_i32_0 = arith.constant 0 : i32
    %c0_i32_1 = arith.constant 0 : i32
    return %c0_i32, %c0_i32_0 : i32, i32
  }
  func.func @transform_6(%arg0: i32) -> (i32, i32) {
    %c0_i32 = arith.constant 0 : i32
    %c0_i32_0 = arith.constant 0 : i32
    %c0_i32_1 = arith.constant 0 : i32
    return %c0_i32, %c0_i32_0 : i32, i32
  }
  func.func @transform_7(%arg0: i32) -> (i32, i32) {
    %c0_i32 = arith.constant 0 : i32
    %c0_i32_0 = arith.constant 0 : i32
    %c0_i32_1 = arith.constant 0 : i32
    return %c0_i32, %c0_i32_0 : i32, i32
  }
  func.func @transform_8(%arg0: i32) -> (i32, i32) {
    %c0_i32 = arith.constant 0 : i32
    %c0_i32_0 = arith.constant 0 : i32
    %c0_i32_1 = arith.constant 0 : i32
    return %c0_i32, %c0_i32_0 : i32, i32
  }
  func.func @transform_9(%arg0: i32) -> (i32, i32) {
    %c0_i32 = arith.constant 0 : i32
    %c0_i32_0 = arith.constant 0 : i32
    %c0_i32_1 = arith.constant 0 : i32
    return %c0_i32, %c0_i32_0 : i32, i32
  }
  func.func @transform_10(%arg0: i32) -> (i32, i32) {
    %c0_i32 = arith.constant 0 : i32
    %c0_i32_0 = arith.constant 0 : i32
    %c0_i32_1 = arith.constant 0 : i32
    return %c0_i32, %c0_i32_0 : i32, i32
  }
  func.func @transform_11(%arg0: i32) -> (i32, i32) {
    %c0_i32 = arith.constant 0 : i32
    %c0_i32_0 = arith.constant 0 : i32
    %c0_i32_1 = arith.constant 0 : i32
    return %c0_i32, %c0_i32_0 : i32, i32
  }
  func.func @transform_12(%arg0: i32) -> (i32, i32) {
    %c0_i32 = arith.constant 0 : i32
    %c0_i32_0 = arith.constant 0 : i32
    %c0_i32_1 = arith.constant 0 : i32
    return %c0_i32, %c0_i32_0 : i32, i32
  }
  func.func @transform_13(%arg0: i32) -> (i32, i32) {
    %c0_i32 = arith.constant 0 : i32
    %c0_i32_0 = arith.constant 0 : i32
    %c0_i32_1 = arith.constant 0 : i32
    return %c0_i32, %c0_i32_0 : i32, i32
  }
  func.func @transform_14(%arg0: i32) -> (i32, i32) {
    %c0_i32 = arith.constant 0 : i32
    %c0_i32_0 = arith.constant 0 : i32
    %c0_i32_1 = arith.constant 0 : i32
    return %c0_i32, %c0_i32_0 : i32, i32
  }
  func.func @transform_15(%arg0: i32) -> (i32, i32) {
    %c0_i32 = arith.constant 0 : i32
    %c0_i32_0 = arith.constant 0 : i32
    %c0_i32_1 = arith.constant 0 : i32
    return %c0_i32, %c0_i32_0 : i32, i32
  }
  func.func @transform_16(%arg0: i32) -> (i32, i32) {
    %c0_i32 = arith.constant 0 : i32
    %c0_i32_0 = arith.constant 0 : i32
    %c0_i32_1 = arith.constant 0 : i32
    return %c0_i32, %c0_i32_0 : i32, i32
  }
  func.func @transform_17(%arg0: i32) -> (i32, i32) {
    %c0_i32 = arith.constant 0 : i32
    %c0_i32_0 = arith.constant 0 : i32
    %c0_i32_1 = arith.constant 0 : i32
    return %c0_i32, %c0_i32_0 : i32, i32
  }
  func.func @transform_18(%arg0: i32) -> (i32, i32) {
    %c0_i32 = arith.constant 0 : i32
    %c0_i32_0 = arith.constant 0 : i32
    %c0_i32_1 = arith.constant 0 : i32
    return %c0_i32, %c0_i32_0 : i32, i32
  }
  func.func @transform_19(%arg0: i32) -> (i32, i32) {
    %c0_i32 = arith.constant 0 : i32
    %c0_i32_0 = arith.constant 0 : i32
    %c0_i32_1 = arith.constant 0 : i32
    return %c0_i32, %c0_i32_0 : i32, i32
  }
  func.func @transform_20(%arg0: i32) -> (i32, i32) {
    %c0_i32 = arith.constant 0 : i32
    %c0_i32_0 = arith.constant 0 : i32
    %c0_i32_1 = arith.constant 0 : i32
    return %c0_i32, %c0_i32_0 : i32, i32
  }
  func.func @transform_21(%arg0: i32) -> (i32, i32) {
    %c0_i32 = arith.constant 0 : i32
    %c0_i32_0 = arith.constant 0 : i32
    %c0_i32_1 = arith.constant 0 : i32
    return %c0_i32, %c0_i32_0 : i32, i32
  }
  func.func @transform_22(%arg0: i32) -> (i32, i32) {
    %c0_i32 = arith.constant 0 : i32
    %c0_i32_0 = arith.constant 0 : i32
    %c0_i32_1 = arith.constant 0 : i32
    return %c0_i32, %c0_i32_0 : i32, i32
  }
  func.func @transform_23(%arg0: i32) -> (i32, i32) {
    %c0_i32 = arith.constant 0 : i32
    %c0_i32_0 = arith.constant 0 : i32
    %c0_i32_1 = arith.constant 0 : i32
    return %c0_i32, %c0_i32_0 : i32, i32
  }
  func.func @transform_24(%arg0: i32) -> (i32, i32) {
    %c0_i32 = arith.constant 0 : i32
    %c0_i32_0 = arith.constant 0 : i32
    %c0_i32_1 = arith.constant 0 : i32
    return %c0_i32, %c0_i32_0 : i32, i32
  }
  func.func @transform_25(%arg0: i32) -> (i32, i32) {
    %c0_i32 = arith.constant 0 : i32
    %c0_i32_0 = arith.constant 0 : i32
    %c0_i32_1 = arith.constant 0 : i32
    return %c0_i32, %c0_i32_0 : i32, i32
  }
  func.func @transform_26(%arg0: i32) -> (i32, i32) {
    %c0_i32 = arith.constant 0 : i32
    %c0_i32_0 = arith.constant 0 : i32
    %c0_i32_1 = arith.constant 0 : i32
    return %c0_i32, %c0_i32_0 : i32, i32
  }
  func.func @transform_27(%arg0: i32) -> (i32, i32) {
    %c0_i32 = arith.constant 0 : i32
    %c0_i32_0 = arith.constant 0 : i32
    %c0_i32_1 = arith.constant 0 : i32
    return %c0_i32, %c0_i32_0 : i32, i32
  }
  func.func @transform_28(%arg0: i32) -> (i32, i32) {
    %c0_i32 = arith.constant 0 : i32
    %c0_i32_0 = arith.constant 0 : i32
    %c0_i32_1 = arith.constant 0 : i32
    return %c0_i32, %c0_i32_0 : i32, i32
  }
  func.func @transform_29(%arg0: i32) -> (i32, i32) {
    %c0_i32 = arith.constant 0 : i32
    %c0_i32_0 = arith.constant 0 : i32
    %c0_i32_1 = arith.constant 0 : i32
    return %c0_i32, %c0_i32_0 : i32, i32
  }
  func.func @transform_30(%arg0: i32) -> (i32, i32) {
    %c0_i32 = arith.constant 0 : i32
    %c0_i32_0 = arith.constant 0 : i32
    %c0_i32_1 = arith.constant 0 : i32
    return %c0_i32, %c0_i32_0 : i32, i32
  }
  func.func @transform_31(%arg0: i32) -> (i32, i32) {
    %c0_i32 = arith.constant 0 : i32
    %c0_i32_0 = arith.constant 0 : i32
    %c0_i32_1 = arith.constant 0 : i32
    return %c0_i32, %c0_i32_0 : i32, i32
  }
  func.func @transform_32(%arg0: i32) -> (i32, i32) {
    %c0_i32 = arith.constant 0 : i32
    %c0_i32_0 = arith.constant 0 : i32
    return %arg0, %c0_i32 : i32, i32
  }
  func.func @transform_33(%arg0: i32) -> (i32, i32) {
    %c0_i32 = arith.constant 0 : i32
    %c0_i32_0 = arith.constant 0 : i32
    return %arg0, %c0_i32 : i32, i32
  }
  func.func @transform_34(%arg0: i32) -> (i32, i32) {
    %c0_i32 = arith.constant 0 : i32
    %c0_i32_0 = arith.constant 0 : i32
    return %arg0, %c0_i32 : i32, i32
  }
}

</mosaic_0001>

<sc_bundles>
// kernel: kernel.9.cloned.1.call-start
scs
__scs_entry_jumppad:
0x0: {  	(pc) =	sbr.rel $0x88, $3  }
0x1: {  	(tag) =	ssettag $0x0;
	lr =	simm.s32 $0x1  }
0x2: {  	[smem:$0x3F83] =	sst lr;
	_ =	strace $0xD0000000  }
0x3: {  	_ = 	snop  }
0x4: {  	_ = 	snop  }
0x5: {  	_ = 	snop  }
0x6: {  	_ = 	snop  }
0x7: {  	_ = 	snop  }
__scs_overlays_trampoline_lowered:
0x8: {  	[smem:$0x3F92] =	sst s0  }
0x9: {  	[smem:$0x3F93] =	sst s1  }
0xa: {  	[smem:$0x3F94] =	sst s2  }
0xb: {  	[smem:$0x3F95] =	sst s3  }
0xc: {  	[smem:$0x3F96] =	sst s4  }
0xd: {  	[smem:$0x3F97] =	sst s5  }
0xe: {  	[smem:$0x3F98] =	sst s6  }
0xf: {  	[smem:$0x3F99] =	sst s7  }
0x10: {  	[smem:$0x3F9A] =	sst s8  }
0x11: {  	[smem:$0x3F9B] =	sst s9;
	s0 =	simm.s32 @!p0 $0x0  }
0x12: {  	s1 =	sld [smem:$0x3F81];
	s0 =	simm.s32 @p0 $0x1  }
0x13: {  	[smem:$0x3F9C] =	sst s0;
	s0 =	simm.s32 @!p1 $0x0  }
0x14: {  	s2 =	sld [smem:$0x3F80];
	s0 =	simm.s32 @p1 $0x1  }
0x15: {  	[smem:$0x3F9D] =	sst s0;
	s0 =	simm.s32 @!p2 $0x0  }
0x16: {  	s3 =	sld [smem:$0x3FDB];
	s0 =	simm.s32 @p2 $0x1  }
0x17: {  	s4 =	simm.s32 $0x1BF5;
	[smem:$0x3F9F] =	sst s0  }
0x18: {  	s0 =	sld [smem:$0x3F82];
	_ =	swait.ge [sflag:s4], $0x0  }
0x19: {  	s7 =	sld [smem:$0x3F83]  }
0x1a: {  	s8 =	sadd.s32 $0xFFFFE003, lr  }
0x1b: {  	s9 =	sadd.s32 $0xFFFFFEF7, lr;
	s5 =	simm.s32 $0xFFFFFFFF;
	p2 =	slt.u32 s8, $0xFFFFF086  }
0x1c: {  	p1 =	slt.u32 s9, $0xF7A;
	s5 =	simm.s32 @!p2 $0x0  }
0x1d: {  	s5 =	simm.s32 @p1 $0x1;
	p0 =	seq.s32 s7, s2  }
0x1e: {  	s7 =	smul.u32 @!p0 $0xF7A, s2;
	p2 =	seq.s32 @!p0 s5, $0x0  }
0x1f: {  	s9 =	smul.u32 $0xF7A, s1;
	s8 =	simm.s32 @!p0 $0x1BF5;
	p2 =	por !p2, p0  }
0x20: {  	[sflag:s8] =	ssyncset.s32 @!p0 $0xFFFFF086;
	s6 =	sadd.s32 @!p0 s3, s7;
	s7 =	simm.s32 @!p0 $0x108  }
0x21: {  	s3 =	sadd.s32 s3, s9;
	s6 =	sadd.s32 @!p0 $0x88, s6;
	s7 =	simm.s32 @p2 $0x1082  }
0x22: {  	[simem:s7], [sflag:s8] =	dma.local @!p0 [hbm:s6], $0xF7A  }
0x23: {  	s9 =	sor.u32 $0xD0000000, s2;
	s6 =	simm.s32 $0x108;
	_ =	swait.ge @!p0 [sflag:s8], $0x0  }
0x24: {  	s3 =	sadd.s32 $0x88, s3;
	s6 =	simm.s32 @!p1 $0x1082;
	[sflag:s4] =	ssyncset.s32 $0xFFFFF086  }
0x25: {  	[simem:s6], [sflag:s4] =	dma.local [hbm:s3], $0xF7A  }
0x26: {  	[smem:$0x3F83] =	sst s1;
	(tag) =	ssettag s2;
	_ =	strace s9  }
0x27: {  	s1 =	sld [smem:$0x3F93]  }
0x28: {  	s2 =	sld [smem:$0x3F94]  }
0x29: {  	s4 =	sld [smem:$0x3F96]  }
0x2a: {  	p0 =	seq.s32 s5, $0x0;
	s5 =	sld [smem:$0x3F97]  }
0x2b: {  	s6 =	sld [smem:$0x3F98]  }
0x2c: {  	s7 =	sld [smem:$0x3F99]  }
0x2d: {  	s3 =	simm.s32 $0x108;
	s8 =	sld [smem:$0x3F9A]  }
0x2e: {  	s3 =	simm.s32 @!p0 $0x1082;
	s9 =	sld [smem:$0x3F9B]  }
0x2f: {  	lr =	sadd.s32 s0, s3;
	s0 =	sld [smem:$0x3F92]  }
0x30: {  	s3 =	sld [smem:$0x3F95]  }
0x31: {  	[smem:$0x3F9E] =	sst s10  }
0x32: {  	s10 =	sld [smem:$0x3F9C];
	_ =	sdelay $0x3  }
0x33: {  	p0 =	seq.s32 s10, $0x1;
	s10 =	sld [smem:$0x3F9E];
	_ =	sdelay $0x3  }
0x34: {  	[smem:$0x3F9E] =	sst s10  }
0x35: {  	s10 =	sld [smem:$0x3F9D];
	_ =	sdelay $0x3  }
0x36: {  	p1 =	seq.s32 s10, $0x1;
	s10 =	sld [smem:$0x3F9E];
	_ =	sdelay $0x3  }
0x37: {  	[smem:$0x3F9E] =	sst s10  }
0x38: {  	s10 =	sld [smem:$0x3F9F]  }
0x39: {  	_ = 	snop;
	(pc) =	sbr.ind lr, $3  }
0x3a: {  	_ = 	snop  }
0x3b: {  	_ = 	snop  }
0x3c: {  	p2 =	seq.s32 s10, $0x1;
	s10 =	sld [smem:$0x3F9E]  }
0x3d: {  	_ =	shalt  }
0x3e: {  	_ =	shalt  }
0x3f: {  	_ =	shalt  }
0x40: {  	_ =	shalt  }
0x41: {  	_ =	shalt  }
0x42: {  	_ =	shalt  }
0x43: {  	_ =	shalt  }
0x44: {  	_ =	shalt  }
0x45: {  	_ =	shalt  }
0x46: {  	_ =	shalt  }
0x47: {  	_ =	shalt  }
0x48: {  	_ =	shalt  }
0x49: {  	_ =	shalt  }
0x4a: {  	_ =	shalt  }
0x4b: {  	_ =	shalt  }
0x4c: {  	_ =	shalt  }
0x4d: {  	_ =	shalt  }
0x4e: {  	_ =	shalt  }
0x4f: {  	_ =	shalt  }
0x50: {  	_ =	shalt  }
0x51: {  	_ =	shalt  }
0x52: {  	_ =	shalt  }
0x53: {  	_ =	shalt  }
0x54: {  	_ =	shalt  }
0x55: {  	_ =	shalt  }
0x56: {  	_ =	shalt  }
0x57: {  	_ =	shalt  }
0x58: {  	_ =	shalt  }
0x59: {  	_ =	shalt  }
0x5a: {  	_ =	shalt  }
0x5b: {  	_ =	shalt  }
0x5c: {  	_ =	shalt  }
0x5d: {  	_ =	shalt  }
0x5e: {  	_ =	shalt  }
0x5f: {  	_ =	shalt  }
0x60: {  	_ =	shalt  }
0x61: {  	_ =	shalt  }
0x62: {  	_ =	shalt  }
0x63: {  	_ =	shalt  }
0x64: {  	_ =	shalt  }
0x65: {  	_ =	shalt  }
0x66: {  	_ =	shalt  }
0x67: {  	_ =	shalt  }
0x68: {  	_ =	shalt  }
0x69: {  	_ =	shalt  }
0x6a: {  	_ =	shalt  }
0x6b: {  	_ =	shalt  }
0x6c: {  	_ =	shalt  }
0x6d: {  	_ =	shalt  }
0x6e: {  	_ =	shalt  }
0x6f: {  	_ =	shalt  }
0x70: {  	_ =	shalt  }
0x71: {  	_ =	shalt  }
0x72: {  	_ =	shalt  }
0x73: {  	_ =	shalt  }
0x74: {  	_ =	shalt  }
0x75: {  	_ =	shalt  }
0x76: {  	_ =	shalt  }
0x77: {  	_ =	shalt  }
0x78: {  	_ =	shalt  }
0x79: {  	_ =	shalt  }
0x7a: {  	_ =	shalt  }
0x7b: {  	_ =	shalt  }
0x7c: {  	_ =	shalt  }
0x7d: {  	_ =	shalt  }
0x7e: {  	_ =	shalt  }
0x7f: {  	_ =	shalt  }
0x80: {  	_ =	shalt  }
0x81: {  	_ =	shalt  }
0x82: {  	_ =	shalt  }
0x83: {  	_ =	shalt  }
0x84: {  	_ =	shalt  }
0x85: {  	_ =	shalt  }
0x86: {  	_ =	shalt  }
0x87: {  	_ =	shalt  }
.Lfunc_end0:
.L_simem_size_0:
called_computation_lowered:
.L_overlay_start_0:
0x88: {  	s2 =	sld [smem:$0x3FD9]  }
0x89: {  	s3 =	sld [smem:$0x3FFE];
	_ =	sdelay $0x1  }
0x8a: {  	s1 =	srdreg.scid  }
0x8b: {  	s0 =	sand.u32 $0x1, s1  }
0x8c: {  	s14 =	sshll.u32 s0, $0xA;
	s2 =	sadd.s32 s3, s2  }
0x8d: {  	s2 =	sadd.s32 s2, s14  }
0x8e: {  	[smem:$0x3FAA] =	sst s2  }
0x8f: {  	_ = 	snop  }
0x90: {  	s2 =	sld [smem:$0x3FD0];
	_ =	sdelay $0x2  }
0x91: {  	s15 =	simm.s32 $0xA;
	s4 =	simm.s32 $0x10  }
0x92: {  	[smem:s4], [sflag:s15] =	dma.local [hbm:s2], $0x1  }
0x93: {  	_ =	swait.eq [sflag:s15], $0x1  }
0x94: {  	[sflag:s15] =	ssyncset.done $0x0  }
0x95: {  	[sflag:s15] =	ssyncadd.s32 $0xFFFFFFFF  }
0x96: {  	s16 =	sld [smem:$0x11];
	(tm) =	ssettm $0x1  }
0x97: {  	s17 =	sld [smem:$0x3FFB];
	_ =	sdelay $0x3  }
0x98: {  	_ =	strace s17  }
0x99: {  	s3 =	sld [smem:$0x3FFC];
	_ =	sdelay $0x3  }
0x9a: {  	_ =	strace s3  }
0x9b: {  	s3 =	sld [smem:$0x3FFD];
	_ =	sdelay $0x3  }
0x9c: {  	_ =	strace s3  }
0x9d: {  	_ =	strace $0x8FFFFFFF  }
0x9e: {  	s18 =	sld [smem:$0x3FDB];
	_ =	sdelay $0x1  }
0x9f: {  	s19 =	simm.s32 $_scs_section_size  }
0xa0: {  	s5 =	simm.s32 $_size__tile_overlayer_lowered;
	s6 =	simm.s32 $_tile_overlayer_lowered  }
0xa1: {  	s22 =	simm.s32 $0x1BFF;
	s21 =	sshll.u32 s6, $0x1;
	s3 =	sadd.s32 s19, s18  }
0xa2: {  	s7 =	simm.s32 $0x0;
	s20 =	sshll.u32 s5, $0x1;
	s5 =	sadd.s32 s21, s3  }
0xa3: {  	[timem:s7], [sflag:s22] =	dma.local [hbm:s5], s20  }
0xa4: {  	_ =	swait.ge [sflag:s22], s20  }
0xa5: {  	s4 =	ssub.s32 $0x0, s20;
	[sflag:s22] =	ssyncset.done $0x0  }
0xa6: {  	[sflag:s22] =	ssyncadd.s32 s4;
	_ =	sdelay $0x1  }
0xa7: {  	s23 =	simm.s32 $0x1B8B  }
0xa8: {  	_ =	swait.ge [sflag:s23], $0x1  }
0xa9: {  	[sflag:s23] =	ssyncset.done $0x0  }
0xaa: {  	s25 =	simm.s32 $0x1B8E;
	s24 =	sld [smem:$0x3FFE];
	[sflag:s23] =	ssyncadd.s32 $0xFFFFFFFF  }
0xab: {  	s26 =	simm.s32 $execute0_lowered;
	[smem:$0x3FD2] =	sst s25  }
0xac: {  	s5 =	sshll.u32 s26, $0x1;
	_ =	strace $0x80000046;
	[dreg:$0x1] =	wrdreg $0xFFFFFFFF  }
0xad: {  	s28 =	simm.s32 $_size_execute0_lowered;
	s3 =	sadd.s32 s3, s5;
	[dreg:$0x0] =	wrdreg $0x0  }
0xae: {  	s5 =	sshll.u32 s28, $0x1;
	[dreg:$0x2] =	wrdreg s3  }
0xaf: {  	[dreg:$0x3] =	wrdreg s5  }
0xb0: {  	[dreg:$0x4] =	wrdreg $0xC0  }
0xb1: {  	_ =	task [dreg:s7], $0x5FFFF  }
0xb2: {  	[dreg:$0x1] =	wrdreg $0xFFFFFFFF  }
0xb3: {  	[dreg:$0x0] =	wrdreg $0x60  }
0xb4: {  	[dreg:$0x2] =	wrdreg s16  }
0xb5: {  	[dreg:$0x3] =	wrdreg s24  }
0xb6: {  	[dreg:$0x4] =	wrdreg $0x9  }
0xb7: {  	_ =	task.clear_ibuf [dreg:s7], $0x5FFFF;
	_ =	strace $0x90000046  }
0xb8: {  	s29 =	simm.s32 $0x9;
	_ =	strace $0x80000048  }
0xb9: {  	_ =	swait.ge [sflag:s29], $0x1  }
0xba: {  	[sflag:s29] =	ssyncadd.s32 $0xFFFFFFFF  }
0xbb: {  	_ =	strace $0x90000048  }
0xbc: {  	_ =	sfence  }
0xbd: {  	s30 =	sld [smem:$0x0];
	_ =	sdelay $0x2  }
0xbe: {  	s31 =	sshll.u32 s1, $0xD;
	s1 =	sshrl.u32 s1, $0x2  }
0xbf: {  	s3 =	sand.u32 $0x4000, s31;
	s1 =	sadd.s32 s1, s30  }
0xc0: {  	s0 =	sor.u32 s3, s0;
	s1 =	sshll.u32 s1, $0x11  }
0xc1: {  	s0 =	sor.u32 s1, s0  }
0xc2: {  	s0 =	sadd.s32 $0x8F2B, s0  }
0xc3: {  	[sflag:s0] =	ssyncadd.remote.s32 $0x1  }
0xc4: {  	_ =	sfence.sel $0xFFFF  }
0xc5: {  	[dreg:$0x0] =	wrdreg $0xFFFFFFFF;
	(pc) =	sbr.abs _section_cstart, $3  }
0xc6: {  	[dreg:$0x1] =	wrdreg $0xFFFFFFFF  }
0xc7: {  	_ =	task.clear_ibuf [dreg:s7], $0x2FFFF;
	_ =	strace $0x9FFFFFFF  }
0xc8: {  	(tm) =	ssettm $0x7FFFFFFF  }
0xc9: {  	_ =	shalt  }
tec
execute0_lowered:
.L_overlay_start_1:
0x0: {  	(tag) =	ssettag $0x1  }
0x1: {  	s1 =	srdreg.scid  }
0x2: {  	s2 =	rddreg [dreg:$0x0];
	s0 =	stileid.u32;
	s14 =	sand.u32 $0x1, s1  }
0x3: {  	s8 =	rddreg [dreg:$0x1];
	s4 =	sshll.u32 s0, $0xE;
	s5 =	sshll.u32 s14, $0xD  }
0x4: {  	s3 =	simm.s32 $0x0;
	s1 =	rddreg [dreg:$0x2];
	s13 =	sor.u32 s5, s4  }
0x5: {  	[smem:$0x7FF] =	sst s3;
	s15 =	sadd.s32 $0x4400, s8;
	s4 =	sshrl.u32 s13, $0x3  }
0x6: {  	_ =	strace $0x80000047;
	s5 =	sadd.s32 s15, s4;
	s4 =	simm.s32 $0x2  }
0x7: {  	[tilespmem:s3], [sflag:$0x2] =	stream.linear.gather [hbm4b:s5+s3], $0x800, $0x38;
	[tilespmem:$0x8800] =	vst v63  }
0x8: {  	_ =	swait.ge [sflag:s4], $0x800  }
0x9: {  	[sflag:s4] =	ssyncset.done $0x0  }
0xa: {  	s6 =	simm.s32 $0x800;
	s7 =	simm.s32 $0x1;
	[sflag:s4] =	ssyncadd.s32 $0xFFFFF800  }
0xb: {  	[tilespmem:s6], [sflag:$0x1] =	stream.indirect.gather [hbm4b:s2+s6], $0x10, s3, s6, $0xb8;
	[tilespmem:$0x8800] =	vst v63  }
0xc: {  	_ =	swait.ge [sflag:s7], $0x8000  }
0xd: {  	s16 =	sadd.s32 $0xC400, s8;
	s29 =	sshll.u32 s13, $0x1;
	[sflag:s7] =	ssyncset.done $0x0  }
0xe: {  	s8 =	sadd.s32 s16, s29;
	[sflag:s7] =	ssyncadd.s32 $0xFFFF8000  }
0xf: {  	[hbm4b:s8+s3] =	stream.linear.scatter [tilespmem:s6], [sflag:$0x2], $0x8000, $0x38;
	[tilespmem:$0x8800] =	vst v63  }
0x10: {  	s10 =	sor.u32 $0x800, s13;
	_ =	swait.ge [sflag:s4], $0x8000  }
0x11: {  	s9 =	sshrl.u32 s10, $0x3;
	[sflag:s4] =	ssyncset.done $0x0  }
0x12: {  	s9 =	sadd.s32 s15, s9;
	[sflag:s4] =	ssyncadd.s32 $0xFFFF8000  }
0x13: {  	[tilespmem:s3], [sflag:$0x2] =	stream.linear.gather [hbm4b:s9+s3], $0x800, $0x38;
	[tilespmem:$0x8800] =	vst v63  }
0x14: {  	_ =	swait.ge [sflag:s4], $0x800  }
0x15: {  	[sflag:s4] =	ssyncset.done $0x0  }
0x16: {  	[sflag:s4] =	ssyncadd.s32 $0xFFFFF800  }
0x17: {  	[tilespmem:s6], [sflag:$0x1] =	stream.indirect.gather [hbm4b:s2+s6], $0x10, s3, s6, $0xb8;
	[tilespmem:$0x8800] =	vst v63  }
0x18: {  	_ =	swait.ge [sflag:s7], $0x8000  }
0x19: {  	s10 =	sshll.u32 s10, $0x1;
	[sflag:s7] =	ssyncset.done $0x0  }
0x1a: {  	s10 =	sadd.s32 s16, s10;
	[sflag:s7] =	ssyncadd.s32 $0xFFFF8000  }
0x1b: {  	[hbm4b:s10+s3] =	stream.linear.scatter [tilespmem:s6], [sflag:$0x2], $0x8000, $0x38;
	[tilespmem:$0x8800] =	vst v63  }
0x1c: {  	s12 =	sor.u32 $0x1000, s13;
	_ =	swait.ge [sflag:s4], $0x8000  }
0x1d: {  	s11 =	sshrl.u32 s12, $0x3;
	[sflag:s4] =	ssyncset.done $0x0  }
0x1e: {  	s11 =	sadd.s32 s15, s11;
	[sflag:s4] =	ssyncadd.s32 $0xFFFF8000  }
0x1f: {  	[tilespmem:s3], [sflag:$0x2] =	stream.linear.gather [hbm4b:s11+s3], $0x800, $0x38;
	[tilespmem:$0x8800] =	vst v63  }
0x20: {  	_ =	swait.ge [sflag:s4], $0x800  }
0x21: {  	[sflag:s4] =	ssyncset.done $0x0  }
0x22: {  	[sflag:s4] =	ssyncadd.s32 $0xFFFFF800  }
0x23: {  	[tilespmem:s6], [sflag:$0x1] =	stream.indirect.gather [hbm4b:s2+s6], $0x10, s3, s6, $0xb8;
	[tilespmem:$0x8800] =	vst v63  }
0x24: {  	_ =	swait.ge [sflag:s7], $0x8000  }
0x25: {  	s12 =	sshll.u32 s12, $0x1;
	[sflag:s7] =	ssyncset.done $0x0  }
0x26: {  	s12 =	sadd.s32 s16, s12;
	[sflag:s7] =	ssyncadd.s32 $0xFFFF8000  }
0x27: {  	[hbm4b:s12+s3] =	stream.linear.scatter [tilespmem:s6], [sflag:$0x2], $0x8000, $0x38;
	[tilespmem:$0x8800] =	vst v63  }
0x28: {  	s17 =	sor.u32 $0x1800, s13;
	_ =	swait.ge [sflag:s4], $0x8000  }
0x29: {  	s13 =	sshrl.u32 s17, $0x3;
	[sflag:s4] =	ssyncset.done $0x0  }
0x2a: {  	s14 =	ssub.s32 $0x2, s14;
	s13 =	sadd.s32 s15, s13;
	[sflag:s4] =	ssyncadd.s32 $0xFFFF8000  }
0x2b: {  	[tilespmem:s3], [sflag:$0x2] =	stream.linear.gather [hbm4b:s13+s3], $0x800, $0x38;
	[tilespmem:$0x8800] =	vst v63  }
0x2c: {  	s30 =	sshrl.u32 s14, $0x1;
	_ =	swait.ge [sflag:s4], $0x800  }
0x2d: {  	s15 =	ssub.s32 s14, s30;
	[sflag:s4] =	ssyncset.done $0x0  }
0x2e: {  	s15 =	smax.u32 s15, $0x1;
	[sflag:s4] =	ssyncadd.s32 $0xFFFFF800  }
0x2f: {  	[tilespmem:s6], [sflag:$0x1] =	stream.indirect.gather [hbm4b:s2+s6], $0x10, s3, s6, $0xb8;
	[tilespmem:$0x8800] =	vst v63  }
0x30: {  	p0 =	sne.s32 s15, $0x1;
	_ =	swait.ge [sflag:s7], $0x8000  }
.Ltmp0:
0x31: {  	s31 =	sshll.u32 s17, $0x1;
	[sflag:s7] =	ssyncset.done $0x0;
	(pc) =	sbr.rel @!p0 .LBB2_2-.Ltmp0, $4  }
0x32: {  	s14 =	sadd.s32 s16, s31;
	[sflag:s7] =	ssyncadd.s32 $0xFFFF8000  }
0x33: {  	[hbm4b:s14+s3] =	stream.linear.scatter [tilespmem:s6], [sflag:$0x2], $0x8000, $0x38;
	[tilespmem:$0x8800] =	vst v63  }
0x34: {  	_ =	swait.ge [sflag:s4], $0x8000  }
0x35: {  	s15 =	sadd.s32 $0xFFFFFFFF, s15;
	[sflag:s4] =	ssyncset.done $0x0  }
.LBB2_1:
0x36: {  	p0 =	sne.s32 s15, $0x1;
	s15 =	sadd.s32 $0xFFFFFFFF, s15;
	[sflag:s4] =	ssyncadd.s32 $0xFFFF8000  }
0x37: {  	[tilespmem:s3], [sflag:$0x2] =	stream.linear.gather [hbm4b:s5+s3], $0x800, $0x38;
	[tilespmem:$0x8800] =	vst v63  }
0x38: {  	_ =	swait.ge [sflag:s4], $0x800  }
0x39: {  	[sflag:s4] =	ssyncset.done $0x0  }
0x3a: {  	[sflag:s4] =	ssyncadd.s32 $0xFFFFF800  }
0x3b: {  	[tilespmem:s6], [sflag:$0x1] =	stream.indirect.gather [hbm4b:s2+s6], $0x10, s3, s6, $0xb8;
	[tilespmem:$0x8800] =	vst v63  }
0x3c: {  	_ =	swait.ge [sflag:s7], $0x8000  }
0x3d: {  	[sflag:s7] =	ssyncset.done $0x0  }
0x3e: {  	[sflag:s7] =	ssyncadd.s32 $0xFFFF8000  }
0x3f: {  	[hbm4b:s8+s3] =	stream.linear.scatter [tilespmem:s6], [sflag:$0x2], $0x8000, $0x38;
	[tilespmem:$0x8800] =	vst v63  }
0x40: {  	_ =	swait.ge [sflag:s4], $0x8000  }
0x41: {  	[sflag:s4] =	ssyncset.done $0x0  }
0x42: {  	[sflag:s4] =	ssyncadd.s32 $0xFFFF8000  }
0x43: {  	[tilespmem:s3], [sflag:$0x2] =	stream.linear.gather [hbm4b:s9+s3], $0x800, $0x38;
	[tilespmem:$0x8800] =	vst v63  }
0x44: {  	_ =	swait.ge [sflag:s4], $0x800  }
0x45: {  	[sflag:s4] =	ssyncset.done $0x0  }
0x46: {  	[sflag:s4] =	ssyncadd.s32 $0xFFFFF800  }
0x47: {  	[tilespmem:s6], [sflag:$0x1] =	stream.indirect.gather [hbm4b:s2+s6], $0x10, s3, s6, $0xb8;
	[tilespmem:$0x8800] =	vst v63  }
0x48: {  	_ =	swait.ge [sflag:s7], $0x8000  }
0x49: {  	[sflag:s7] =	ssyncset.done $0x0  }
0x4a: {  	[sflag:s7] =	ssyncadd.s32 $0xFFFF8000  }
0x4b: {  	[hbm4b:s10+s3] =	stream.linear.scatter [tilespmem:s6], [sflag:$0x2], $0x8000, $0x38;
	[tilespmem:$0x8800] =	vst v63  }
0x4c: {  	_ =	swait.ge [sflag:s4], $0x8000  }
0x4d: {  	[sflag:s4] =	ssyncset.done $0x0  }
0x4e: {  	[sflag:s4] =	ssyncadd.s32 $0xFFFF8000  }
0x4f: {  	[tilespmem:s3], [sflag:$0x2] =	stream.linear.gather [hbm4b:s11+s3], $0x800, $0x38;
	[tilespmem:$0x8800] =	vst v63  }
0x50: {  	_ =	swait.ge [sflag:s4], $0x800  }
0x51: {  	[sflag:s4] =	ssyncset.done $0x0  }
0x52: {  	[sflag:s4] =	ssyncadd.s32 $0xFFFFF800  }
0x53: {  	[tilespmem:s6], [sflag:$0x1] =	stream.indirect.gather [hbm4b:s2+s6], $0x10, s3, s6, $0xb8;
	[tilespmem:$0x8800] =	vst v63  }
0x54: {  	_ =	swait.ge [sflag:s7], $0x8000  }
0x55: {  	[sflag:s7] =	ssyncset.done $0x0  }
0x56: {  	[sflag:s7] =	ssyncadd.s32 $0xFFFF8000  }
0x57: {  	[hbm4b:s12+s3] =	stream.linear.scatter [tilespmem:s6], [sflag:$0x2], $0x8000, $0x38;
	[tilespmem:$0x8800] =	vst v63  }
0x58: {  	_ =	swait.ge [sflag:s4], $0x8000  }
0x59: {  	[sflag:s4] =	ssyncset.done $0x0  }
0x5a: {  	[sflag:s4] =	ssyncadd.s32 $0xFFFF8000  }
0x5b: {  	[tilespmem:s3], [sflag:$0x2] =	stream.linear.gather [hbm4b:s13+s3], $0x800, $0x38;
	[tilespmem:$0x8800] =	vst v63  }
0x5c: {  	_ =	swait.ge [sflag:s4], $0x800  }
0x5d: {  	[sflag:s4] =	ssyncset.done $0x0  }
0x5e: {  	[sflag:s4] =	ssyncadd.s32 $0xFFFFF800  }
0x5f: {  	[tilespmem:s6], [sflag:$0x1] =	stream.indirect.gather [hbm4b:s2+s6], $0x10, s3, s6, $0xb8;
	[tilespmem:$0x8800] =	vst v63  }
0x60: {  	_ =	swait.ge [sflag:s7], $0x8000  }
.Ltmp1:
0x61: {  	[sflag:s7] =	ssyncset.done $0x0;
	(pc) =	sbr.rel @p0 .LBB2_1-.Ltmp1, $4  }
0x62: {  	[sflag:s7] =	ssyncadd.s32 $0xFFFF8000  }
0x63: {  	[hbm4b:s14+s3] =	stream.linear.scatter [tilespmem:s6], [sflag:$0x2], $0x8000, $0x38;
	[tilespmem:$0x8800] =	vst v63  }
0x64: {  	_ =	swait.ge [sflag:s4], $0x8000  }
0x65: {  	[sflag:s4] =	ssyncset.done $0x0  }
.LBB2_2:
0x66: {  	[sflag:s4] =	ssyncadd.s32 $0xFFFF8000  }
0x67: {  	_ =	sfence.sel $0x180000  }
0x68: {  	[bflag:$0x0] =	sbarrier.arrive $0xFFFF  }
0x69: {  	p0 =	sne.s32 s0, $0x0;
	_ =	strace $0x90000047  }
0x6a: {  	s0 =	sadd.s32 @!p0 $0x100000, s1;
	[bflag:$0x2] =	sbarrier.arrive $0xFFFF  }
0x6b: {  	[sflag:s0] =	ssyncadd.tile.s32 @!p0 $0x1;
	_ =	shalt  }
.Lfunc_end2:
_tile_overlayer_lowered:
.L_overlay_start_2:
0x6c: {  	(tag) =	ssettag $0x2  }
0x6d: {  	s0 =	rddreg [dreg:$0x0];
	s2 =	stileid.u32  }
0x6e: {  	s1 =	rddreg [dreg:$0x1];
	p0 =	sne.s32 s2, $0x0  }
0x6f: {  	s3 =	rddreg [dreg:$0x2];
	[bflag:$0x3] =	sbarrier.arrive $0xFFFF;
	s2 =	simm.s32 @!p0 $0x1C02  }
0x70: {  	[timem:s3], [sflag:s2] =	dma.local @!p0 [hbm:s0], s1  }
0x71: {  	s0 =	simm.s32 @!p0 $0x2  }
0x72: {  	_ =	swait.ge @!p0 [sflag:s0], s1  }
0x73: {  	s1 =	ssub.s32 @!p0 $0x0, s1;
	[sflag:s0] =	ssyncset.done @!p0 $0x0  }
0x74: {  	[sflag:s0] =	ssyncadd.s32 @!p0 s1  }
0x75: {  	[bflag:$0x3] =	sbarrier.arrive $0xFFFF  }
0x76: {  	_ =	shalt  }

</sc_bundles>
